<compile_context>
chip_gen: v7x
topology: tpu7x:2x2x1
jax: 0.10.2.dev20260603
libtpu: 0.0.44.dev20260713+nightly
codegen_flags: <defaults>
</compile_context>

<pallas_src>
import functools

import jax
import jax.numpy as jnp
from jax import lax
from jax.experimental import pallas as pl
from jax.experimental.pallas import tpu as pltpu
from jax.experimental.pallas import tpu_sc as plsc

EPS = 1e-5
LAM = 0.1
LN2 = 0.6931471805599453

NC = 2
NS = 16
NW = NC * NS
L = 16

NB = 8
NCH = 256
NH = 128
WDIM = 128

HSC = 64
HPW = HSC // 4
PPW = HPW * WDIM
CHC = 8
NCHUNK = NCH // CHC
NVEC = PPW // L
VPH = WDIM // L

HTC = NH - HSC
HB = 16
NHB = HTC // HB
NSTEP = NB * NHB


def _rsqrt(q):
    bits = lax.bitcast_convert_type(q, jnp.int32)
    y = lax.bitcast_convert_type(jnp.int32(0x5F3759DF) - (bits >> 1),
                                 jnp.float32)
    for _ in range(3):
        y = y * (1.5 - 0.5 * q * y * y)
    return y


def _log(v):
    bits = lax.bitcast_convert_type(v, jnp.int32)
    e = ((bits >> 23) - 127).astype(jnp.float32)
    m = lax.bitcast_convert_type((bits & 0x007FFFFF) | 0x3F800000,
                                 jnp.float32)
    s = (m - 1.0) / (m + 1.0)
    z = s * s
    p = s * (2.0 + z * (0.66666667 + z * (0.4 + z * (0.28571429
                                                     + z * 0.22222222))))
    return e * jnp.float32(LN2) + p


def _sc_body(x_hbm, t_hbm, pt_hbm, pk_hbm, out_hbm,
             ptbuf, pkbuf, tbuf, tcb, pn2buf, xbuf, assq, apd, obuf, sem):
    c = lax.axis_index("c")
    s = lax.axis_index("s")
    wid = s * NC + c
    b = wid // 4
    h0 = (wid % 4) * HPW

    pltpu.sync_copy(pt_hbm, ptbuf)
    pltpu.sync_copy(pk_hbm, pkbuf)
    pltpu.sync_copy(t_hbm.at[b, pl.ds(h0, HPW), :], tbuf)

    zeros = jnp.zeros((L,), jnp.float32)
    lanes = lax.iota(jnp.int32, L)

    @plsc.parallel_loop(0, NCH, unroll=4, carry=(zeros,) * 7)
    def pn2_acc(ch, accs):
        return tuple(
            acc + pv * pv
            for acc, pv in (
                (accs[cv],
                 plsc.load_gather(ptbuf, [lanes + (cv * L + ch * 100)]))
                for cv in range(7)))

    for cv in range(7):
        pn2buf[pl.ds(cv * L, L)] = pn2_acc[cv]

    def tprep(pv, _):
        h = pv // VPH
        wo = (pv % VPH) * L
        t16 = tbuf[h, pl.ds(wo, L)]
        tcb[pl.ds(pv * L, L)] = jnp.maximum(jnp.minimum(t16, 99), 0)
        return 0

    lax.fori_loop(0, NVEC, tprep, 0)

    def zloop(i, _):
        o = i * L
        assq[pl.ds(o, L)] = zeros
        apd[pl.ds(o, L)] = zeros
        return 0

    lax.fori_loop(0, NVEC, zloop, 0)

    def _src(cc):
        return x_hbm.at[b, pl.ds(cc * CHC, CHC), pl.ds(h0, HPW), :]

    def _process(cc, slot):
        cb2 = cc * ((CHC // 2) * 100)

        @plsc.parallel_loop(0, NVEC, unroll=4)
        def pvec(pv):
            o = pv * L
            h = pv // VPH
            wo = (pv % VPH) * L
            base2 = tcb[pl.ds(o, L)] + cb2
            sacc = zeros
            pacc = zeros
            for k2 in range(CHC // 2):
                w = plsc.load_gather(pkbuf, [base2 + k2 * 100])
                x0 = xbuf[slot, 2 * k2, h, pl.ds(wo, L)]
                x1 = xbuf[slot, 2 * k2 + 1, h, pl.ds(wo, L)]
                pe = lax.bitcast_convert_type(w << 16, jnp.float32)
                po = lax.bitcast_convert_type(w & jnp.int32(-65536),
                                              jnp.float32)
                sacc = sacc + (x0 * x0 + x1 * x1)
                pacc = pacc + (pe * x0 + po * x1)
            assq[pl.ds(o, L)] += sacc
            apd[pl.ds(o, L)] += pacc

    pltpu.async_copy(_src(0), xbuf.at[0], sem)
    pltpu.async_copy(_src(1), xbuf.at[1], sem)

    def chunk_pair(i, _):
        cc = i * 2
        for s in range(2):
            pltpu.make_async_copy(_src(cc + s), xbuf.at[s], sem).wait()
            _process(cc + s, s)

            @pl.when(cc + s + 2 < NCHUNK)
            def _prefetch():
                pltpu.async_copy(_src(cc + s + 2), xbuf.at[s], sem)

        return 0

    lax.fori_loop(0, NCHUNK // 2, chunk_pair, 0)

    @plsc.parallel_loop(0, NVEC, unroll=2, carry=(zeros, zeros))
    def epilogue(pv, carry):
        sv_acc, sm_acc = carry
        o = pv * L
        h = pv // VPH
        wo = (pv % VPH) * L
        q = assq[pl.ds(o, L)]
        pd = apd[pl.ds(o, L)]
        t16 = tbuf[h, pl.ds(wo, L)]
        pn = plsc.load_gather(pn2buf, [tcb[pl.ds(o, L)]])
        r = jnp.maximum(q * _rsqrt(q), 1e-15)
        th = 1.0 - 2.0 / (jnp.exp(2.0 * r) + 1.0)
        scale = th / r
        nx = th * th
        denom = jnp.maximum(1.0 - nx, EPS)
        sq = pn + nx - 2.0 * (scale * pd)
        val = _log(jnp.maximum(sq / denom, EPS)) - LAM * _log(denom)
        m = ((t16 != 255) & (t16 != -1)).astype(jnp.float32)
        return sv_acc + val * m, sm_acc + m

    sv, sm = epilogue
    obuf[0, :] = sv
    obuf[1, :] = sm
    pltpu.sync_copy(obuf, out_hbm.at[wid])


def _tc_body(xref, tref, pref, oref, acc):
    g = pl.program_id(0)
    X = xref[0].reshape(256, HB * 128)
    P = pref[...]
    t = tref[0].reshape(1, HB * 128)

    ssq = jnp.sum(X * X, axis=0, keepdims=True)
    S = jax.lax.dot_general(P, X, (((1,), (0,)), ((), ())),
                            preferred_element_type=jnp.float32)
    pn2 = jnp.sum(P * P, axis=1, keepdims=True)

    iot = jax.lax.broadcasted_iota(jnp.int32, (100, 1), 0)
    O = t == iot
    dsel = jnp.sum(jnp.where(O, S, 0.0), axis=0, keepdims=True)
    pn2sel = jnp.sum(jnp.where(O, jnp.broadcast_to(pn2, O.shape), 0.0),
                     axis=0, keepdims=True)

    r = jnp.maximum(jnp.sqrt(ssq), 1e-15)
    th = jnp.tanh(r)
    scale = th / r
    nx = th * th
    denom = jnp.maximum(1.0 - nx, EPS)
    sq = pn2sel + nx - 2.0 * (scale * dsel)
    val = jnp.log(jnp.maximum(sq / denom, EPS)) - LAM * jnp.log(denom)
    m = ((t != 255) & (t != -1)).astype(jnp.float32)

    @pl.when(g == 0)
    def _init():
        acc[0] = 0.0
        acc[1] = 0.0

    acc[0] += jnp.sum(val * m)
    acc[1] += jnp.sum(m)

    @pl.when(g == NSTEP - 1)
    def _fin():
        oref[0, 0] = acc[0]
        oref[0, 1] = acc[1]


def _reduce_body(scref, tcref, oref):
    sv = jnp.sum(scref[:, 0, :]) + tcref[0, 0]
    sm = jnp.sum(scref[:, 1, :]) + tcref[0, 1]
    oref[0, 0] = sv / sm


@functools.partial(jax.jit, static_argnums=())
def kernel(x, targets, protos):
    pt = jnp.transpose(protos)
    ptflat = pt.reshape(NCH * 100)
    ptb = pt.astype(jnp.bfloat16)
    eb = lax.bitcast_convert_type(ptb[0::2], jnp.uint16).astype(jnp.int32)
    ob = lax.bitcast_convert_type(ptb[1::2], jnp.uint16).astype(jnp.int32)
    pkflat = (eb | (ob << 16)).reshape((NCH // 2) * 100)

    mesh = plsc.VectorSubcoreMesh(core_axis_name="c", subcore_axis_name="s")
    sc_parts = pl.kernel(
        _sc_body,
        out_type=jax.ShapeDtypeStruct((NW, 2, L), jnp.float32),
        mesh=mesh,
        compiler_params=pltpu.CompilerParams(needs_layout_passes=False),
        scratch_types=[
            pltpu.VMEM((NCH * 100,), jnp.float32),
            pltpu.VMEM(((NCH // 2) * 100,), jnp.int32),
            pltpu.VMEM((HPW, WDIM), jnp.int32),
            pltpu.VMEM((PPW,), jnp.int32),
            pltpu.VMEM((7 * L,), jnp.float32),
            pltpu.VMEM((2, CHC, HPW, WDIM), jnp.float32),
            pltpu.VMEM((PPW,), jnp.float32),
            pltpu.VMEM((PPW,), jnp.float32),
            pltpu.VMEM((2, L), jnp.float32),
            pltpu.SemaphoreType.DMA,
        ],
    )(x, targets, ptflat, pkflat)

    tc_parts = pl.pallas_call(
        _tc_body,
        grid=(NSTEP,),
        in_specs=[
            pl.BlockSpec((1, 256, HB, 128),
                         lambda g: (g // NHB, 0, HSC // HB + g % NHB, 0)),
            pl.BlockSpec((1, HB, 128),
                         lambda g: (g // NHB, HSC // HB + g % NHB, 0)),
            pl.BlockSpec((100, 256), lambda g: (0, 0)),
        ],
        out_specs=pl.BlockSpec(memory_space=pltpu.SMEM),
        out_shape=jax.ShapeDtypeStruct((1, 2), jnp.float32),
        scratch_shapes=[pltpu.SMEM((2,), jnp.float32)],
    )(x, targets, protos)

    out = pl.pallas_call(
        _reduce_body,
        in_specs=[
            pl.BlockSpec((NW, 2, L), lambda: (0, 0, 0)),
            pl.BlockSpec(memory_space=pltpu.SMEM),
        ],
        out_specs=pl.BlockSpec(memory_space=pltpu.SMEM),
        out_shape=jax.ShapeDtypeStruct((1, 1), jnp.float32),
    )(sc_parts, tc_parts)
    return out[0, 0]

# --- scband reference (transcript-rebuilt; emitter-appended) ---
"""Pipeline reference for scband-busemann-loss-33131377722113 (READ-ONLY COPY).

The authoritative reference and input builder live on the scoring server;
editing this copy changes nothing except your own understanding.
"""

import jax, jax.numpy as jnp
import numpy as np

EPSILON = 1e-05
C = 1.0
LAMBDA = 0.1


def _expmap0(u, c):
    # geoopt PoincareBall.expmap0: tanh(sqrt(c)*||u||)/sqrt(c) * u/||u||
    sc = jnp.sqrt(c)
    norm = jnp.clip(jnp.linalg.norm(u, axis=-1, keepdims=True), 1e-15, None)
    return jnp.tanh(sc * norm) * u / (sc * norm)


def setup_inputs(seed: int = 0) -> dict:
    key = jax.random.key(seed)
    k1, k2, k3 = jax.random.split(key, 3)
    x = jax.random.normal(k1, (8, 256, 128, 128), dtype=jnp.float32)
    targets = jax.random.randint(k2, (8, 128, 128), 0, 100, dtype=jnp.int32)
    protos = jax.random.normal(k3, (100, 256), dtype=jnp.float32)
    protos = protos / jnp.linalg.norm(protos, axis=-1, keepdims=True)  # ideal points on the boundary
    return {"x": x, "targets": targets, "protos": protos}


def reference(x, targets, protos):
    c = jnp.float32(C)
    sc = jnp.sqrt(c)
    d = x.shape[1]
    assert d == protos.shape[-1]
    mask = (targets != 255) & (targets != -1)
    xp = jnp.transpose(x, (0, 2, 3, 1))
    xm = xp.reshape(-1, d)
    xm = _expmap0(xm, c)
    t = targets.reshape(-1)
    yp = protos[t].reshape(-1, d)
    nx = jnp.sum(xm ** 2, axis=-1)
    denom = jnp.clip(1.0 - c * nx, EPSILON, None)
    reg = LAMBDA * jnp.log(denom)
    busemann = jnp.log(jnp.clip(jnp.sum((yp - sc * xm) ** 2, axis=-1) / denom, EPSILON, None)) / sc
    vals = busemann - reg
    m = mask.reshape(-1).astype(vals.dtype)
    return jnp.sum(vals * m) / jnp.sum(m)

if __name__ == "__main__":
    import jax
    _d = setup_inputs()
    print(jax.jit(kernel)(*tuple(_d.values())))

</pallas_src>

<mosaic_0001>
#map = affine_map<(d0, d1) -> (0, 0, 0, 0)>
#map1 = affine_map<(d0, d1) -> (0, 0, 0)>
#map2 = affine_map<(d0, d1) -> (0)>
module attributes {stable_mosaic.version = 14 : i64} {
  func.func @_sc_body(%arg0: i32, %arg1: i32, %arg2: memref<8x256x128x128xf32, #tpu.memory_space<hbm>>, %arg3: memref<8x128x128xi32, #tpu.memory_space<hbm>>, %arg4: memref<25600xf32, #tpu.memory_space<hbm>>, %arg5: memref<12800xi32, #tpu.memory_space<hbm>>, %arg6: memref<32x2x16xf32, #tpu.memory_space<hbm>>, %arg7: memref<25600xf32, #tpu.memory_space<vmem>>, %arg8: memref<12800xi32, #tpu.memory_space<vmem>>, %arg9: memref<16x128xi32, #tpu.memory_space<vmem>>, %arg10: memref<2048xi32, #tpu.memory_space<vmem>>, %arg11: memref<112xf32, #tpu.memory_space<vmem>>, %arg12: memref<2x8x16x128xf32, #tpu.memory_space<vmem>>, %arg13: memref<2048xf32, #tpu.memory_space<vmem>>, %arg14: memref<2048xf32, #tpu.memory_space<vmem>>, %arg15: memref<2x16xf32, #tpu.memory_space<vmem>>, %arg16: memref<!tpu.dma_semaphore, #tpu.memory_space<semaphore_mem>>) attributes {dimension_semantics = [#tpu.dimension_semantics<core_parallel>, #tpu.dimension_semantics<subcore_parallel>], iteration_bounds = array<i64: 2, 16>, scalar_prefetch = 0 : i64, scratch_operands = 10 : i64, tpu.core_type = #tpu.core_type<sc_vector_subcore>, window_params = [{transform_indices = #map}, {transform_indices = #map1}, {transform_indices = #map2}, {transform_indices = #map2}, {transform_indices = #map1}]} {
    %mul3A = arith.constant 2 : i32
    %mul3A_0 = arith.muli %arg1, %mul3A : i32
    %add3A = arith.addi %mul3A_0, %arg0 : i32
    %jit3A = arith.constant 4 : i32
    %div3A = arith.divsi %add3A, %jit3A : i32
    %sign3A = arith.constant 0 : i32
    %sign3A_1 = arith.cmpi sgt, %add3A, %sign3A : i32
    %sign3A_2 = arith.extui %sign3A_1 : i1 to i32
    %sign3A_3 = arith.constant 0 : i32
    %sign3A_4 = arith.cmpi slt, %add3A, %sign3A_3 : i32
    %sign3A_5 = arith.extui %sign3A_4 : i1 to i32
    %sign3A_6 = arith.subi %sign3A_2, %sign3A_5 : i32
    %sign3A_7 = arith.constant 0 : i32
    %sign3A_8 = arith.cmpi sgt, %jit3A, %sign3A_7 : i32
    %sign3A_9 = arith.extui %sign3A_8 : i1 to i32
    %sign3A_10 = arith.constant 0 : i32
    %sign3A_11 = arith.cmpi slt, %jit3A, %sign3A_10 : i32
    %sign3A_12 = arith.extui %sign3A_11 : i1 to i32
    %sign3A_13 = arith.subi %sign3A_9, %sign3A_12 : i32
    %ne3A = arith.cmpi ne, %sign3A_6, %sign3A_13 : i32
    %rem3A = arith.remsi %add3A, %jit3A : i32
    %ne3A_14 = arith.constant 0 : i32
    %ne3A_15 = arith.cmpi ne, %rem3A, %ne3A_14 : i32
    %and3A = arith.andi %ne3A, %ne3A_15 : i1
    %sub3A = arith.constant 1 : i32
    %sub3A_16 = arith.subi %div3A, %sub3A : i32
    %select_n3A = arith.select %and3A, %sub3A_16, %div3A : i32
    %jit3A_17 = arith.constant 4 : i32
    %eq3A = arith.constant 0 : i32
    %eq3A_18 = arith.cmpi eq, %jit3A_17, %eq3A : i32
    %jit3A_19 = arith.constant 1 : i32
    %select_n3A_20 = arith.select %eq3A_18, %jit3A_19, %jit3A_17 : i32
    %rem3A_21 = arith.remsi %add3A, %select_n3A_20 : i32
    %ne3A_22 = arith.constant 0 : i32
    %ne3A_23 = arith.cmpi ne, %rem3A_21, %ne3A_22 : i32
    %lt3A = arith.constant 0 : i32
    %lt3A_24 = arith.cmpi slt, %rem3A_21, %lt3A : i32
    %lt3A_25 = arith.constant 0 : i32
    %lt3A_26 = arith.cmpi slt, %select_n3A_20, %lt3A_25 : i32
    %ne3A_27 = arith.xori %lt3A_24, %lt3A_26 : i1
    %and3A_28 = arith.andi %ne3A_27, %ne3A_23 : i1
    %add3A_29 = arith.addi %rem3A_21, %select_n3A_20 : i32
    %select_n3A_30 = arith.select %and3A_28, %add3A_29, %rem3A_21 : i32
    %mul3A_31 = arith.constant 16 : i32
    %mul3A_32 = arith.muli %select_n3A_30, %mul3A_31 : i32
    "tpu.region"() ({
      %run_scoped3A = tpu.sem_alloc : memref<!tpu.dma_semaphore, #tpu.memory_space<semaphore_mem>>
      tpu.enqueue_dma source(%arg4 : memref<25600xf32, #tpu.memory_space<hbm>>) target(%arg7 : memref<25600xf32, #tpu.memory_space<vmem>>) target_semaphore(%run_scoped3A : memref<!tpu.dma_semaphore, #tpu.memory_space<semaphore_mem>>)
      tpu.wait_dma2 semaphore(%run_scoped3A : memref<!tpu.dma_semaphore, #tpu.memory_space<semaphore_mem>>) src(%arg4 : memref<25600xf32, #tpu.memory_space<hbm>>) dst(%arg7 : memref<25600xf32, #tpu.memory_space<vmem>>)
      tpu.yield
    }) : () -> ()
    "tpu.region"() ({
      %run_scoped3A = tpu.sem_alloc : memref<!tpu.dma_semaphore, #tpu.memory_space<semaphore_mem>>
      tpu.enqueue_dma source(%arg5 : memref<12800xi32, #tpu.memory_space<hbm>>) target(%arg8 : memref<12800xi32, #tpu.memory_space<vmem>>) target_semaphore(%run_scoped3A : memref<!tpu.dma_semaphore, #tpu.memory_space<semaphore_mem>>)
      tpu.wait_dma2 semaphore(%run_scoped3A : memref<!tpu.dma_semaphore, #tpu.memory_space<semaphore_mem>>) src(%arg5 : memref<12800xi32, #tpu.memory_space<hbm>>) dst(%arg8 : memref<12800xi32, #tpu.memory_space<vmem>>)
      tpu.yield
    }) : () -> ()
    "tpu.region"() ({
      %run_scoped3A = tpu.sem_alloc : memref<!tpu.dma_semaphore, #tpu.memory_space<semaphore_mem>>
      %dma_start3A_119 = arith.constant 0 : i32
      %dma_start3A_120 = tpu.memref_slice %arg3[%select_n3A, %mul3A_32, %dma_start3A_119] : memref<8x128x128xi32, #tpu.memory_space<hbm>> -> memref<1x16x128xi32, #tpu.memory_space<hbm>>
      %dma_start3A_121 = tpu.memref_squeeze %dma_start3A_120 : memref<1x16x128xi32, #tpu.memory_space<hbm>> -> memref<16x128xi32, #tpu.memory_space<hbm>>
      %dma_start3A_122 = arith.constant 0 : i32
      %dma_start3A_123 = tpu.memref_slice %arg3[%select_n3A, %mul3A_32, %dma_start3A_122] : memref<8x128x128xi32, #tpu.memory_space<hbm>> -> memref<1x16x128xi32, #tpu.memory_space<hbm>>
      %dma_start3A_124 = tpu.memref_squeeze %dma_start3A_123 : memref<1x16x128xi32, #tpu.memory_space<hbm>> -> memref<16x128xi32, #tpu.memory_space<hbm>>
      tpu.enqueue_dma source(%dma_start3A_124 : memref<16x128xi32, #tpu.memory_space<hbm>>) target(%arg9 : memref<16x128xi32, #tpu.memory_space<vmem>>) target_semaphore(%run_scoped3A : memref<!tpu.dma_semaphore, #tpu.memory_space<semaphore_mem>>)
      %dma_wait3A = arith.constant 0 : i32
      %dma_wait3A_125 = tpu.memref_slice %arg3[%select_n3A, %mul3A_32, %dma_wait3A] : memref<8x128x128xi32, #tpu.memory_space<hbm>> -> memref<1x16x128xi32, #tpu.memory_space<hbm>>
      %dma_wait3A_126 = tpu.memref_squeeze %dma_wait3A_125 : memref<1x16x128xi32, #tpu.memory_space<hbm>> -> memref<16x128xi32, #tpu.memory_space<hbm>>
      %dma_wait3A_127 = arith.constant 0 : i32
      %dma_wait3A_128 = tpu.memref_slice %arg3[%select_n3A, %mul3A_32, %dma_wait3A_127] : memref<8x128x128xi32, #tpu.memory_space<hbm>> -> memref<1x16x128xi32, #tpu.memory_space<hbm>>
      %dma_wait3A_129 = tpu.memref_squeeze %dma_wait3A_128 : memref<1x16x128xi32, #tpu.memory_space<hbm>> -> memref<16x128xi32, #tpu.memory_space<hbm>>
      tpu.wait_dma2 semaphore(%run_scoped3A : memref<!tpu.dma_semaphore, #tpu.memory_space<semaphore_mem>>) src(%dma_wait3A_129 : memref<16x128xi32, #tpu.memory_space<hbm>>) dst(%arg9 : memref<16x128xi32, #tpu.memory_space<vmem>>)
      tpu.yield
    }) : () -> ()
    %broadcast_in_dim3A = arith.constant 0.000000e+00 : f32
    %broadcast_in_dim3A_33 = vector.broadcast %broadcast_in_dim3A : f32 to vector<16xf32>
    %iota3A = tpu.iota {dimensions = array<i32: 0>} : vector<16xi32>
    %parallel_loop3A = arith.constant 0 : i32
    %parallel_loop3A_34 = arith.constant 256 : i32
    %parallel_loop3A_35 = arith.constant 1 : i32
    %parallel_loop3A_36:7 = scf.for %parallel_loop3A_119 = %parallel_loop3A to %parallel_loop3A_34 step %parallel_loop3A_35 iter_args(%parallel_loop3A_120 = %broadcast_in_dim3A_33, %parallel_loop3A_121 = %broadcast_in_dim3A_33, %parallel_loop3A_122 = %broadcast_in_dim3A_33, %parallel_loop3A_123 = %broadcast_in_dim3A_33, %parallel_loop3A_124 = %broadcast_in_dim3A_33, %parallel_loop3A_125 = %broadcast_in_dim3A_33, %parallel_loop3A_126 = %broadcast_in_dim3A_33) -> (vector<16xf32>, vector<16xf32>, vector<16xf32>, vector<16xf32>, vector<16xf32>, vector<16xf32>, vector<16xf32>)  : i32 {
      %parallel_loop3A_127 = arith.constant 100 : i32
      %parallel_loop3A_128 = arith.muli %parallel_loop3A_119, %parallel_loop3A_127 : i32
      %parallel_loop3A_129 = arith.constant 0 : i32
      %parallel_loop3A_130 = arith.addi %parallel_loop3A_129, %parallel_loop3A_128 : i32
      %parallel_loop3A_131 = vector.broadcast %parallel_loop3A_130 : i32 to vector<16xi32>
      %parallel_loop3A_132 = arith.addi %iota3A, %parallel_loop3A_131 : vector<16xi32>
      %parallel_loop3A_133 = tpu.vector_load_idx %arg7[%parallel_loop3A_132] : memref<25600xf32, #tpu.memory_space<vmem>>[vector<16xi32>], vector<16xf32>,
      %parallel_loop3A_134 = arith.mulf %parallel_loop3A_133, %parallel_loop3A_133 : vector<16xf32>
      %parallel_loop3A_135 = arith.addf %parallel_loop3A_120, %parallel_loop3A_134 : vector<16xf32>
      %parallel_loop3A_136 = arith.constant 100 : i32
      %parallel_loop3A_137 = arith.muli %parallel_loop3A_119, %parallel_loop3A_136 : i32
      %parallel_loop3A_138 = arith.constant 16 : i32
      %parallel_loop3A_139 = arith.addi %parallel_loop3A_138, %parallel_loop3A_137 : i32
      %parallel_loop3A_140 = vector.broadcast %parallel_loop3A_139 : i32 to vector<16xi32>
      %parallel_loop3A_141 = arith.addi %iota3A, %parallel_loop3A_140 : vector<16xi32>
      %parallel_loop3A_142 = tpu.vector_load_idx %arg7[%parallel_loop3A_141] : memref<25600xf32, #tpu.memory_space<vmem>>[vector<16xi32>], vector<16xf32>,
      %parallel_loop3A_143 = arith.mulf %parallel_loop3A_142, %parallel_loop3A_142 : vector<16xf32>
      %parallel_loop3A_144 = arith.addf %parallel_loop3A_121, %parallel_loop3A_143 : vector<16xf32>
      %parallel_loop3A_145 = arith.constant 100 : i32
      %parallel_loop3A_146 = arith.muli %parallel_loop3A_119, %parallel_loop3A_145 : i32
      %parallel_loop3A_147 = arith.constant 32 : i32
      %parallel_loop3A_148 = arith.addi %parallel_loop3A_147, %parallel_loop3A_146 : i32
      %parallel_loop3A_149 = vector.broadcast %parallel_loop3A_148 : i32 to vector<16xi32>
      %parallel_loop3A_150 = arith.addi %iota3A, %parallel_loop3A_149 : vector<16xi32>
      %parallel_loop3A_151 = tpu.vector_load_idx %arg7[%parallel_loop3A_150] : memref<25600xf32, #tpu.memory_space<vmem>>[vector<16xi32>], vector<16xf32>,
      %parallel_loop3A_152 = arith.mulf %parallel_loop3A_151, %parallel_loop3A_151 : vector<16xf32>
      %parallel_loop3A_153 = arith.addf %parallel_loop3A_122, %parallel_loop3A_152 : vector<16xf32>
      %parallel_loop3A_154 = arith.constant 100 : i32
      %parallel_loop3A_155 = arith.muli %parallel_loop3A_119, %parallel_loop3A_154 : i32
      %parallel_loop3A_156 = arith.constant 48 : i32
      %parallel_loop3A_157 = arith.addi %parallel_loop3A_156, %parallel_loop3A_155 : i32
      %parallel_loop3A_158 = vector.broadcast %parallel_loop3A_157 : i32 to vector<16xi32>
      %parallel_loop3A_159 = arith.addi %iota3A, %parallel_loop3A_158 : vector<16xi32>
      %parallel_loop3A_160 = tpu.vector_load_idx %arg7[%parallel_loop3A_159] : memref<25600xf32, #tpu.memory_space<vmem>>[vector<16xi32>], vector<16xf32>,
      %parallel_loop3A_161 = arith.mulf %parallel_loop3A_160, %parallel_loop3A_160 : vector<16xf32>
      %parallel_loop3A_162 = arith.addf %parallel_loop3A_123, %parallel_loop3A_161 : vector<16xf32>
      %parallel_loop3A_163 = arith.constant 100 : i32
      %parallel_loop3A_164 = arith.muli %parallel_loop3A_119, %parallel_loop3A_163 : i32
      %parallel_loop3A_165 = arith.constant 64 : i32
      %parallel_loop3A_166 = arith.addi %parallel_loop3A_165, %parallel_loop3A_164 : i32
      %parallel_loop3A_167 = vector.broadcast %parallel_loop3A_166 : i32 to vector<16xi32>
      %parallel_loop3A_168 = arith.addi %iota3A, %parallel_loop3A_167 : vector<16xi32>
      %parallel_loop3A_169 = tpu.vector_load_idx %arg7[%parallel_loop3A_168] : memref<25600xf32, #tpu.memory_space<vmem>>[vector<16xi32>], vector<16xf32>,
      %parallel_loop3A_170 = arith.mulf %parallel_loop3A_169, %parallel_loop3A_169 : vector<16xf32>
      %parallel_loop3A_171 = arith.addf %parallel_loop3A_124, %parallel_loop3A_170 : vector<16xf32>
      %parallel_loop3A_172 = arith.constant 100 : i32
      %parallel_loop3A_173 = arith.muli %parallel_loop3A_119, %parallel_loop3A_172 : i32
      %parallel_loop3A_174 = arith.constant 80 : i32
      %parallel_loop3A_175 = arith.addi %parallel_loop3A_174, %parallel_loop3A_173 : i32
      %parallel_loop3A_176 = vector.broadcast %parallel_loop3A_175 : i32 to vector<16xi32>
      %parallel_loop3A_177 = arith.addi %iota3A, %parallel_loop3A_176 : vector<16xi32>
      %parallel_loop3A_178 = tpu.vector_load_idx %arg7[%parallel_loop3A_177] : memref<25600xf32, #tpu.memory_space<vmem>>[vector<16xi32>], vector<16xf32>,
      %parallel_loop3A_179 = arith.mulf %parallel_loop3A_178, %parallel_loop3A_178 : vector<16xf32>
      %parallel_loop3A_180 = arith.addf %parallel_loop3A_125, %parallel_loop3A_179 : vector<16xf32>
      %parallel_loop3A_181 = arith.constant 100 : i32
      %parallel_loop3A_182 = arith.muli %parallel_loop3A_119, %parallel_loop3A_181 : i32
      %parallel_loop3A_183 = arith.constant 96 : i32
      %parallel_loop3A_184 = arith.addi %parallel_loop3A_183, %parallel_loop3A_182 : i32
      %parallel_loop3A_185 = vector.broadcast %parallel_loop3A_184 : i32 to vector<16xi32>
      %parallel_loop3A_186 = arith.addi %iota3A, %parallel_loop3A_185 : vector<16xi32>
      %parallel_loop3A_187 = tpu.vector_load_idx %arg7[%parallel_loop3A_186] : memref<25600xf32, #tpu.memory_space<vmem>>[vector<16xi32>], vector<16xf32>,
      %parallel_loop3A_188 = arith.mulf %parallel_loop3A_187, %parallel_loop3A_187 : vector<16xf32>
      %parallel_loop3A_189 = arith.addf %parallel_loop3A_126, %parallel_loop3A_188 : vector<16xf32>
      scf.yield %parallel_loop3A_135, %parallel_loop3A_144, %parallel_loop3A_153, %parallel_loop3A_162, %parallel_loop3A_171, %parallel_loop3A_180, %parallel_loop3A_189 : vector<16xf32>, vector<16xf32>, vector<16xf32>, vector<16xf32>, vector<16xf32>, vector<16xf32>, vector<16xf32>
    } {sc.loop_unroll_factor = 4 : i64, sc.parallel_access}
    %swap3A = arith.constant 0 : index
    %swap3A_37 = tpu.vector_load %arg11[%swap3A] {strides = array<i32>} : memref<112xf32, #tpu.memory_space<vmem>>, vector<16xf32>,
    tpu.vector_store %arg11[%swap3A], %parallel_loop3A_36#0 {strides = array<i32>} : memref<112xf32, #tpu.memory_space<vmem>>, vector<16xf32>,
    %swap3A_38 = arith.constant 16 : index
    %swap3A_39 = tpu.vector_load %arg11[%swap3A_38] {strides = array<i32>} : memref<112xf32, #tpu.memory_space<vmem>>, vector<16xf32>,
    tpu.vector_store %arg11[%swap3A_38], %parallel_loop3A_36#1 {strides = array<i32>} : memref<112xf32, #tpu.memory_space<vmem>>, vector<16xf32>,
    %swap3A_40 = arith.constant 32 : index
    %swap3A_41 = tpu.vector_load %arg11[%swap3A_40] {strides = array<i32>} : memref<112xf32, #tpu.memory_space<vmem>>, vector<16xf32>,
    tpu.vector_store %arg11[%swap3A_40], %parallel_loop3A_36#2 {strides = array<i32>} : memref<112xf32, #tpu.memory_space<vmem>>, vector<16xf32>,
    %swap3A_42 = arith.constant 48 : index
    %swap3A_43 = tpu.vector_load %arg11[%swap3A_42] {strides = array<i32>} : memref<112xf32, #tpu.memory_space<vmem>>, vector<16xf32>,
    tpu.vector_store %arg11[%swap3A_42], %parallel_loop3A_36#3 {strides = array<i32>} : memref<112xf32, #tpu.memory_space<vmem>>, vector<16xf32>,
    %swap3A_44 = arith.constant 64 : index
    %swap3A_45 = tpu.vector_load %arg11[%swap3A_44] {strides = array<i32>} : memref<112xf32, #tpu.memory_space<vmem>>, vector<16xf32>,
    tpu.vector_store %arg11[%swap3A_44], %parallel_loop3A_36#4 {strides = array<i32>} : memref<112xf32, #tpu.memory_space<vmem>>, vector<16xf32>,
    %swap3A_46 = arith.constant 80 : index
    %swap3A_47 = tpu.vector_load %arg11[%swap3A_46] {strides = array<i32>} : memref<112xf32, #tpu.memory_space<vmem>>, vector<16xf32>,
    tpu.vector_store %arg11[%swap3A_46], %parallel_loop3A_36#5 {strides = array<i32>} : memref<112xf32, #tpu.memory_space<vmem>>, vector<16xf32>,
    %swap3A_48 = arith.constant 96 : index
    %swap3A_49 = tpu.vector_load %arg11[%swap3A_48] {strides = array<i32>} : memref<112xf32, #tpu.memory_space<vmem>>, vector<16xf32>,
    tpu.vector_store %arg11[%swap3A_48], %parallel_loop3A_36#6 {strides = array<i32>} : memref<112xf32, #tpu.memory_space<vmem>>, vector<16xf32>,
    %scan3A = arith.constant 0 : i32
    %scan3A_50 = arith.constant 0 : i32
    %scan3A_51 = arith.constant 128 : i32
    %scan3A_52 = arith.addi %scan3A_50, %scan3A_51 : i32
    %scan3A_53 = arith.constant 1 : i32
    %scan3A_54 = scf.for %scan3A_119 = %scan3A_50 to %scan3A_52 step %scan3A_53 iter_args(%scan3A_120 = %scan3A) -> (i32)  : i32 {
      %jit3A_121 = arith.constant 8 : i32
      %div3A_122 = arith.divsi %scan3A_119, %jit3A_121 : i32
      %sign3A_123 = arith.constant 0 : i32
      %sign3A_124 = arith.cmpi sgt, %scan3A_119, %sign3A_123 : i32
      %sign3A_125 = arith.extui %sign3A_124 : i1 to i32
      %sign3A_126 = arith.constant 0 : i32
      %sign3A_127 = arith.cmpi slt, %scan3A_119, %sign3A_126 : i32
      %sign3A_128 = arith.extui %sign3A_127 : i1 to i32
      %sign3A_129 = arith.subi %sign3A_125, %sign3A_128 : i32
      %sign3A_130 = arith.constant 0 : i32
      %sign3A_131 = arith.cmpi sgt, %jit3A_121, %sign3A_130 : i32
      %sign3A_132 = arith.extui %sign3A_131 : i1 to i32
      %sign3A_133 = arith.constant 0 : i32
      %sign3A_134 = arith.cmpi slt, %jit3A_121, %sign3A_133 : i32
      %sign3A_135 = arith.extui %sign3A_134 : i1 to i32
      %sign3A_136 = arith.subi %sign3A_132, %sign3A_135 : i32
      %ne3A_137 = arith.cmpi ne, %sign3A_129, %sign3A_136 : i32
      %rem3A_138 = arith.remsi %scan3A_119, %jit3A_121 : i32
      %ne3A_139 = arith.constant 0 : i32
      %ne3A_140 = arith.cmpi ne, %rem3A_138, %ne3A_139 : i32
      %and3A_141 = arith.andi %ne3A_137, %ne3A_140 : i1
      %sub3A_142 = arith.constant 1 : i32
      %sub3A_143 = arith.subi %div3A_122, %sub3A_142 : i32
      %select_n3A_144 = arith.select %and3A_141, %sub3A_143, %div3A_122 : i32
      %jit3A_145 = arith.constant 8 : i32
      %eq3A_146 = arith.constant 0 : i32
      %eq3A_147 = arith.cmpi eq, %jit3A_145, %eq3A_146 : i32
      %jit3A_148 = arith.constant 1 : i32
      %select_n3A_149 = arith.select %eq3A_147, %jit3A_148, %jit3A_145 : i32
      %rem3A_150 = arith.remsi %scan3A_119, %select_n3A_149 : i32
      %ne3A_151 = arith.constant 0 : i32
      %ne3A_152 = arith.cmpi ne, %rem3A_150, %ne3A_151 : i32
      %lt3A_153 = arith.constant 0 : i32
      %lt3A_154 = arith.cmpi slt, %rem3A_150, %lt3A_153 : i32
      %lt3A_155 = arith.constant 0 : i32
      %lt3A_156 = arith.cmpi slt, %select_n3A_149, %lt3A_155 : i32
      %ne3A_157 = arith.xori %lt3A_154, %lt3A_156 : i1
      %and3A_158 = arith.andi %ne3A_157, %ne3A_152 : i1
      %add3A_159 = arith.addi %rem3A_150, %select_n3A_149 : i32
      %select_n3A_160 = arith.select %and3A_158, %add3A_159, %rem3A_150 : i32
      %mul3A_161 = arith.constant 16 : i32
      %mul3A_162 = arith.muli %select_n3A_160, %mul3A_161 : i32
      %get3A = arith.index_cast %select_n3A_144 : i32 to index
      %get3A_163 = arith.index_cast %mul3A_162 : i32 to index
      %get3A_164 = tpu.vector_load %arg9[%get3A, %get3A_163] {strides = array<i32>} : memref<16x128xi32, #tpu.memory_space<vmem>>, vector<16xi32>,
      %min3A = arith.constant 99 : i32
      %min3A_165 = vector.broadcast %min3A : i32 to vector<16xi32>
      %min3A_166 = arith.minsi %get3A_164, %min3A_165 : vector<16xi32>
      %max3A = arith.constant 0 : i32
      %max3A_167 = vector.broadcast %max3A : i32 to vector<16xi32>
      %max3A_168 = arith.maxsi %min3A_166, %max3A_167 : vector<16xi32>
      %mul3A_169 = arith.constant 16 : i32
      %mul3A_170 = arith.muli %scan3A_119, %mul3A_169 : i32
      %swap3A_171 = arith.index_cast %mul3A_170 : i32 to index
      %swap3A_172 = tpu.vector_load %arg10[%swap3A_171] {strides = array<i32>} : memref<2048xi32, #tpu.memory_space<vmem>>, vector<16xi32>,
      tpu.vector_store %arg10[%swap3A_171], %max3A_168 {strides = array<i32>} : memref<2048xi32, #tpu.memory_space<vmem>>, vector<16xi32>,
      %scan3A_173 = arith.constant 0 : i32
      scf.yield %scan3A_173 : i32
    }
    %scan3A_55 = arith.constant 128 : i32
    %scan3A_56 = arith.constant 0 : i32
    %scan3A_57 = arith.constant 0 : i32
    %scan3A_58 = arith.constant 128 : i32
    %scan3A_59 = arith.addi %scan3A_57, %scan3A_58 : i32
    %scan3A_60 = arith.constant 1 : i32
    %scan3A_61 = scf.for %scan3A_119 = %scan3A_57 to %scan3A_59 step %scan3A_60 iter_args(%scan3A_120 = %scan3A_56) -> (i32)  : i32 {
      %mul3A_121 = arith.constant 16 : i32
      %mul3A_122 = arith.muli %scan3A_119, %mul3A_121 : i32
      %swap3A_123 = arith.index_cast %mul3A_122 : i32 to index
      %swap3A_124 = tpu.vector_load %arg13[%swap3A_123] {strides = array<i32>} : memref<2048xf32, #tpu.memory_space<vmem>>, vector<16xf32>,
      tpu.vector_store %arg13[%swap3A_123], %broadcast_in_dim3A_33 {strides = array<i32>} : memref<2048xf32, #tpu.memory_space<vmem>>, vector<16xf32>,
      %swap3A_125 = arith.index_cast %mul3A_122 : i32 to index
      %swap3A_126 = tpu.vector_load %arg14[%swap3A_125] {strides = array<i32>} : memref<2048xf32, #tpu.memory_space<vmem>>, vector<16xf32>,
      tpu.vector_store %arg14[%swap3A_125], %broadcast_in_dim3A_33 {strides = array<i32>} : memref<2048xf32, #tpu.memory_space<vmem>>, vector<16xf32>,
      %scan3A_127 = arith.constant 0 : i32
      scf.yield %scan3A_127 : i32
    }
    %scan3A_62 = arith.constant 128 : i32
    %dma_start3A = arith.constant 0 : i32
    %dma_start3A_63 = arith.constant 0 : i32
    %dma_start3A_64 = arith.constant 0 : i32
    %dma_start3A_65 = arith.constant 0 : i32
    %dma_start3A_66 = tpu.memref_slice %arg12[%dma_start3A, %dma_start3A_63, %dma_start3A_64, %dma_start3A_65] : memref<2x8x16x128xf32, #tpu.memory_space<vmem>> -> memref<1x8x16x128xf32, #tpu.memory_space<vmem>>
    %dma_start3A_67 = tpu.memref_squeeze %dma_start3A_66 : memref<1x8x16x128xf32, #tpu.memory_space<vmem>> -> memref<8x16x128xf32, #tpu.memory_space<vmem>>
    %dma_start3A_68 = arith.constant 0 : i32
    %dma_start3A_69 = arith.constant 0 : i32
    %dma_start3A_70 = tpu.memref_slice %arg2[%select_n3A, %dma_start3A_68, %mul3A_32, %dma_start3A_69] : memref<8x256x128x128xf32, #tpu.memory_space<hbm>> -> memref<1x8x16x128xf32, #tpu.memory_space<hbm>>
    %dma_start3A_71 = tpu.memref_squeeze %dma_start3A_70 : memref<1x8x16x128xf32, #tpu.memory_space<hbm>> -> memref<8x16x128xf32, #tpu.memory_space<hbm>>
    %dma_start3A_72 = arith.constant 0 : i32
    %dma_start3A_73 = arith.constant 0 : i32
    %dma_start3A_74 = arith.constant 0 : i32
    %dma_start3A_75 = tpu.memref_slice %arg12[%dma_start3A, %dma_start3A_72, %dma_start3A_73, %dma_start3A_74] : memref<2x8x16x128xf32, #tpu.memory_space<vmem>> -> memref<1x8x16x128xf32, #tpu.memory_space<vmem>>
    %dma_start3A_76 = tpu.memref_squeeze %dma_start3A_75 : memref<1x8x16x128xf32, #tpu.memory_space<vmem>> -> memref<8x16x128xf32, #tpu.memory_space<vmem>>
    %dma_start3A_77 = arith.constant 0 : i32
    %dma_start3A_78 = arith.constant 0 : i32
    %dma_start3A_79 = tpu.memref_slice %arg2[%select_n3A, %dma_start3A_77, %mul3A_32, %dma_start3A_78] : memref<8x256x128x128xf32, #tpu.memory_space<hbm>> -> memref<1x8x16x128xf32, #tpu.memory_space<hbm>>
    %dma_start3A_80 = tpu.memref_squeeze %dma_start3A_79 : memref<1x8x16x128xf32, #tpu.memory_space<hbm>> -> memref<8x16x128xf32, #tpu.memory_space<hbm>>
    tpu.enqueue_dma source(%dma_start3A_80 : memref<8x16x128xf32, #tpu.memory_space<hbm>>) target(%dma_start3A_76 : memref<8x16x128xf32, #tpu.memory_space<vmem>>) target_semaphore(%arg16 : memref<!tpu.dma_semaphore, #tpu.memory_space<semaphore_mem>>)
    %dma_start3A_81 = arith.constant 1 : i32
    %dma_start3A_82 = arith.constant 0 : i32
    %dma_start3A_83 = arith.constant 0 : i32
    %dma_start3A_84 = arith.constant 0 : i32
    %dma_start3A_85 = tpu.memref_slice %arg12[%dma_start3A_81, %dma_start3A_82, %dma_start3A_83, %dma_start3A_84] : memref<2x8x16x128xf32, #tpu.memory_space<vmem>> -> memref<1x8x16x128xf32, #tpu.memory_space<vmem>>
    %dma_start3A_86 = tpu.memref_squeeze %dma_start3A_85 : memref<1x8x16x128xf32, #tpu.memory_space<vmem>> -> memref<8x16x128xf32, #tpu.memory_space<vmem>>
    %dma_start3A_87 = arith.constant 8 : i32
    %dma_start3A_88 = arith.constant 0 : i32
    %dma_start3A_89 = tpu.memref_slice %arg2[%select_n3A, %dma_start3A_87, %mul3A_32, %dma_start3A_88] : memref<8x256x128x128xf32, #tpu.memory_space<hbm>> -> memref<1x8x16x128xf32, #tpu.memory_space<hbm>>
    %dma_start3A_90 = tpu.memref_squeeze %dma_start3A_89 : memref<1x8x16x128xf32, #tpu.memory_space<hbm>> -> memref<8x16x128xf32, #tpu.memory_space<hbm>>
    %dma_start3A_91 = arith.constant 0 : i32
    %dma_start3A_92 = arith.constant 0 : i32
    %dma_start3A_93 = arith.constant 0 : i32
    %dma_start3A_94 = tpu.memref_slice %arg12[%dma_start3A_81, %dma_start3A_91, %dma_start3A_92, %dma_start3A_93] : memref<2x8x16x128xf32, #tpu.memory_space<vmem>> -> memref<1x8x16x128xf32, #tpu.memory_space<vmem>>
    %dma_start3A_95 = tpu.memref_squeeze %dma_start3A_94 : memref<1x8x16x128xf32, #tpu.memory_space<vmem>> -> memref<8x16x128xf32, #tpu.memory_space<vmem>>
    %dma_start3A_96 = arith.constant 8 : i32
    %dma_start3A_97 = arith.constant 0 : i32
    %dma_start3A_98 = tpu.memref_slice %arg2[%select_n3A, %dma_start3A_96, %mul3A_32, %dma_start3A_97] : memref<8x256x128x128xf32, #tpu.memory_space<hbm>> -> memref<1x8x16x128xf32, #tpu.memory_space<hbm>>
    %dma_start3A_99 = tpu.memref_squeeze %dma_start3A_98 : memref<1x8x16x128xf32, #tpu.memory_space<hbm>> -> memref<8x16x128xf32, #tpu.memory_space<hbm>>
    tpu.enqueue_dma source(%dma_start3A_99 : memref<8x16x128xf32, #tpu.memory_space<hbm>>) target(%dma_start3A_95 : memref<8x16x128xf32, #tpu.memory_space<vmem>>) target_semaphore(%arg16 : memref<!tpu.dma_semaphore, #tpu.memory_space<semaphore_mem>>)
    %scan3A_100 = arith.constant 0 : i32
    %scan3A_101 = arith.constant 0 : i32
    %scan3A_102 = arith.constant 16 : i32
    %scan3A_103 = arith.addi %scan3A_101, %scan3A_102 : i32
    %scan3A_104 = arith.constant 1 : i32
    %scan3A_105 = scf.for %scan3A_119 = %scan3A_101 to %scan3A_103 step %scan3A_104 iter_args(%scan3A_120 = %scan3A_100) -> (i32)  : i32 {
      %mul3A_121 = arith.constant 2 : i32
      %mul3A_122 = arith.muli %scan3A_119, %mul3A_121 : i32
      %add3A_123 = arith.constant 0 : i32
      %add3A_124 = arith.addi %mul3A_122, %add3A_123 : i32
      %mul3A_125 = arith.constant 8 : i32
      %mul3A_126 = arith.muli %add3A_124, %mul3A_125 : i32
      %dma_wait3A = arith.constant 0 : i32
      %dma_wait3A_127 = arith.constant 0 : i32
      %dma_wait3A_128 = arith.constant 0 : i32
      %dma_wait3A_129 = arith.constant 0 : i32
      %dma_wait3A_130 = tpu.memref_slice %arg12[%dma_wait3A, %dma_wait3A_127, %dma_wait3A_128, %dma_wait3A_129] : memref<2x8x16x128xf32, #tpu.memory_space<vmem>> -> memref<1x8x16x128xf32, #tpu.memory_space<vmem>>
      %dma_wait3A_131 = tpu.memref_squeeze %dma_wait3A_130 : memref<1x8x16x128xf32, #tpu.memory_space<vmem>> -> memref<8x16x128xf32, #tpu.memory_space<vmem>>
      %dma_wait3A_132 = arith.constant 0 : i32
      %dma_wait3A_133 = tpu.memref_slice %arg2[%select_n3A, %mul3A_126, %mul3A_32, %dma_wait3A_132] : memref<8x256x128x128xf32, #tpu.memory_space<hbm>> -> memref<1x8x16x128xf32, #tpu.memory_space<hbm>>
      %dma_wait3A_134 = tpu.memref_squeeze %dma_wait3A_133 : memref<1x8x16x128xf32, #tpu.memory_space<hbm>> -> memref<8x16x128xf32, #tpu.memory_space<hbm>>
      %dma_wait3A_135 = arith.constant 0 : i32
      %dma_wait3A_136 = arith.constant 0 : i32
      %dma_wait3A_137 = arith.constant 0 : i32
      %dma_wait3A_138 = tpu.memref_slice %arg12[%dma_wait3A, %dma_wait3A_135, %dma_wait3A_136, %dma_wait3A_137] : memref<2x8x16x128xf32, #tpu.memory_space<vmem>> -> memref<1x8x16x128xf32, #tpu.memory_space<vmem>>
      %dma_wait3A_139 = tpu.memref_squeeze %dma_wait3A_138 : memref<1x8x16x128xf32, #tpu.memory_space<vmem>> -> memref<8x16x128xf32, #tpu.memory_space<vmem>>
      %dma_wait3A_140 = arith.constant 0 : i32
      %dma_wait3A_141 = tpu.memref_slice %arg2[%select_n3A, %mul3A_126, %mul3A_32, %dma_wait3A_140] : memref<8x256x128x128xf32, #tpu.memory_space<hbm>> -> memref<1x8x16x128xf32, #tpu.memory_space<hbm>>
      %dma_wait3A_142 = tpu.memref_squeeze %dma_wait3A_141 : memref<1x8x16x128xf32, #tpu.memory_space<hbm>> -> memref<8x16x128xf32, #tpu.memory_space<hbm>>
      tpu.wait_dma2 semaphore(%arg16 : memref<!tpu.dma_semaphore, #tpu.memory_space<semaphore_mem>>) src(%dma_wait3A_142 : memref<8x16x128xf32, #tpu.memory_space<hbm>>) dst(%dma_wait3A_139 : memref<8x16x128xf32, #tpu.memory_space<vmem>>)
      %add3A_143 = arith.constant 0 : i32
      %add3A_144 = arith.addi %mul3A_122, %add3A_143 : i32
      %mul3A_145 = arith.constant 400 : i32
      %mul3A_146 = arith.muli %add3A_144, %mul3A_145 : i32
      %parallel_loop3A_147 = arith.constant 0 : i32
      %parallel_loop3A_148 = arith.constant 128 : i32
      %parallel_loop3A_149 = arith.constant 1 : i32
      scf.for %parallel_loop3A_195 = %parallel_loop3A_147 to %parallel_loop3A_148 step %parallel_loop3A_149  : i32 {
        %parallel_loop3A_196 = arith.constant 16 : i32
        %parallel_loop3A_197 = arith.muli %parallel_loop3A_195, %parallel_loop3A_196 : i32
        %parallel_loop3A_198 = arith.constant 8 : i32
        %parallel_loop3A_199 = arith.divsi %parallel_loop3A_195, %parallel_loop3A_198 : i32
        %parallel_loop3A_200 = arith.constant 0 : i32
        %parallel_loop3A_201 = arith.cmpi sgt, %parallel_loop3A_195, %parallel_loop3A_200 : i32
        %parallel_loop3A_202 = arith.extui %parallel_loop3A_201 : i1 to i32
        %parallel_loop3A_203 = arith.constant 0 : i32
        %parallel_loop3A_204 = arith.cmpi slt, %parallel_loop3A_195, %parallel_loop3A_203 : i32
        %parallel_loop3A_205 = arith.extui %parallel_loop3A_204 : i1 to i32
        %parallel_loop3A_206 = arith.subi %parallel_loop3A_202, %parallel_loop3A_205 : i32
        %parallel_loop3A_207 = arith.constant 0 : i32
        %parallel_loop3A_208 = arith.cmpi sgt, %parallel_loop3A_198, %parallel_loop3A_207 : i32
        %parallel_loop3A_209 = arith.extui %parallel_loop3A_208 : i1 to i32
        %parallel_loop3A_210 = arith.constant 0 : i32
        %parallel_loop3A_211 = arith.cmpi slt, %parallel_loop3A_198, %parallel_loop3A_210 : i32
        %parallel_loop3A_212 = arith.extui %parallel_loop3A_211 : i1 to i32
        %parallel_loop3A_213 = arith.subi %parallel_loop3A_209, %parallel_loop3A_212 : i32
        %parallel_loop3A_214 = arith.cmpi ne, %parallel_loop3A_206, %parallel_loop3A_213 : i32
        %parallel_loop3A_215 = arith.remsi %parallel_loop3A_195, %parallel_loop3A_198 : i32
        %parallel_loop3A_216 = arith.constant 0 : i32
        %parallel_loop3A_217 = arith.cmpi ne, %parallel_loop3A_215, %parallel_loop3A_216 : i32
        %parallel_loop3A_218 = arith.andi %parallel_loop3A_214, %parallel_loop3A_217 : i1
        %parallel_loop3A_219 = arith.constant 1 : i32
        %parallel_loop3A_220 = arith.subi %parallel_loop3A_199, %parallel_loop3A_219 : i32
        %parallel_loop3A_221 = arith.select %parallel_loop3A_218, %parallel_loop3A_220, %parallel_loop3A_199 : i32
        %parallel_loop3A_222 = arith.constant 8 : i32
        %parallel_loop3A_223 = arith.constant 0 : i32
        %parallel_loop3A_224 = arith.cmpi eq, %parallel_loop3A_222, %parallel_loop3A_223 : i32
        %parallel_loop3A_225 = arith.constant 1 : i32
        %parallel_loop3A_226 = arith.select %parallel_loop3A_224, %parallel_loop3A_225, %parallel_loop3A_222 : i32
        %parallel_loop3A_227 = arith.remsi %parallel_loop3A_195, %parallel_loop3A_226 : i32
        %parallel_loop3A_228 = arith.constant 0 : i32
        %parallel_loop3A_229 = arith.cmpi ne, %parallel_loop3A_227, %parallel_loop3A_228 : i32
        %parallel_loop3A_230 = arith.constant 0 : i32
        %parallel_loop3A_231 = arith.cmpi slt, %parallel_loop3A_227, %parallel_loop3A_230 : i32
        %parallel_loop3A_232 = arith.constant 0 : i32
        %parallel_loop3A_233 = arith.cmpi slt, %parallel_loop3A_226, %parallel_loop3A_232 : i32
        %parallel_loop3A_234 = arith.xori %parallel_loop3A_231, %parallel_loop3A_233 : i1
        %parallel_loop3A_235 = arith.andi %parallel_loop3A_234, %parallel_loop3A_229 : i1
        %parallel_loop3A_236 = arith.addi %parallel_loop3A_227, %parallel_loop3A_226 : i32
        %parallel_loop3A_237 = arith.select %parallel_loop3A_235, %parallel_loop3A_236, %parallel_loop3A_227 : i32
        %parallel_loop3A_238 = arith.constant 16 : i32
        %parallel_loop3A_239 = arith.muli %parallel_loop3A_237, %parallel_loop3A_238 : i32
        %parallel_loop3A_240 = arith.index_cast %parallel_loop3A_197 : i32 to index
        %parallel_loop3A_241 = tpu.vector_load %arg10[%parallel_loop3A_240] {strides = array<i32>} : memref<2048xi32, #tpu.memory_space<vmem>>, vector<16xi32>,
        %parallel_loop3A_242 = vector.broadcast %mul3A_146 : i32 to vector<16xi32>
        %parallel_loop3A_243 = arith.addi %parallel_loop3A_241, %parallel_loop3A_242 : vector<16xi32>
        %parallel_loop3A_244 = arith.constant 0 : i32
        %parallel_loop3A_245 = vector.broadcast %parallel_loop3A_244 : i32 to vector<16xi32>
        %parallel_loop3A_246 = arith.addi %parallel_loop3A_243, %parallel_loop3A_245 : vector<16xi32>
        %parallel_loop3A_247 = tpu.vector_load_idx %arg8[%parallel_loop3A_246] : memref<12800xi32, #tpu.memory_space<vmem>>[vector<16xi32>], vector<16xi32>,
        %parallel_loop3A_248 = arith.constant 0 : i32
        %parallel_loop3A_249 = arith.constant 0 : i32
        %parallel_loop3A_250 = arith.index_cast %parallel_loop3A_248 : i32 to index
        %parallel_loop3A_251 = arith.index_cast %parallel_loop3A_249 : i32 to index
        %parallel_loop3A_252 = arith.index_cast %parallel_loop3A_221 : i32 to index
        %parallel_loop3A_253 = arith.index_cast %parallel_loop3A_239 : i32 to index
        %parallel_loop3A_254 = tpu.vector_load %arg12[%parallel_loop3A_250, %parallel_loop3A_251, %parallel_loop3A_252, %parallel_loop3A_253] {strides = array<i32>} : memref<2x8x16x128xf32, #tpu.memory_space<vmem>>, vector<16xf32>,
        %parallel_loop3A_255 = arith.constant 0 : i32
        %parallel_loop3A_256 = arith.constant 1 : i32
        %parallel_loop3A_257 = arith.index_cast %parallel_loop3A_255 : i32 to index
        %parallel_loop3A_258 = arith.index_cast %parallel_loop3A_256 : i32 to index
        %parallel_loop3A_259 = arith.index_cast %parallel_loop3A_221 : i32 to index
        %parallel_loop3A_260 = arith.index_cast %parallel_loop3A_239 : i32 to index
        %parallel_loop3A_261 = tpu.vector_load %arg12[%parallel_loop3A_257, %parallel_loop3A_258, %parallel_loop3A_259, %parallel_loop3A_260] {strides = array<i32>} : memref<2x8x16x128xf32, #tpu.memory_space<vmem>>, vector<16xf32>,
        %parallel_loop3A_262 = arith.constant 16 : i32
        %parallel_loop3A_263 = vector.broadcast %parallel_loop3A_262 : i32 to vector<16xi32>
        %parallel_loop3A_264 = arith.shli %parallel_loop3A_247, %parallel_loop3A_263 : vector<16xi32>
        %parallel_loop3A_265 = tpu.bitcast %parallel_loop3A_264 : vector<16xi32> -> vector<16xf32>
        %parallel_loop3A_266 = arith.constant -65536 : i32
        %parallel_loop3A_267 = vector.broadcast %parallel_loop3A_266 : i32 to vector<16xi32>
        %parallel_loop3A_268 = arith.andi %parallel_loop3A_247, %parallel_loop3A_267 : vector<16xi32>
        %parallel_loop3A_269 = tpu.bitcast %parallel_loop3A_268 : vector<16xi32> -> vector<16xf32>
        %parallel_loop3A_270 = arith.mulf %parallel_loop3A_254, %parallel_loop3A_254 : vector<16xf32>
        %parallel_loop3A_271 = arith.mulf %parallel_loop3A_261, %parallel_loop3A_261 : vector<16xf32>
        %parallel_loop3A_272 = arith.addf %parallel_loop3A_270, %parallel_loop3A_271 : vector<16xf32>
        %parallel_loop3A_273 = arith.addf %broadcast_in_dim3A_33, %parallel_loop3A_272 : vector<16xf32>
        %parallel_loop3A_274 = arith.mulf %parallel_loop3A_265, %parallel_loop3A_254 : vector<16xf32>
        %parallel_loop3A_275 = arith.mulf %parallel_loop3A_269, %parallel_loop3A_261 : vector<16xf32>
        %parallel_loop3A_276 = arith.addf %parallel_loop3A_274, %parallel_loop3A_275 : vector<16xf32>
        %parallel_loop3A_277 = arith.addf %broadcast_in_dim3A_33, %parallel_loop3A_276 : vector<16xf32>
        %parallel_loop3A_278 = arith.constant 100 : i32
        %parallel_loop3A_279 = vector.broadcast %parallel_loop3A_278 : i32 to vector<16xi32>
        %parallel_loop3A_280 = arith.addi %parallel_loop3A_243, %parallel_loop3A_279 : vector<16xi32>
        %parallel_loop3A_281 = tpu.vector_load_idx %arg8[%parallel_loop3A_280] : memref<12800xi32, #tpu.memory_space<vmem>>[vector<16xi32>], vector<16xi32>,
        %parallel_loop3A_282 = arith.constant 0 : i32
        %parallel_loop3A_283 = arith.constant 2 : i32
        %parallel_loop3A_284 = arith.index_cast %parallel_loop3A_282 : i32 to index
        %parallel_loop3A_285 = arith.index_cast %parallel_loop3A_283 : i32 to index
        %parallel_loop3A_286 = arith.index_cast %parallel_loop3A_221 : i32 to index
        %parallel_loop3A_287 = arith.index_cast %parallel_loop3A_239 : i32 to index
        %parallel_loop3A_288 = tpu.vector_load %arg12[%parallel_loop3A_284, %parallel_loop3A_285, %parallel_loop3A_286, %parallel_loop3A_287] {strides = array<i32>} : memref<2x8x16x128xf32, #tpu.memory_space<vmem>>, vector<16xf32>,
        %parallel_loop3A_289 = arith.constant 0 : i32
        %parallel_loop3A_290 = arith.constant 3 : i32
        %parallel_loop3A_291 = arith.index_cast %parallel_loop3A_289 : i32 to index
        %parallel_loop3A_292 = arith.index_cast %parallel_loop3A_290 : i32 to index
        %parallel_loop3A_293 = arith.index_cast %parallel_loop3A_221 : i32 to index
        %parallel_loop3A_294 = arith.index_cast %parallel_loop3A_239 : i32 to index
        %parallel_loop3A_295 = tpu.vector_load %arg12[%parallel_loop3A_291, %parallel_loop3A_292, %parallel_loop3A_293, %parallel_loop3A_294] {strides = array<i32>} : memref<2x8x16x128xf32, #tpu.memory_space<vmem>>, vector<16xf32>,
        %parallel_loop3A_296 = arith.constant 16 : i32
        %parallel_loop3A_297 = vector.broadcast %parallel_loop3A_296 : i32 to vector<16xi32>
        %parallel_loop3A_298 = arith.shli %parallel_loop3A_281, %parallel_loop3A_297 : vector<16xi32>
        %parallel_loop3A_299 = tpu.bitcast %parallel_loop3A_298 : vector<16xi32> -> vector<16xf32>
        %parallel_loop3A_300 = arith.constant -65536 : i32
        %parallel_loop3A_301 = vector.broadcast %parallel_loop3A_300 : i32 to vector<16xi32>
        %parallel_loop3A_302 = arith.andi %parallel_loop3A_281, %parallel_loop3A_301 : vector<16xi32>
        %parallel_loop3A_303 = tpu.bitcast %parallel_loop3A_302 : vector<16xi32> -> vector<16xf32>
        %parallel_loop3A_304 = arith.mulf %parallel_loop3A_288, %parallel_loop3A_288 : vector<16xf32>
        %parallel_loop3A_305 = arith.mulf %parallel_loop3A_295, %parallel_loop3A_295 : vector<16xf32>
        %parallel_loop3A_306 = arith.addf %parallel_loop3A_304, %parallel_loop3A_305 : vector<16xf32>
        %parallel_loop3A_307 = arith.addf %parallel_loop3A_273, %parallel_loop3A_306 : vector<16xf32>
        %parallel_loop3A_308 = arith.mulf %parallel_loop3A_299, %parallel_loop3A_288 : vector<16xf32>
        %parallel_loop3A_309 = arith.mulf %parallel_loop3A_303, %parallel_loop3A_295 : vector<16xf32>
        %parallel_loop3A_310 = arith.addf %parallel_loop3A_308, %parallel_loop3A_309 : vector<16xf32>
        %parallel_loop3A_311 = arith.addf %parallel_loop3A_277, %parallel_loop3A_310 : vector<16xf32>
        %parallel_loop3A_312 = arith.constant 200 : i32
        %parallel_loop3A_313 = vector.broadcast %parallel_loop3A_312 : i32 to vector<16xi32>
        %parallel_loop3A_314 = arith.addi %parallel_loop3A_243, %parallel_loop3A_313 : vector<16xi32>
        %parallel_loop3A_315 = tpu.vector_load_idx %arg8[%parallel_loop3A_314] : memref<12800xi32, #tpu.memory_space<vmem>>[vector<16xi32>], vector<16xi32>,
        %parallel_loop3A_316 = arith.constant 0 : i32
        %parallel_loop3A_317 = arith.constant 4 : i32
        %parallel_loop3A_318 = arith.index_cast %parallel_loop3A_316 : i32 to index
        %parallel_loop3A_319 = arith.index_cast %parallel_loop3A_317 : i32 to index
        %parallel_loop3A_320 = arith.index_cast %parallel_loop3A_221 : i32 to index
        %parallel_loop3A_321 = arith.index_cast %parallel_loop3A_239 : i32 to index
        %parallel_loop3A_322 = tpu.vector_load %arg12[%parallel_loop3A_318, %parallel_loop3A_319, %parallel_loop3A_320, %parallel_loop3A_321] {strides = array<i32>} : memref<2x8x16x128xf32, #tpu.memory_space<vmem>>, vector<16xf32>,
        %parallel_loop3A_323 = arith.constant 0 : i32
        %parallel_loop3A_324 = arith.constant 5 : i32
        %parallel_loop3A_325 = arith.index_cast %parallel_loop3A_323 : i32 to index
        %parallel_loop3A_326 = arith.index_cast %parallel_loop3A_324 : i32 to index
        %parallel_loop3A_327 = arith.index_cast %parallel_loop3A_221 : i32 to index
        %parallel_loop3A_328 = arith.index_cast %parallel_loop3A_239 : i32 to index
        %parallel_loop3A_329 = tpu.vector_load %arg12[%parallel_loop3A_325, %parallel_loop3A_326, %parallel_loop3A_327, %parallel_loop3A_328] {strides = array<i32>} : memref<2x8x16x128xf32, #tpu.memory_space<vmem>>, vector<16xf32>,
        %parallel_loop3A_330 = arith.constant 16 : i32
        %parallel_loop3A_331 = vector.broadcast %parallel_loop3A_330 : i32 to vector<16xi32>
        %parallel_loop3A_332 = arith.shli %parallel_loop3A_315, %parallel_loop3A_331 : vector<16xi32>
        %parallel_loop3A_333 = tpu.bitcast %parallel_loop3A_332 : vector<16xi32> -> vector<16xf32>
        %parallel_loop3A_334 = arith.constant -65536 : i32
        %parallel_loop3A_335 = vector.broadcast %parallel_loop3A_334 : i32 to vector<16xi32>
        %parallel_loop3A_336 = arith.andi %parallel_loop3A_315, %parallel_loop3A_335 : vector<16xi32>
        %parallel_loop3A_337 = tpu.bitcast %parallel_loop3A_336 : vector<16xi32> -> vector<16xf32>
        %parallel_loop3A_338 = arith.mulf %parallel_loop3A_322, %parallel_loop3A_322 : vector<16xf32>
        %parallel_loop3A_339 = arith.mulf %parallel_loop3A_329, %parallel_loop3A_329 : vector<16xf32>
        %parallel_loop3A_340 = arith.addf %parallel_loop3A_338, %parallel_loop3A_339 : vector<16xf32>
        %parallel_loop3A_341 = arith.addf %parallel_loop3A_307, %parallel_loop3A_340 : vector<16xf32>
        %parallel_loop3A_342 = arith.mulf %parallel_loop3A_333, %parallel_loop3A_322 : vector<16xf32>
        %parallel_loop3A_343 = arith.mulf %parallel_loop3A_337, %parallel_loop3A_329 : vector<16xf32>
        %parallel_loop3A_344 = arith.addf %parallel_loop3A_342, %parallel_loop3A_343 : vector<16xf32>
        %parallel_loop3A_345 = arith.addf %parallel_loop3A_311, %parallel_loop3A_344 : vector<16xf32>
        %parallel_loop3A_346 = arith.constant 300 : i32
        %parallel_loop3A_347 = vector.broadcast %parallel_loop3A_346 : i32 to vector<16xi32>
        %parallel_loop3A_348 = arith.addi %parallel_loop3A_243, %parallel_loop3A_347 : vector<16xi32>
        %parallel_loop3A_349 = tpu.vector_load_idx %arg8[%parallel_loop3A_348] : memref<12800xi32, #tpu.memory_space<vmem>>[vector<16xi32>], vector<16xi32>,
        %parallel_loop3A_350 = arith.constant 0 : i32
        %parallel_loop3A_351 = arith.constant 6 : i32
        %parallel_loop3A_352 = arith.index_cast %parallel_loop3A_350 : i32 to index
        %parallel_loop3A_353 = arith.index_cast %parallel_loop3A_351 : i32 to index
        %parallel_loop3A_354 = arith.index_cast %parallel_loop3A_221 : i32 to index
        %parallel_loop3A_355 = arith.index_cast %parallel_loop3A_239 : i32 to index
        %parallel_loop3A_356 = tpu.vector_load %arg12[%parallel_loop3A_352, %parallel_loop3A_353, %parallel_loop3A_354, %parallel_loop3A_355] {strides = array<i32>} : memref<2x8x16x128xf32, #tpu.memory_space<vmem>>, vector<16xf32>,
        %parallel_loop3A_357 = arith.constant 0 : i32
        %parallel_loop3A_358 = arith.constant 7 : i32
        %parallel_loop3A_359 = arith.index_cast %parallel_loop3A_357 : i32 to index
        %parallel_loop3A_360 = arith.index_cast %parallel_loop3A_358 : i32 to index
        %parallel_loop3A_361 = arith.index_cast %parallel_loop3A_221 : i32 to index
        %parallel_loop3A_362 = arith.index_cast %parallel_loop3A_239 : i32 to index
        %parallel_loop3A_363 = tpu.vector_load %arg12[%parallel_loop3A_359, %parallel_loop3A_360, %parallel_loop3A_361, %parallel_loop3A_362] {strides = array<i32>} : memref<2x8x16x128xf32, #tpu.memory_space<vmem>>, vector<16xf32>,
        %parallel_loop3A_364 = arith.constant 16 : i32
        %parallel_loop3A_365 = vector.broadcast %parallel_loop3A_364 : i32 to vector<16xi32>
        %parallel_loop3A_366 = arith.shli %parallel_loop3A_349, %parallel_loop3A_365 : vector<16xi32>
        %parallel_loop3A_367 = tpu.bitcast %parallel_loop3A_366 : vector<16xi32> -> vector<16xf32>
        %parallel_loop3A_368 = arith.constant -65536 : i32
        %parallel_loop3A_369 = vector.broadcast %parallel_loop3A_368 : i32 to vector<16xi32>
        %parallel_loop3A_370 = arith.andi %parallel_loop3A_349, %parallel_loop3A_369 : vector<16xi32>
        %parallel_loop3A_371 = tpu.bitcast %parallel_loop3A_370 : vector<16xi32> -> vector<16xf32>
        %parallel_loop3A_372 = arith.mulf %parallel_loop3A_356, %parallel_loop3A_356 : vector<16xf32>
        %parallel_loop3A_373 = arith.mulf %parallel_loop3A_363, %parallel_loop3A_363 : vector<16xf32>
        %parallel_loop3A_374 = arith.addf %parallel_loop3A_372, %parallel_loop3A_373 : vector<16xf32>
        %parallel_loop3A_375 = arith.addf %parallel_loop3A_341, %parallel_loop3A_374 : vector<16xf32>
        %parallel_loop3A_376 = arith.mulf %parallel_loop3A_367, %parallel_loop3A_356 : vector<16xf32>
        %parallel_loop3A_377 = arith.mulf %parallel_loop3A_371, %parallel_loop3A_363 : vector<16xf32>
        %parallel_loop3A_378 = arith.addf %parallel_loop3A_376, %parallel_loop3A_377 : vector<16xf32>
        %parallel_loop3A_379 = arith.addf %parallel_loop3A_345, %parallel_loop3A_378 : vector<16xf32>
        %parallel_loop3A_380 = arith.index_cast %parallel_loop3A_197 : i32 to index
        %parallel_loop3A_381 = tpu.vector_load %arg13[%parallel_loop3A_380] {strides = array<i32>} : memref<2048xf32, #tpu.memory_space<vmem>>, vector<16xf32>,
        %parallel_loop3A_382 = arith.addf %parallel_loop3A_381, %parallel_loop3A_375 : vector<16xf32>
        %parallel_loop3A_383 = arith.index_cast %parallel_loop3A_197 : i32 to index
        %parallel_loop3A_384 = tpu.vector_load %arg13[%parallel_loop3A_383] {strides = array<i32>} : memref<2048xf32, #tpu.memory_space<vmem>>, vector<16xf32>,
        tpu.vector_store %arg13[%parallel_loop3A_383], %parallel_loop3A_382 {strides = array<i32>} : memref<2048xf32, #tpu.memory_space<vmem>>, vector<16xf32>,
        %parallel_loop3A_385 = arith.index_cast %parallel_loop3A_197 : i32 to index
        %parallel_loop3A_386 = tpu.vector_load %arg14[%parallel_loop3A_385] {strides = array<i32>} : memref<2048xf32, #tpu.memory_space<vmem>>, vector<16xf32>,
        %parallel_loop3A_387 = arith.addf %parallel_loop3A_386, %parallel_loop3A_379 : vector<16xf32>
        %parallel_loop3A_388 = arith.index_cast %parallel_loop3A_197 : i32 to index
        %parallel_loop3A_389 = tpu.vector_load %arg14[%parallel_loop3A_388] {strides = array<i32>} : memref<2048xf32, #tpu.memory_space<vmem>>, vector<16xf32>,
        tpu.vector_store %arg14[%parallel_loop3A_388], %parallel_loop3A_387 {strides = array<i32>} : memref<2048xf32, #tpu.memory_space<vmem>>, vector<16xf32>,
      } {sc.loop_unroll_factor = 4 : i64, sc.parallel_access}
      %add3A_150 = arith.constant 0 : i32
      %add3A_151 = arith.addi %mul3A_122, %add3A_150 : i32
      %add3A_152 = arith.constant 2 : i32
      %add3A_153 = arith.addi %add3A_151, %add3A_152 : i32
      %lt3A_154 = arith.constant 32 : i32
      %lt3A_155 = arith.cmpi slt, %add3A_153, %lt3A_154 : i32
      %convert_element_type3A = arith.extui %lt3A_155 : i1 to i32
      %cond3A = arith.constant 0 : i32
      %cond3A_156 = arith.cmpi ne, %convert_element_type3A, %cond3A : i32
      scf.if %cond3A_156 {
        %add3A_195 = arith.constant 0 : i32
        %add3A_196 = arith.addi %mul3A_122, %add3A_195 : i32
        %add3A_197 = arith.constant 2 : i32
        %add3A_198 = arith.addi %add3A_196, %add3A_197 : i32
        %mul3A_199 = arith.constant 8 : i32
        %mul3A_200 = arith.muli %add3A_198, %mul3A_199 : i32
        %dma_start3A_201 = arith.constant 0 : i32
        %dma_start3A_202 = arith.constant 0 : i32
        %dma_start3A_203 = arith.constant 0 : i32
        %dma_start3A_204 = arith.constant 0 : i32
        %dma_start3A_205 = tpu.memref_slice %arg12[%dma_start3A_201, %dma_start3A_202, %dma_start3A_203, %dma_start3A_204] : memref<2x8x16x128xf32, #tpu.memory_space<vmem>> -> memref<1x8x16x128xf32, #tpu.memory_space<vmem>>
        %dma_start3A_206 = tpu.memref_squeeze %dma_start3A_205 : memref<1x8x16x128xf32, #tpu.memory_space<vmem>> -> memref<8x16x128xf32, #tpu.memory_space<vmem>>
        %dma_start3A_207 = arith.constant 0 : i32
        %dma_start3A_208 = tpu.memref_slice %arg2[%select_n3A, %mul3A_200, %mul3A_32, %dma_start3A_207] : memref<8x256x128x128xf32, #tpu.memory_space<hbm>> -> memref<1x8x16x128xf32, #tpu.memory_space<hbm>>
        %dma_start3A_209 = tpu.memref_squeeze %dma_start3A_208 : memref<1x8x16x128xf32, #tpu.memory_space<hbm>> -> memref<8x16x128xf32, #tpu.memory_space<hbm>>
        %dma_start3A_210 = arith.constant 0 : i32
        %dma_start3A_211 = arith.constant 0 : i32
        %dma_start3A_212 = arith.constant 0 : i32
        %dma_start3A_213 = tpu.memref_slice %arg12[%dma_start3A_201, %dma_start3A_210, %dma_start3A_211, %dma_start3A_212] : memref<2x8x16x128xf32, #tpu.memory_space<vmem>> -> memref<1x8x16x128xf32, #tpu.memory_space<vmem>>
        %dma_start3A_214 = tpu.memref_squeeze %dma_start3A_213 : memref<1x8x16x128xf32, #tpu.memory_space<vmem>> -> memref<8x16x128xf32, #tpu.memory_space<vmem>>
        %dma_start3A_215 = arith.constant 0 : i32
        %dma_start3A_216 = tpu.memref_slice %arg2[%select_n3A, %mul3A_200, %mul3A_32, %dma_start3A_215] : memref<8x256x128x128xf32, #tpu.memory_space<hbm>> -> memref<1x8x16x128xf32, #tpu.memory_space<hbm>>
        %dma_start3A_217 = tpu.memref_squeeze %dma_start3A_216 : memref<1x8x16x128xf32, #tpu.memory_space<hbm>> -> memref<8x16x128xf32, #tpu.memory_space<hbm>>
        tpu.enqueue_dma source(%dma_start3A_217 : memref<8x16x128xf32, #tpu.memory_space<hbm>>) target(%dma_start3A_214 : memref<8x16x128xf32, #tpu.memory_space<vmem>>) target_semaphore(%arg16 : memref<!tpu.dma_semaphore, #tpu.memory_space<semaphore_mem>>)
      } else {
      }
      %add3A_157 = arith.constant 1 : i32
      %add3A_158 = arith.addi %mul3A_122, %add3A_157 : i32
      %mul3A_159 = arith.constant 8 : i32
      %mul3A_160 = arith.muli %add3A_158, %mul3A_159 : i32
      %dma_wait3A_161 = arith.constant 1 : i32
      %dma_wait3A_162 = arith.constant 0 : i32
      %dma_wait3A_163 = arith.constant 0 : i32
      %dma_wait3A_164 = arith.constant 0 : i32
      %dma_wait3A_165 = tpu.memref_slice %arg12[%dma_wait3A_161, %dma_wait3A_162, %dma_wait3A_163, %dma_wait3A_164] : memref<2x8x16x128xf32, #tpu.memory_space<vmem>> -> memref<1x8x16x128xf32, #tpu.memory_space<vmem>>
      %dma_wait3A_166 = tpu.memref_squeeze %dma_wait3A_165 : memref<1x8x16x128xf32, #tpu.memory_space<vmem>> -> memref<8x16x128xf32, #tpu.memory_space<vmem>>
      %dma_wait3A_167 = arith.constant 0 : i32
      %dma_wait3A_168 = tpu.memref_slice %arg2[%select_n3A, %mul3A_160, %mul3A_32, %dma_wait3A_167] : memref<8x256x128x128xf32, #tpu.memory_space<hbm>> -> memref<1x8x16x128xf32, #tpu.memory_space<hbm>>
      %dma_wait3A_169 = tpu.memref_squeeze %dma_wait3A_168 : memref<1x8x16x128xf32, #tpu.memory_space<hbm>> -> memref<8x16x128xf32, #tpu.memory_space<hbm>>
      %dma_wait3A_170 = arith.constant 0 : i32
      %dma_wait3A_171 = arith.constant 0 : i32
      %dma_wait3A_172 = arith.constant 0 : i32
      %dma_wait3A_173 = tpu.memref_slice %arg12[%dma_wait3A_161, %dma_wait3A_170, %dma_wait3A_171, %dma_wait3A_172] : memref<2x8x16x128xf32, #tpu.memory_space<vmem>> -> memref<1x8x16x128xf32, #tpu.memory_space<vmem>>
      %dma_wait3A_174 = tpu.memref_squeeze %dma_wait3A_173 : memref<1x8x16x128xf32, #tpu.memory_space<vmem>> -> memref<8x16x128xf32, #tpu.memory_space<vmem>>
      %dma_wait3A_175 = arith.constant 0 : i32
      %dma_wait3A_176 = tpu.memref_slice %arg2[%select_n3A, %mul3A_160, %mul3A_32, %dma_wait3A_175] : memref<8x256x128x128xf32, #tpu.memory_space<hbm>> -> memref<1x8x16x128xf32, #tpu.memory_space<hbm>>
      %dma_wait3A_177 = tpu.memref_squeeze %dma_wait3A_176 : memref<1x8x16x128xf32, #tpu.memory_space<hbm>> -> memref<8x16x128xf32, #tpu.memory_space<hbm>>
      tpu.wait_dma2 semaphore(%arg16 : memref<!tpu.dma_semaphore, #tpu.memory_space<semaphore_mem>>) src(%dma_wait3A_177 : memref<8x16x128xf32, #tpu.memory_space<hbm>>) dst(%dma_wait3A_174 : memref<8x16x128xf32, #tpu.memory_space<vmem>>)
      %add3A_178 = arith.constant 1 : i32
      %add3A_179 = arith.addi %mul3A_122, %add3A_178 : i32
      %mul3A_180 = arith.constant 400 : i32
      %mul3A_181 = arith.muli %add3A_179, %mul3A_180 : i32
      %parallel_loop3A_182 = arith.constant 0 : i32
      %parallel_loop3A_183 = arith.constant 128 : i32
      %parallel_loop3A_184 = arith.constant 1 : i32
      scf.for %parallel_loop3A_195 = %parallel_loop3A_182 to %parallel_loop3A_183 step %parallel_loop3A_184  : i32 {
        %parallel_loop3A_196 = arith.constant 16 : i32
        %parallel_loop3A_197 = arith.muli %parallel_loop3A_195, %parallel_loop3A_196 : i32
        %parallel_loop3A_198 = arith.constant 8 : i32
        %parallel_loop3A_199 = arith.divsi %parallel_loop3A_195, %parallel_loop3A_198 : i32
        %parallel_loop3A_200 = arith.constant 0 : i32
        %parallel_loop3A_201 = arith.cmpi sgt, %parallel_loop3A_195, %parallel_loop3A_200 : i32
        %parallel_loop3A_202 = arith.extui %parallel_loop3A_201 : i1 to i32
        %parallel_loop3A_203 = arith.constant 0 : i32
        %parallel_loop3A_204 = arith.cmpi slt, %parallel_loop3A_195, %parallel_loop3A_203 : i32
        %parallel_loop3A_205 = arith.extui %parallel_loop3A_204 : i1 to i32
        %parallel_loop3A_206 = arith.subi %parallel_loop3A_202, %parallel_loop3A_205 : i32
        %parallel_loop3A_207 = arith.constant 0 : i32
        %parallel_loop3A_208 = arith.cmpi sgt, %parallel_loop3A_198, %parallel_loop3A_207 : i32
        %parallel_loop3A_209 = arith.extui %parallel_loop3A_208 : i1 to i32
        %parallel_loop3A_210 = arith.constant 0 : i32
        %parallel_loop3A_211 = arith.cmpi slt, %parallel_loop3A_198, %parallel_loop3A_210 : i32
        %parallel_loop3A_212 = arith.extui %parallel_loop3A_211 : i1 to i32
        %parallel_loop3A_213 = arith.subi %parallel_loop3A_209, %parallel_loop3A_212 : i32
        %parallel_loop3A_214 = arith.cmpi ne, %parallel_loop3A_206, %parallel_loop3A_213 : i32
        %parallel_loop3A_215 = arith.remsi %parallel_loop3A_195, %parallel_loop3A_198 : i32
        %parallel_loop3A_216 = arith.constant 0 : i32
        %parallel_loop3A_217 = arith.cmpi ne, %parallel_loop3A_215, %parallel_loop3A_216 : i32
        %parallel_loop3A_218 = arith.andi %parallel_loop3A_214, %parallel_loop3A_217 : i1
        %parallel_loop3A_219 = arith.constant 1 : i32
        %parallel_loop3A_220 = arith.subi %parallel_loop3A_199, %parallel_loop3A_219 : i32
        %parallel_loop3A_221 = arith.select %parallel_loop3A_218, %parallel_loop3A_220, %parallel_loop3A_199 : i32
        %parallel_loop3A_222 = arith.constant 8 : i32
        %parallel_loop3A_223 = arith.constant 0 : i32
        %parallel_loop3A_224 = arith.cmpi eq, %parallel_loop3A_222, %parallel_loop3A_223 : i32
        %parallel_loop3A_225 = arith.constant 1 : i32
        %parallel_loop3A_226 = arith.select %parallel_loop3A_224, %parallel_loop3A_225, %parallel_loop3A_222 : i32
        %parallel_loop3A_227 = arith.remsi %parallel_loop3A_195, %parallel_loop3A_226 : i32
        %parallel_loop3A_228 = arith.constant 0 : i32
        %parallel_loop3A_229 = arith.cmpi ne, %parallel_loop3A_227, %parallel_loop3A_228 : i32
        %parallel_loop3A_230 = arith.constant 0 : i32
        %parallel_loop3A_231 = arith.cmpi slt, %parallel_loop3A_227, %parallel_loop3A_230 : i32
        %parallel_loop3A_232 = arith.constant 0 : i32
        %parallel_loop3A_233 = arith.cmpi slt, %parallel_loop3A_226, %parallel_loop3A_232 : i32
        %parallel_loop3A_234 = arith.xori %parallel_loop3A_231, %parallel_loop3A_233 : i1
        %parallel_loop3A_235 = arith.andi %parallel_loop3A_234, %parallel_loop3A_229 : i1
        %parallel_loop3A_236 = arith.addi %parallel_loop3A_227, %parallel_loop3A_226 : i32
        %parallel_loop3A_237 = arith.select %parallel_loop3A_235, %parallel_loop3A_236, %parallel_loop3A_227 : i32
        %parallel_loop3A_238 = arith.constant 16 : i32
        %parallel_loop3A_239 = arith.muli %parallel_loop3A_237, %parallel_loop3A_238 : i32
        %parallel_loop3A_240 = arith.index_cast %parallel_loop3A_197 : i32 to index
        %parallel_loop3A_241 = tpu.vector_load %arg10[%parallel_loop3A_240] {strides = array<i32>} : memref<2048xi32, #tpu.memory_space<vmem>>, vector<16xi32>,
        %parallel_loop3A_242 = vector.broadcast %mul3A_181 : i32 to vector<16xi32>
        %parallel_loop3A_243 = arith.addi %parallel_loop3A_241, %parallel_loop3A_242 : vector<16xi32>
        %parallel_loop3A_244 = arith.constant 0 : i32
        %parallel_loop3A_245 = vector.broadcast %parallel_loop3A_244 : i32 to vector<16xi32>
        %parallel_loop3A_246 = arith.addi %parallel_loop3A_243, %parallel_loop3A_245 : vector<16xi32>
        %parallel_loop3A_247 = tpu.vector_load_idx %arg8[%parallel_loop3A_246] : memref<12800xi32, #tpu.memory_space<vmem>>[vector<16xi32>], vector<16xi32>,
        %parallel_loop3A_248 = arith.constant 1 : i32
        %parallel_loop3A_249 = arith.constant 0 : i32
        %parallel_loop3A_250 = arith.index_cast %parallel_loop3A_248 : i32 to index
        %parallel_loop3A_251 = arith.index_cast %parallel_loop3A_249 : i32 to index
        %parallel_loop3A_252 = arith.index_cast %parallel_loop3A_221 : i32 to index
        %parallel_loop3A_253 = arith.index_cast %parallel_loop3A_239 : i32 to index
        %parallel_loop3A_254 = tpu.vector_load %arg12[%parallel_loop3A_250, %parallel_loop3A_251, %parallel_loop3A_252, %parallel_loop3A_253] {strides = array<i32>} : memref<2x8x16x128xf32, #tpu.memory_space<vmem>>, vector<16xf32>,
        %parallel_loop3A_255 = arith.constant 1 : i32
        %parallel_loop3A_256 = arith.constant 1 : i32
        %parallel_loop3A_257 = arith.index_cast %parallel_loop3A_255 : i32 to index
        %parallel_loop3A_258 = arith.index_cast %parallel_loop3A_256 : i32 to index
        %parallel_loop3A_259 = arith.index_cast %parallel_loop3A_221 : i32 to index
        %parallel_loop3A_260 = arith.index_cast %parallel_loop3A_239 : i32 to index
        %parallel_loop3A_261 = tpu.vector_load %arg12[%parallel_loop3A_257, %parallel_loop3A_258, %parallel_loop3A_259, %parallel_loop3A_260] {strides = array<i32>} : memref<2x8x16x128xf32, #tpu.memory_space<vmem>>, vector<16xf32>,
        %parallel_loop3A_262 = arith.constant 16 : i32
        %parallel_loop3A_263 = vector.broadcast %parallel_loop3A_262 : i32 to vector<16xi32>
        %parallel_loop3A_264 = arith.shli %parallel_loop3A_247, %parallel_loop3A_263 : vector<16xi32>
        %parallel_loop3A_265 = tpu.bitcast %parallel_loop3A_264 : vector<16xi32> -> vector<16xf32>
        %parallel_loop3A_266 = arith.constant -65536 : i32
        %parallel_loop3A_267 = vector.broadcast %parallel_loop3A_266 : i32 to vector<16xi32>
        %parallel_loop3A_268 = arith.andi %parallel_loop3A_247, %parallel_loop3A_267 : vector<16xi32>
        %parallel_loop3A_269 = tpu.bitcast %parallel_loop3A_268 : vector<16xi32> -> vector<16xf32>
        %parallel_loop3A_270 = arith.mulf %parallel_loop3A_254, %parallel_loop3A_254 : vector<16xf32>
        %parallel_loop3A_271 = arith.mulf %parallel_loop3A_261, %parallel_loop3A_261 : vector<16xf32>
        %parallel_loop3A_272 = arith.addf %parallel_loop3A_270, %parallel_loop3A_271 : vector<16xf32>
        %parallel_loop3A_273 = arith.addf %broadcast_in_dim3A_33, %parallel_loop3A_272 : vector<16xf32>
        %parallel_loop3A_274 = arith.mulf %parallel_loop3A_265, %parallel_loop3A_254 : vector<16xf32>
        %parallel_loop3A_275 = arith.mulf %parallel_loop3A_269, %parallel_loop3A_261 : vector<16xf32>
        %parallel_loop3A_276 = arith.addf %parallel_loop3A_274, %parallel_loop3A_275 : vector<16xf32>
        %parallel_loop3A_277 = arith.addf %broadcast_in_dim3A_33, %parallel_loop3A_276 : vector<16xf32>
        %parallel_loop3A_278 = arith.constant 100 : i32
        %parallel_loop3A_279 = vector.broadcast %parallel_loop3A_278 : i32 to vector<16xi32>
        %parallel_loop3A_280 = arith.addi %parallel_loop3A_243, %parallel_loop3A_279 : vector<16xi32>
        %parallel_loop3A_281 = tpu.vector_load_idx %arg8[%parallel_loop3A_280] : memref<12800xi32, #tpu.memory_space<vmem>>[vector<16xi32>], vector<16xi32>,
        %parallel_loop3A_282 = arith.constant 1 : i32
        %parallel_loop3A_283 = arith.constant 2 : i32
        %parallel_loop3A_284 = arith.index_cast %parallel_loop3A_282 : i32 to index
        %parallel_loop3A_285 = arith.index_cast %parallel_loop3A_283 : i32 to index
        %parallel_loop3A_286 = arith.index_cast %parallel_loop3A_221 : i32 to index
        %parallel_loop3A_287 = arith.index_cast %parallel_loop3A_239 : i32 to index
        %parallel_loop3A_288 = tpu.vector_load %arg12[%parallel_loop3A_284, %parallel_loop3A_285, %parallel_loop3A_286, %parallel_loop3A_287] {strides = array<i32>} : memref<2x8x16x128xf32, #tpu.memory_space<vmem>>, vector<16xf32>,
        %parallel_loop3A_289 = arith.constant 1 : i32
        %parallel_loop3A_290 = arith.constant 3 : i32
        %parallel_loop3A_291 = arith.index_cast %parallel_loop3A_289 : i32 to index
        %parallel_loop3A_292 = arith.index_cast %parallel_loop3A_290 : i32 to index
        %parallel_loop3A_293 = arith.index_cast %parallel_loop3A_221 : i32 to index
        %parallel_loop3A_294 = arith.index_cast %parallel_loop3A_239 : i32 to index
        %parallel_loop3A_295 = tpu.vector_load %arg12[%parallel_loop3A_291, %parallel_loop3A_292, %parallel_loop3A_293, %parallel_loop3A_294] {strides = array<i32>} : memref<2x8x16x128xf32, #tpu.memory_space<vmem>>, vector<16xf32>,
        %parallel_loop3A_296 = arith.constant 16 : i32
        %parallel_loop3A_297 = vector.broadcast %parallel_loop3A_296 : i32 to vector<16xi32>
        %parallel_loop3A_298 = arith.shli %parallel_loop3A_281, %parallel_loop3A_297 : vector<16xi32>
        %parallel_loop3A_299 = tpu.bitcast %parallel_loop3A_298 : vector<16xi32> -> vector<16xf32>
        %parallel_loop3A_300 = arith.constant -65536 : i32
        %parallel_loop3A_301 = vector.broadcast %parallel_loop3A_300 : i32 to vector<16xi32>
        %parallel_loop3A_302 = arith.andi %parallel_loop3A_281, %parallel_loop3A_301 : vector<16xi32>
        %parallel_loop3A_303 = tpu.bitcast %parallel_loop3A_302 : vector<16xi32> -> vector<16xf32>
        %parallel_loop3A_304 = arith.mulf %parallel_loop3A_288, %parallel_loop3A_288 : vector<16xf32>
        %parallel_loop3A_305 = arith.mulf %parallel_loop3A_295, %parallel_loop3A_295 : vector<16xf32>
        %parallel_loop3A_306 = arith.addf %parallel_loop3A_304, %parallel_loop3A_305 : vector<16xf32>
        %parallel_loop3A_307 = arith.addf %parallel_loop3A_273, %parallel_loop3A_306 : vector<16xf32>
        %parallel_loop3A_308 = arith.mulf %parallel_loop3A_299, %parallel_loop3A_288 : vector<16xf32>
        %parallel_loop3A_309 = arith.mulf %parallel_loop3A_303, %parallel_loop3A_295 : vector<16xf32>
        %parallel_loop3A_310 = arith.addf %parallel_loop3A_308, %parallel_loop3A_309 : vector<16xf32>
        %parallel_loop3A_311 = arith.addf %parallel_loop3A_277, %parallel_loop3A_310 : vector<16xf32>
        %parallel_loop3A_312 = arith.constant 200 : i32
        %parallel_loop3A_313 = vector.broadcast %parallel_loop3A_312 : i32 to vector<16xi32>
        %parallel_loop3A_314 = arith.addi %parallel_loop3A_243, %parallel_loop3A_313 : vector<16xi32>
        %parallel_loop3A_315 = tpu.vector_load_idx %arg8[%parallel_loop3A_314] : memref<12800xi32, #tpu.memory_space<vmem>>[vector<16xi32>], vector<16xi32>,
        %parallel_loop3A_316 = arith.constant 1 : i32
        %parallel_loop3A_317 = arith.constant 4 : i32
        %parallel_loop3A_318 = arith.index_cast %parallel_loop3A_316 : i32 to index
        %parallel_loop3A_319 = arith.index_cast %parallel_loop3A_317 : i32 to index
        %parallel_loop3A_320 = arith.index_cast %parallel_loop3A_221 : i32 to index
        %parallel_loop3A_321 = arith.index_cast %parallel_loop3A_239 : i32 to index
        %parallel_loop3A_322 = tpu.vector_load %arg12[%parallel_loop3A_318, %parallel_loop3A_319, %parallel_loop3A_320, %parallel_loop3A_321] {strides = array<i32>} : memref<2x8x16x128xf32, #tpu.memory_space<vmem>>, vector<16xf32>,
        %parallel_loop3A_323 = arith.constant 1 : i32
        %parallel_loop3A_324 = arith.constant 5 : i32
        %parallel_loop3A_325 = arith.index_cast %parallel_loop3A_323 : i32 to index
        %parallel_loop3A_326 = arith.index_cast %parallel_loop3A_324 : i32 to index
        %parallel_loop3A_327 = arith.index_cast %parallel_loop3A_221 : i32 to index
        %parallel_loop3A_328 = arith.index_cast %parallel_loop3A_239 : i32 to index
        %parallel_loop3A_329 = tpu.vector_load %arg12[%parallel_loop3A_325, %parallel_loop3A_326, %parallel_loop3A_327, %parallel_loop3A_328] {strides = array<i32>} : memref<2x8x16x128xf32, #tpu.memory_space<vmem>>, vector<16xf32>,
        %parallel_loop3A_330 = arith.constant 16 : i32
        %parallel_loop3A_331 = vector.broadcast %parallel_loop3A_330 : i32 to vector<16xi32>
        %parallel_loop3A_332 = arith.shli %parallel_loop3A_315, %parallel_loop3A_331 : vector<16xi32>
        %parallel_loop3A_333 = tpu.bitcast %parallel_loop3A_332 : vector<16xi32> -> vector<16xf32>
        %parallel_loop3A_334 = arith.constant -65536 : i32
        %parallel_loop3A_335 = vector.broadcast %parallel_loop3A_334 : i32 to vector<16xi32>
        %parallel_loop3A_336 = arith.andi %parallel_loop3A_315, %parallel_loop3A_335 : vector<16xi32>
        %parallel_loop3A_337 = tpu.bitcast %parallel_loop3A_336 : vector<16xi32> -> vector<16xf32>
        %parallel_loop3A_338 = arith.mulf %parallel_loop3A_322, %parallel_loop3A_322 : vector<16xf32>
        %parallel_loop3A_339 = arith.mulf %parallel_loop3A_329, %parallel_loop3A_329 : vector<16xf32>
        %parallel_loop3A_340 = arith.addf %parallel_loop3A_338, %parallel_loop3A_339 : vector<16xf32>
        %parallel_loop3A_341 = arith.addf %parallel_loop3A_307, %parallel_loop3A_340 : vector<16xf32>
        %parallel_loop3A_342 = arith.mulf %parallel_loop3A_333, %parallel_loop3A_322 : vector<16xf32>
        %parallel_loop3A_343 = arith.mulf %parallel_loop3A_337, %parallel_loop3A_329 : vector<16xf32>
        %parallel_loop3A_344 = arith.addf %parallel_loop3A_342, %parallel_loop3A_343 : vector<16xf32>
        %parallel_loop3A_345 = arith.addf %parallel_loop3A_311, %parallel_loop3A_344 : vector<16xf32>
        %parallel_loop3A_346 = arith.constant 300 : i32
        %parallel_loop3A_347 = vector.broadcast %parallel_loop3A_346 : i32 to vector<16xi32>
        %parallel_loop3A_348 = arith.addi %parallel_loop3A_243, %parallel_loop3A_347 : vector<16xi32>
        %parallel_loop3A_349 = tpu.vector_load_idx %arg8[%parallel_loop3A_348] : memref<12800xi32, #tpu.memory_space<vmem>>[vector<16xi32>], vector<16xi32>,
        %parallel_loop3A_350 = arith.constant 1 : i32
        %parallel_loop3A_351 = arith.constant 6 : i32
        %parallel_loop3A_352 = arith.index_cast %parallel_loop3A_350 : i32 to index
        %parallel_loop3A_353 = arith.index_cast %parallel_loop3A_351 : i32 to index
        %parallel_loop3A_354 = arith.index_cast %parallel_loop3A_221 : i32 to index
        %parallel_loop3A_355 = arith.index_cast %parallel_loop3A_239 : i32 to index
        %parallel_loop3A_356 = tpu.vector_load %arg12[%parallel_loop3A_352, %parallel_loop3A_353, %parallel_loop3A_354, %parallel_loop3A_355] {strides = array<i32>} : memref<2x8x16x128xf32, #tpu.memory_space<vmem>>, vector<16xf32>,
        %parallel_loop3A_357 = arith.constant 1 : i32
        %parallel_loop3A_358 = arith.constant 7 : i32
        %parallel_loop3A_359 = arith.index_cast %parallel_loop3A_357 : i32 to index
        %parallel_loop3A_360 = arith.index_cast %parallel_loop3A_358 : i32 to index
        %parallel_loop3A_361 = arith.index_cast %parallel_loop3A_221 : i32 to index
        %parallel_loop3A_362 = arith.index_cast %parallel_loop3A_239 : i32 to index
        %parallel_loop3A_363 = tpu.vector_load %arg12[%parallel_loop3A_359, %parallel_loop3A_360, %parallel_loop3A_361, %parallel_loop3A_362] {strides = array<i32>} : memref<2x8x16x128xf32, #tpu.memory_space<vmem>>, vector<16xf32>,
        %parallel_loop3A_364 = arith.constant 16 : i32
        %parallel_loop3A_365 = vector.broadcast %parallel_loop3A_364 : i32 to vector<16xi32>
        %parallel_loop3A_366 = arith.shli %parallel_loop3A_349, %parallel_loop3A_365 : vector<16xi32>
        %parallel_loop3A_367 = tpu.bitcast %parallel_loop3A_366 : vector<16xi32> -> vector<16xf32>
        %parallel_loop3A_368 = arith.constant -65536 : i32
        %parallel_loop3A_369 = vector.broadcast %parallel_loop3A_368 : i32 to vector<16xi32>
        %parallel_loop3A_370 = arith.andi %parallel_loop3A_349, %parallel_loop3A_369 : vector<16xi32>
        %parallel_loop3A_371 = tpu.bitcast %parallel_loop3A_370 : vector<16xi32> -> vector<16xf32>
        %parallel_loop3A_372 = arith.mulf %parallel_loop3A_356, %parallel_loop3A_356 : vector<16xf32>
        %parallel_loop3A_373 = arith.mulf %parallel_loop3A_363, %parallel_loop3A_363 : vector<16xf32>
        %parallel_loop3A_374 = arith.addf %parallel_loop3A_372, %parallel_loop3A_373 : vector<16xf32>
        %parallel_loop3A_375 = arith.addf %parallel_loop3A_341, %parallel_loop3A_374 : vector<16xf32>
        %parallel_loop3A_376 = arith.mulf %parallel_loop3A_367, %parallel_loop3A_356 : vector<16xf32>
        %parallel_loop3A_377 = arith.mulf %parallel_loop3A_371, %parallel_loop3A_363 : vector<16xf32>
        %parallel_loop3A_378 = arith.addf %parallel_loop3A_376, %parallel_loop3A_377 : vector<16xf32>
        %parallel_loop3A_379 = arith.addf %parallel_loop3A_345, %parallel_loop3A_378 : vector<16xf32>
        %parallel_loop3A_380 = arith.index_cast %parallel_loop3A_197 : i32 to index
        %parallel_loop3A_381 = tpu.vector_load %arg13[%parallel_loop3A_380] {strides = array<i32>} : memref<2048xf32, #tpu.memory_space<vmem>>, vector<16xf32>,
        %parallel_loop3A_382 = arith.addf %parallel_loop3A_381, %parallel_loop3A_375 : vector<16xf32>
        %parallel_loop3A_383 = arith.index_cast %parallel_loop3A_197 : i32 to index
        %parallel_loop3A_384 = tpu.vector_load %arg13[%parallel_loop3A_383] {strides = array<i32>} : memref<2048xf32, #tpu.memory_space<vmem>>, vector<16xf32>,
        tpu.vector_store %arg13[%parallel_loop3A_383], %parallel_loop3A_382 {strides = array<i32>} : memref<2048xf32, #tpu.memory_space<vmem>>, vector<16xf32>,
        %parallel_loop3A_385 = arith.index_cast %parallel_loop3A_197 : i32 to index
        %parallel_loop3A_386 = tpu.vector_load %arg14[%parallel_loop3A_385] {strides = array<i32>} : memref<2048xf32, #tpu.memory_space<vmem>>, vector<16xf32>,
        %parallel_loop3A_387 = arith.addf %parallel_loop3A_386, %parallel_loop3A_379 : vector<16xf32>
        %parallel_loop3A_388 = arith.index_cast %parallel_loop3A_197 : i32 to index
        %parallel_loop3A_389 = tpu.vector_load %arg14[%parallel_loop3A_388] {strides = array<i32>} : memref<2048xf32, #tpu.memory_space<vmem>>, vector<16xf32>,
        tpu.vector_store %arg14[%parallel_loop3A_388], %parallel_loop3A_387 {strides = array<i32>} : memref<2048xf32, #tpu.memory_space<vmem>>, vector<16xf32>,
      } {sc.loop_unroll_factor = 4 : i64, sc.parallel_access}
      %add3A_185 = arith.constant 1 : i32
      %add3A_186 = arith.addi %mul3A_122, %add3A_185 : i32
      %add3A_187 = arith.constant 2 : i32
      %add3A_188 = arith.addi %add3A_186, %add3A_187 : i32
      %lt3A_189 = arith.constant 32 : i32
      %lt3A_190 = arith.cmpi slt, %add3A_188, %lt3A_189 : i32
      %convert_element_type3A_191 = arith.extui %lt3A_190 : i1 to i32
      %cond3A_192 = arith.constant 0 : i32
      %cond3A_193 = arith.cmpi ne, %convert_element_type3A_191, %cond3A_192 : i32
      scf.if %cond3A_193 {
        %add3A_195 = arith.constant 1 : i32
        %add3A_196 = arith.addi %mul3A_122, %add3A_195 : i32
        %add3A_197 = arith.constant 2 : i32
        %add3A_198 = arith.addi %add3A_196, %add3A_197 : i32
        %mul3A_199 = arith.constant 8 : i32
        %mul3A_200 = arith.muli %add3A_198, %mul3A_199 : i32
        %dma_start3A_201 = arith.constant 1 : i32
        %dma_start3A_202 = arith.constant 0 : i32
        %dma_start3A_203 = arith.constant 0 : i32
        %dma_start3A_204 = arith.constant 0 : i32
        %dma_start3A_205 = tpu.memref_slice %arg12[%dma_start3A_201, %dma_start3A_202, %dma_start3A_203, %dma_start3A_204] : memref<2x8x16x128xf32, #tpu.memory_space<vmem>> -> memref<1x8x16x128xf32, #tpu.memory_space<vmem>>
        %dma_start3A_206 = tpu.memref_squeeze %dma_start3A_205 : memref<1x8x16x128xf32, #tpu.memory_space<vmem>> -> memref<8x16x128xf32, #tpu.memory_space<vmem>>
        %dma_start3A_207 = arith.constant 0 : i32
        %dma_start3A_208 = tpu.memref_slice %arg2[%select_n3A, %mul3A_200, %mul3A_32, %dma_start3A_207] : memref<8x256x128x128xf32, #tpu.memory_space<hbm>> -> memref<1x8x16x128xf32, #tpu.memory_space<hbm>>
        %dma_start3A_209 = tpu.memref_squeeze %dma_start3A_208 : memref<1x8x16x128xf32, #tpu.memory_space<hbm>> -> memref<8x16x128xf32, #tpu.memory_space<hbm>>
        %dma_start3A_210 = arith.constant 0 : i32
        %dma_start3A_211 = arith.constant 0 : i32
        %dma_start3A_212 = arith.constant 0 : i32
        %dma_start3A_213 = tpu.memref_slice %arg12[%dma_start3A_201, %dma_start3A_210, %dma_start3A_211, %dma_start3A_212] : memref<2x8x16x128xf32, #tpu.memory_space<vmem>> -> memref<1x8x16x128xf32, #tpu.memory_space<vmem>>
        %dma_start3A_214 = tpu.memref_squeeze %dma_start3A_213 : memref<1x8x16x128xf32, #tpu.memory_space<vmem>> -> memref<8x16x128xf32, #tpu.memory_space<vmem>>
        %dma_start3A_215 = arith.constant 0 : i32
        %dma_start3A_216 = tpu.memref_slice %arg2[%select_n3A, %mul3A_200, %mul3A_32, %dma_start3A_215] : memref<8x256x128x128xf32, #tpu.memory_space<hbm>> -> memref<1x8x16x128xf32, #tpu.memory_space<hbm>>
        %dma_start3A_217 = tpu.memref_squeeze %dma_start3A_216 : memref<1x8x16x128xf32, #tpu.memory_space<hbm>> -> memref<8x16x128xf32, #tpu.memory_space<hbm>>
        tpu.enqueue_dma source(%dma_start3A_217 : memref<8x16x128xf32, #tpu.memory_space<hbm>>) target(%dma_start3A_214 : memref<8x16x128xf32, #tpu.memory_space<vmem>>) target_semaphore(%arg16 : memref<!tpu.dma_semaphore, #tpu.memory_space<semaphore_mem>>)
      } else {
      }
      %scan3A_194 = arith.constant 0 : i32
      scf.yield %scan3A_194 : i32
    }
    %scan3A_106 = arith.constant 16 : i32
    %parallel_loop3A_107 = arith.constant 0 : i32
    %parallel_loop3A_108 = arith.constant 128 : i32
    %parallel_loop3A_109 = arith.constant 1 : i32
    %parallel_loop3A_110:2 = scf.for %parallel_loop3A_119 = %parallel_loop3A_107 to %parallel_loop3A_108 step %parallel_loop3A_109 iter_args(%parallel_loop3A_120 = %broadcast_in_dim3A_33, %parallel_loop3A_121 = %broadcast_in_dim3A_33) -> (vector<16xf32>, vector<16xf32>)  : i32 {
      %parallel_loop3A_122 = arith.constant 16 : i32
      %parallel_loop3A_123 = arith.muli %parallel_loop3A_119, %parallel_loop3A_122 : i32
      %parallel_loop3A_124 = arith.constant 8 : i32
      %parallel_loop3A_125 = arith.divsi %parallel_loop3A_119, %parallel_loop3A_124 : i32
      %parallel_loop3A_126 = arith.constant 0 : i32
      %parallel_loop3A_127 = arith.cmpi sgt, %parallel_loop3A_119, %parallel_loop3A_126 : i32
      %parallel_loop3A_128 = arith.extui %parallel_loop3A_127 : i1 to i32
      %parallel_loop3A_129 = arith.constant 0 : i32
      %parallel_loop3A_130 = arith.cmpi slt, %parallel_loop3A_119, %parallel_loop3A_129 : i32
      %parallel_loop3A_131 = arith.extui %parallel_loop3A_130 : i1 to i32
      %parallel_loop3A_132 = arith.subi %parallel_loop3A_128, %parallel_loop3A_131 : i32
      %parallel_loop3A_133 = arith.constant 0 : i32
      %parallel_loop3A_134 = arith.cmpi sgt, %parallel_loop3A_124, %parallel_loop3A_133 : i32
      %parallel_loop3A_135 = arith.extui %parallel_loop3A_134 : i1 to i32
      %parallel_loop3A_136 = arith.constant 0 : i32
      %parallel_loop3A_137 = arith.cmpi slt, %parallel_loop3A_124, %parallel_loop3A_136 : i32
      %parallel_loop3A_138 = arith.extui %parallel_loop3A_137 : i1 to i32
      %parallel_loop3A_139 = arith.subi %parallel_loop3A_135, %parallel_loop3A_138 : i32
      %parallel_loop3A_140 = arith.cmpi ne, %parallel_loop3A_132, %parallel_loop3A_139 : i32
      %parallel_loop3A_141 = arith.remsi %parallel_loop3A_119, %parallel_loop3A_124 : i32
      %parallel_loop3A_142 = arith.constant 0 : i32
      %parallel_loop3A_143 = arith.cmpi ne, %parallel_loop3A_141, %parallel_loop3A_142 : i32
      %parallel_loop3A_144 = arith.andi %parallel_loop3A_140, %parallel_loop3A_143 : i1
      %parallel_loop3A_145 = arith.constant 1 : i32
      %parallel_loop3A_146 = arith.subi %parallel_loop3A_125, %parallel_loop3A_145 : i32
      %parallel_loop3A_147 = arith.select %parallel_loop3A_144, %parallel_loop3A_146, %parallel_loop3A_125 : i32
      %parallel_loop3A_148 = arith.constant 8 : i32
      %parallel_loop3A_149 = arith.constant 0 : i32
      %parallel_loop3A_150 = arith.cmpi eq, %parallel_loop3A_148, %parallel_loop3A_149 : i32
      %parallel_loop3A_151 = arith.constant 1 : i32
      %parallel_loop3A_152 = arith.select %parallel_loop3A_150, %parallel_loop3A_151, %parallel_loop3A_148 : i32
      %parallel_loop3A_153 = arith.remsi %parallel_loop3A_119, %parallel_loop3A_152 : i32
      %parallel_loop3A_154 = arith.constant 0 : i32
      %parallel_loop3A_155 = arith.cmpi ne, %parallel_loop3A_153, %parallel_loop3A_154 : i32
      %parallel_loop3A_156 = arith.constant 0 : i32
      %parallel_loop3A_157 = arith.cmpi slt, %parallel_loop3A_153, %parallel_loop3A_156 : i32
      %parallel_loop3A_158 = arith.constant 0 : i32
      %parallel_loop3A_159 = arith.cmpi slt, %parallel_loop3A_152, %parallel_loop3A_158 : i32
      %parallel_loop3A_160 = arith.xori %parallel_loop3A_157, %parallel_loop3A_159 : i1
      %parallel_loop3A_161 = arith.andi %parallel_loop3A_160, %parallel_loop3A_155 : i1
      %parallel_loop3A_162 = arith.addi %parallel_loop3A_153, %parallel_loop3A_152 : i32
      %parallel_loop3A_163 = arith.select %parallel_loop3A_161, %parallel_loop3A_162, %parallel_loop3A_153 : i32
      %parallel_loop3A_164 = arith.constant 16 : i32
      %parallel_loop3A_165 = arith.muli %parallel_loop3A_163, %parallel_loop3A_164 : i32
      %parallel_loop3A_166 = arith.index_cast %parallel_loop3A_123 : i32 to index
      %parallel_loop3A_167 = tpu.vector_load %arg13[%parallel_loop3A_166] {strides = array<i32>} : memref<2048xf32, #tpu.memory_space<vmem>>, vector<16xf32>,
      %parallel_loop3A_168 = arith.index_cast %parallel_loop3A_123 : i32 to index
      %parallel_loop3A_169 = tpu.vector_load %arg14[%parallel_loop3A_168] {strides = array<i32>} : memref<2048xf32, #tpu.memory_space<vmem>>, vector<16xf32>,
      %parallel_loop3A_170 = arith.index_cast %parallel_loop3A_147 : i32 to index
      %parallel_loop3A_171 = arith.index_cast %parallel_loop3A_165 : i32 to index
      %parallel_loop3A_172 = tpu.vector_load %arg9[%parallel_loop3A_170, %parallel_loop3A_171] {strides = array<i32>} : memref<16x128xi32, #tpu.memory_space<vmem>>, vector<16xi32>,
      %parallel_loop3A_173 = arith.index_cast %parallel_loop3A_123 : i32 to index
      %parallel_loop3A_174 = tpu.vector_load %arg10[%parallel_loop3A_173] {strides = array<i32>} : memref<2048xi32, #tpu.memory_space<vmem>>, vector<16xi32>,
      %parallel_loop3A_175 = tpu.vector_load_idx %arg11[%parallel_loop3A_174] : memref<112xf32, #tpu.memory_space<vmem>>[vector<16xi32>], vector<16xf32>,
      %parallel_loop3A_176 = tpu.bitcast %parallel_loop3A_167 : vector<16xf32> -> vector<16xi32>
      %parallel_loop3A_177 = arith.constant 1 : i32
      %parallel_loop3A_178 = vector.broadcast %parallel_loop3A_177 : i32 to vector<16xi32>
      %parallel_loop3A_179 = arith.shrsi %parallel_loop3A_176, %parallel_loop3A_178 : vector<16xi32>
      %parallel_loop3A_180 = arith.constant 1597463007 : i32
      %parallel_loop3A_181 = vector.broadcast %parallel_loop3A_180 : i32 to vector<16xi32>
      %parallel_loop3A_182 = arith.subi %parallel_loop3A_181, %parallel_loop3A_179 : vector<16xi32>
      %parallel_loop3A_183 = tpu.bitcast %parallel_loop3A_182 : vector<16xi32> -> vector<16xf32>
      %parallel_loop3A_184 = arith.constant 5.000000e-01 : f32
      %parallel_loop3A_185 = vector.broadcast %parallel_loop3A_184 : f32 to vector<16xf32>
      %parallel_loop3A_186 = arith.mulf %parallel_loop3A_185, %parallel_loop3A_167 : vector<16xf32>
      %parallel_loop3A_187 = arith.mulf %parallel_loop3A_186, %parallel_loop3A_183 : vector<16xf32>
      %parallel_loop3A_188 = arith.mulf %parallel_loop3A_187, %parallel_loop3A_183 : vector<16xf32>
      %parallel_loop3A_189 = arith.constant 1.500000e+00 : f32
      %parallel_loop3A_190 = vector.broadcast %parallel_loop3A_189 : f32 to vector<16xf32>
      %parallel_loop3A_191 = arith.subf %parallel_loop3A_190, %parallel_loop3A_188 : vector<16xf32>
      %parallel_loop3A_192 = arith.mulf %parallel_loop3A_183, %parallel_loop3A_191 : vector<16xf32>
      %parallel_loop3A_193 = arith.constant 5.000000e-01 : f32
      %parallel_loop3A_194 = vector.broadcast %parallel_loop3A_193 : f32 to vector<16xf32>
      %parallel_loop3A_195 = arith.mulf %parallel_loop3A_194, %parallel_loop3A_167 : vector<16xf32>
      %parallel_loop3A_196 = arith.mulf %parallel_loop3A_195, %parallel_loop3A_192 : vector<16xf32>
      %parallel_loop3A_197 = arith.mulf %parallel_loop3A_196, %parallel_loop3A_192 : vector<16xf32>
      %parallel_loop3A_198 = arith.constant 1.500000e+00 : f32
      %parallel_loop3A_199 = vector.broadcast %parallel_loop3A_198 : f32 to vector<16xf32>
      %parallel_loop3A_200 = arith.subf %parallel_loop3A_199, %parallel_loop3A_197 : vector<16xf32>
      %parallel_loop3A_201 = arith.mulf %parallel_loop3A_192, %parallel_loop3A_200 : vector<16xf32>
      %parallel_loop3A_202 = arith.constant 5.000000e-01 : f32
      %parallel_loop3A_203 = vector.broadcast %parallel_loop3A_202 : f32 to vector<16xf32>
      %parallel_loop3A_204 = arith.mulf %parallel_loop3A_203, %parallel_loop3A_167 : vector<16xf32>
      %parallel_loop3A_205 = arith.mulf %parallel_loop3A_204, %parallel_loop3A_201 : vector<16xf32>
      %parallel_loop3A_206 = arith.mulf %parallel_loop3A_205, %parallel_loop3A_201 : vector<16xf32>
      %parallel_loop3A_207 = arith.constant 1.500000e+00 : f32
      %parallel_loop3A_208 = vector.broadcast %parallel_loop3A_207 : f32 to vector<16xf32>
      %parallel_loop3A_209 = arith.subf %parallel_loop3A_208, %parallel_loop3A_206 : vector<16xf32>
      %parallel_loop3A_210 = arith.mulf %parallel_loop3A_201, %parallel_loop3A_209 : vector<16xf32>
      %parallel_loop3A_211 = arith.mulf %parallel_loop3A_167, %parallel_loop3A_210 : vector<16xf32>
      %parallel_loop3A_212 = arith.constant 1.000000e-15 : f32
      %parallel_loop3A_213 = vector.broadcast %parallel_loop3A_212 : f32 to vector<16xf32>
      %parallel_loop3A_214 = arith.maximumf %parallel_loop3A_211, %parallel_loop3A_213 : vector<16xf32>
      %parallel_loop3A_215 = arith.constant 2.000000e+00 : f32
      %parallel_loop3A_216 = vector.broadcast %parallel_loop3A_215 : f32 to vector<16xf32>
      %parallel_loop3A_217 = arith.mulf %parallel_loop3A_216, %parallel_loop3A_214 : vector<16xf32>
      %parallel_loop3A_218 = math.exp %parallel_loop3A_217 : vector<16xf32>
      %parallel_loop3A_219 = arith.constant 1.000000e+00 : f32
      %parallel_loop3A_220 = vector.broadcast %parallel_loop3A_219 : f32 to vector<16xf32>
      %parallel_loop3A_221 = arith.addf %parallel_loop3A_218, %parallel_loop3A_220 : vector<16xf32>
      %parallel_loop3A_222 = arith.constant 2.000000e+00 : f32
      %parallel_loop3A_223 = vector.broadcast %parallel_loop3A_222 : f32 to vector<16xf32>
      %parallel_loop3A_224 = arith.divf %parallel_loop3A_223, %parallel_loop3A_221 : vector<16xf32>
      %parallel_loop3A_225 = arith.constant 1.000000e+00 : f32
      %parallel_loop3A_226 = vector.broadcast %parallel_loop3A_225 : f32 to vector<16xf32>
      %parallel_loop3A_227 = arith.subf %parallel_loop3A_226, %parallel_loop3A_224 : vector<16xf32>
      %parallel_loop3A_228 = arith.divf %parallel_loop3A_227, %parallel_loop3A_214 : vector<16xf32>
      %parallel_loop3A_229 = arith.mulf %parallel_loop3A_227, %parallel_loop3A_227 : vector<16xf32>
      %parallel_loop3A_230 = arith.constant 1.000000e+00 : f32
      %parallel_loop3A_231 = vector.broadcast %parallel_loop3A_230 : f32 to vector<16xf32>
      %parallel_loop3A_232 = arith.subf %parallel_loop3A_231, %parallel_loop3A_229 : vector<16xf32>
      %parallel_loop3A_233 = arith.constant 9.99999974E-6 : f32
      %parallel_loop3A_234 = vector.broadcast %parallel_loop3A_233 : f32 to vector<16xf32>
      %parallel_loop3A_235 = arith.maximumf %parallel_loop3A_232, %parallel_loop3A_234 : vector<16xf32>
      %parallel_loop3A_236 = arith.addf %parallel_loop3A_175, %parallel_loop3A_229 : vector<16xf32>
      %parallel_loop3A_237 = arith.mulf %parallel_loop3A_228, %parallel_loop3A_169 : vector<16xf32>
      %parallel_loop3A_238 = arith.constant 2.000000e+00 : f32
      %parallel_loop3A_239 = vector.broadcast %parallel_loop3A_238 : f32 to vector<16xf32>
      %parallel_loop3A_240 = arith.mulf %parallel_loop3A_239, %parallel_loop3A_237 : vector<16xf32>
      %parallel_loop3A_241 = arith.subf %parallel_loop3A_236, %parallel_loop3A_240 : vector<16xf32>
      %parallel_loop3A_242 = arith.divf %parallel_loop3A_241, %parallel_loop3A_235 : vector<16xf32>
      %parallel_loop3A_243 = arith.constant 9.99999974E-6 : f32
      %parallel_loop3A_244 = vector.broadcast %parallel_loop3A_243 : f32 to vector<16xf32>
      %parallel_loop3A_245 = arith.maximumf %parallel_loop3A_242, %parallel_loop3A_244 : vector<16xf32>
      %parallel_loop3A_246 = tpu.bitcast %parallel_loop3A_245 : vector<16xf32> -> vector<16xi32>
      %parallel_loop3A_247 = arith.constant 23 : i32
      %parallel_loop3A_248 = vector.broadcast %parallel_loop3A_247 : i32 to vector<16xi32>
      %parallel_loop3A_249 = arith.shrsi %parallel_loop3A_246, %parallel_loop3A_248 : vector<16xi32>
      %parallel_loop3A_250 = arith.constant 127 : i32
      %parallel_loop3A_251 = vector.broadcast %parallel_loop3A_250 : i32 to vector<16xi32>
      %parallel_loop3A_252 = arith.subi %parallel_loop3A_249, %parallel_loop3A_251 : vector<16xi32>
      %parallel_loop3A_253 = arith.sitofp %parallel_loop3A_252 : vector<16xi32> to vector<16xf32>
      %parallel_loop3A_254 = arith.constant 8388607 : i32
      %parallel_loop3A_255 = vector.broadcast %parallel_loop3A_254 : i32 to vector<16xi32>
      %parallel_loop3A_256 = arith.andi %parallel_loop3A_246, %parallel_loop3A_255 : vector<16xi32>
      %parallel_loop3A_257 = arith.constant 1065353216 : i32
      %parallel_loop3A_258 = vector.broadcast %parallel_loop3A_257 : i32 to vector<16xi32>
      %parallel_loop3A_259 = arith.ori %parallel_loop3A_256, %parallel_loop3A_258 : vector<16xi32>
      %parallel_loop3A_260 = tpu.bitcast %parallel_loop3A_259 : vector<16xi32> -> vector<16xf32>
      %parallel_loop3A_261 = arith.constant 1.000000e+00 : f32
      %parallel_loop3A_262 = vector.broadcast %parallel_loop3A_261 : f32 to vector<16xf32>
      %parallel_loop3A_263 = arith.subf %parallel_loop3A_260, %parallel_loop3A_262 : vector<16xf32>
      %parallel_loop3A_264 = arith.constant 1.000000e+00 : f32
      %parallel_loop3A_265 = vector.broadcast %parallel_loop3A_264 : f32 to vector<16xf32>
      %parallel_loop3A_266 = arith.addf %parallel_loop3A_260, %parallel_loop3A_265 : vector<16xf32>
      %parallel_loop3A_267 = arith.divf %parallel_loop3A_263, %parallel_loop3A_266 : vector<16xf32>
      %parallel_loop3A_268 = arith.mulf %parallel_loop3A_267, %parallel_loop3A_267 : vector<16xf32>
      %parallel_loop3A_269 = arith.constant 0.222222224 : f32
      %parallel_loop3A_270 = vector.broadcast %parallel_loop3A_269 : f32 to vector<16xf32>
      %parallel_loop3A_271 = arith.mulf %parallel_loop3A_268, %parallel_loop3A_270 : vector<16xf32>
      %parallel_loop3A_272 = arith.constant 0.285714298 : f32
      %parallel_loop3A_273 = vector.broadcast %parallel_loop3A_272 : f32 to vector<16xf32>
      %parallel_loop3A_274 = arith.addf %parallel_loop3A_273, %parallel_loop3A_271 : vector<16xf32>
      %parallel_loop3A_275 = arith.mulf %parallel_loop3A_268, %parallel_loop3A_274 : vector<16xf32>
      %parallel_loop3A_276 = arith.constant 4.000000e-01 : f32
      %parallel_loop3A_277 = vector.broadcast %parallel_loop3A_276 : f32 to vector<16xf32>
      %parallel_loop3A_278 = arith.addf %parallel_loop3A_277, %parallel_loop3A_275 : vector<16xf32>
      %parallel_loop3A_279 = arith.mulf %parallel_loop3A_268, %parallel_loop3A_278 : vector<16xf32>
      %parallel_loop3A_280 = arith.constant 0.666666686 : f32
      %parallel_loop3A_281 = vector.broadcast %parallel_loop3A_280 : f32 to vector<16xf32>
      %parallel_loop3A_282 = arith.addf %parallel_loop3A_281, %parallel_loop3A_279 : vector<16xf32>
      %parallel_loop3A_283 = arith.mulf %parallel_loop3A_268, %parallel_loop3A_282 : vector<16xf32>
      %parallel_loop3A_284 = arith.constant 2.000000e+00 : f32
      %parallel_loop3A_285 = vector.broadcast %parallel_loop3A_284 : f32 to vector<16xf32>
      %parallel_loop3A_286 = arith.addf %parallel_loop3A_285, %parallel_loop3A_283 : vector<16xf32>
      %parallel_loop3A_287 = arith.mulf %parallel_loop3A_267, %parallel_loop3A_286 : vector<16xf32>
      %parallel_loop3A_288 = arith.constant 0.693147182 : f32
      %parallel_loop3A_289 = vector.broadcast %parallel_loop3A_288 : f32 to vector<16xf32>
      %parallel_loop3A_290 = arith.mulf %parallel_loop3A_253, %parallel_loop3A_289 : vector<16xf32>
      %parallel_loop3A_291 = arith.addf %parallel_loop3A_290, %parallel_loop3A_287 : vector<16xf32>
      %parallel_loop3A_292 = tpu.bitcast %parallel_loop3A_235 : vector<16xf32> -> vector<16xi32>
      %parallel_loop3A_293 = arith.constant 23 : i32
      %parallel_loop3A_294 = vector.broadcast %parallel_loop3A_293 : i32 to vector<16xi32>
      %parallel_loop3A_295 = arith.shrsi %parallel_loop3A_292, %parallel_loop3A_294 : vector<16xi32>
      %parallel_loop3A_296 = arith.constant 127 : i32
      %parallel_loop3A_297 = vector.broadcast %parallel_loop3A_296 : i32 to vector<16xi32>
      %parallel_loop3A_298 = arith.subi %parallel_loop3A_295, %parallel_loop3A_297 : vector<16xi32>
      %parallel_loop3A_299 = arith.sitofp %parallel_loop3A_298 : vector<16xi32> to vector<16xf32>
      %parallel_loop3A_300 = arith.constant 8388607 : i32
      %parallel_loop3A_301 = vector.broadcast %parallel_loop3A_300 : i32 to vector<16xi32>
      %parallel_loop3A_302 = arith.andi %parallel_loop3A_292, %parallel_loop3A_301 : vector<16xi32>
      %parallel_loop3A_303 = arith.constant 1065353216 : i32
      %parallel_loop3A_304 = vector.broadcast %parallel_loop3A_303 : i32 to vector<16xi32>
      %parallel_loop3A_305 = arith.ori %parallel_loop3A_302, %parallel_loop3A_304 : vector<16xi32>
      %parallel_loop3A_306 = tpu.bitcast %parallel_loop3A_305 : vector<16xi32> -> vector<16xf32>
      %parallel_loop3A_307 = arith.constant 1.000000e+00 : f32
      %parallel_loop3A_308 = vector.broadcast %parallel_loop3A_307 : f32 to vector<16xf32>
      %parallel_loop3A_309 = arith.subf %parallel_loop3A_306, %parallel_loop3A_308 : vector<16xf32>
      %parallel_loop3A_310 = arith.constant 1.000000e+00 : f32
      %parallel_loop3A_311 = vector.broadcast %parallel_loop3A_310 : f32 to vector<16xf32>
      %parallel_loop3A_312 = arith.addf %parallel_loop3A_306, %parallel_loop3A_311 : vector<16xf32>
      %parallel_loop3A_313 = arith.divf %parallel_loop3A_309, %parallel_loop3A_312 : vector<16xf32>
      %parallel_loop3A_314 = arith.mulf %parallel_loop3A_313, %parallel_loop3A_313 : vector<16xf32>
      %parallel_loop3A_315 = arith.constant 0.222222224 : f32
      %parallel_loop3A_316 = vector.broadcast %parallel_loop3A_315 : f32 to vector<16xf32>
      %parallel_loop3A_317 = arith.mulf %parallel_loop3A_314, %parallel_loop3A_316 : vector<16xf32>
      %parallel_loop3A_318 = arith.constant 0.285714298 : f32
      %parallel_loop3A_319 = vector.broadcast %parallel_loop3A_318 : f32 to vector<16xf32>
      %parallel_loop3A_320 = arith.addf %parallel_loop3A_319, %parallel_loop3A_317 : vector<16xf32>
      %parallel_loop3A_321 = arith.mulf %parallel_loop3A_314, %parallel_loop3A_320 : vector<16xf32>
      %parallel_loop3A_322 = arith.constant 4.000000e-01 : f32
      %parallel_loop3A_323 = vector.broadcast %parallel_loop3A_322 : f32 to vector<16xf32>
      %parallel_loop3A_324 = arith.addf %parallel_loop3A_323, %parallel_loop3A_321 : vector<16xf32>
      %parallel_loop3A_325 = arith.mulf %parallel_loop3A_314, %parallel_loop3A_324 : vector<16xf32>
      %parallel_loop3A_326 = arith.constant 0.666666686 : f32
      %parallel_loop3A_327 = vector.broadcast %parallel_loop3A_326 : f32 to vector<16xf32>
      %parallel_loop3A_328 = arith.addf %parallel_loop3A_327, %parallel_loop3A_325 : vector<16xf32>
      %parallel_loop3A_329 = arith.mulf %parallel_loop3A_314, %parallel_loop3A_328 : vector<16xf32>
      %parallel_loop3A_330 = arith.constant 2.000000e+00 : f32
      %parallel_loop3A_331 = vector.broadcast %parallel_loop3A_330 : f32 to vector<16xf32>
      %parallel_loop3A_332 = arith.addf %parallel_loop3A_331, %parallel_loop3A_329 : vector<16xf32>
      %parallel_loop3A_333 = arith.mulf %parallel_loop3A_313, %parallel_loop3A_332 : vector<16xf32>
      %parallel_loop3A_334 = arith.constant 0.693147182 : f32
      %parallel_loop3A_335 = vector.broadcast %parallel_loop3A_334 : f32 to vector<16xf32>
      %parallel_loop3A_336 = arith.mulf %parallel_loop3A_299, %parallel_loop3A_335 : vector<16xf32>
      %parallel_loop3A_337 = arith.addf %parallel_loop3A_336, %parallel_loop3A_333 : vector<16xf32>
      %parallel_loop3A_338 = arith.constant 1.000000e-01 : f32
      %parallel_loop3A_339 = vector.broadcast %parallel_loop3A_338 : f32 to vector<16xf32>
      %parallel_loop3A_340 = arith.mulf %parallel_loop3A_339, %parallel_loop3A_337 : vector<16xf32>
      %parallel_loop3A_341 = arith.subf %parallel_loop3A_291, %parallel_loop3A_340 : vector<16xf32>
      %parallel_loop3A_342 = arith.constant 255 : i32
      %parallel_loop3A_343 = vector.broadcast %parallel_loop3A_342 : i32 to vector<16xi32>
      %parallel_loop3A_344 = arith.cmpi ne, %parallel_loop3A_172, %parallel_loop3A_343 : vector<16xi32>
      %parallel_loop3A_345 = arith.constant -1 : i32
      %parallel_loop3A_346 = vector.broadcast %parallel_loop3A_345 : i32 to vector<16xi32>
      %parallel_loop3A_347 = arith.cmpi ne, %parallel_loop3A_172, %parallel_loop3A_346 : vector<16xi32>
      %parallel_loop3A_348 = arith.andi %parallel_loop3A_344, %parallel_loop3A_347 : vector<16xi1>
      %parallel_loop3A_349 = arith.extui %parallel_loop3A_348 : vector<16xi1> to vector<16xi32>
      %parallel_loop3A_350 = arith.sitofp %parallel_loop3A_349 : vector<16xi32> to vector<16xf32>
      %parallel_loop3A_351 = arith.mulf %parallel_loop3A_341, %parallel_loop3A_350 : vector<16xf32>
      %parallel_loop3A_352 = arith.addf %parallel_loop3A_120, %parallel_loop3A_351 : vector<16xf32>
      %parallel_loop3A_353 = arith.addf %parallel_loop3A_121, %parallel_loop3A_350 : vector<16xf32>
      scf.yield %parallel_loop3A_352, %parallel_loop3A_353 : vector<16xf32>, vector<16xf32>
    } {sc.loop_unroll_factor = 2 : i64, sc.parallel_access}
    %swap3A_111 = arith.constant 0 : i32
    %swap3A_112 = arith.index_cast %swap3A_111 : i32 to index
    %swap3A_113 = arith.constant 0 : index
    %swap3A_114 = tpu.vector_load %arg15[%swap3A_112, %swap3A_113] {strides = array<i32>} : memref<2x16xf32, #tpu.memory_space<vmem>>, vector<16xf32>,
    tpu.vector_store %arg15[%swap3A_112, %swap3A_113], %parallel_loop3A_110#0 {strides = array<i32>} : memref<2x16xf32, #tpu.memory_space<vmem>>, vector<16xf32>,
    %swap3A_115 = arith.constant 1 : i32
    %swap3A_116 = arith.index_cast %swap3A_115 : i32 to index
    %swap3A_117 = arith.constant 0 : index
    %swap3A_118 = tpu.vector_load %arg15[%swap3A_116, %swap3A_117] {strides = array<i32>} : memref<2x16xf32, #tpu.memory_space<vmem>>, vector<16xf32>,
    tpu.vector_store %arg15[%swap3A_116, %swap3A_117], %parallel_loop3A_110#1 {strides = array<i32>} : memref<2x16xf32, #tpu.memory_space<vmem>>, vector<16xf32>,
    "tpu.region"() ({
      %run_scoped3A = tpu.sem_alloc : memref<!tpu.dma_semaphore, #tpu.memory_space<semaphore_mem>>
      %dma_start3A_119 = arith.constant 0 : i32
      %dma_start3A_120 = arith.constant 0 : i32
      %dma_start3A_121 = tpu.memref_slice %arg6[%add3A, %dma_start3A_119, %dma_start3A_120] : memref<32x2x16xf32, #tpu.memory_space<hbm>> -> memref<1x2x16xf32, #tpu.memory_space<hbm>>
      %dma_start3A_122 = tpu.memref_squeeze %dma_start3A_121 : memref<1x2x16xf32, #tpu.memory_space<hbm>> -> memref<2x16xf32, #tpu.memory_space<hbm>>
      %dma_start3A_123 = arith.constant 0 : i32
      %dma_start3A_124 = arith.constant 0 : i32
      %dma_start3A_125 = tpu.memref_slice %arg6[%add3A, %dma_start3A_123, %dma_start3A_124] : memref<32x2x16xf32, #tpu.memory_space<hbm>> -> memref<1x2x16xf32, #tpu.memory_space<hbm>>
      %dma_start3A_126 = tpu.memref_squeeze %dma_start3A_125 : memref<1x2x16xf32, #tpu.memory_space<hbm>> -> memref<2x16xf32, #tpu.memory_space<hbm>>
      tpu.enqueue_dma source(%arg15 : memref<2x16xf32, #tpu.memory_space<vmem>>) target(%dma_start3A_126 : memref<2x16xf32, #tpu.memory_space<hbm>>) target_semaphore(%run_scoped3A : memref<!tpu.dma_semaphore, #tpu.memory_space<semaphore_mem>>)
      %dma_wait3A = arith.constant 0 : i32
      %dma_wait3A_127 = arith.constant 0 : i32
      %dma_wait3A_128 = tpu.memref_slice %arg6[%add3A, %dma_wait3A, %dma_wait3A_127] : memref<32x2x16xf32, #tpu.memory_space<hbm>> -> memref<1x2x16xf32, #tpu.memory_space<hbm>>
      %dma_wait3A_129 = tpu.memref_squeeze %dma_wait3A_128 : memref<1x2x16xf32, #tpu.memory_space<hbm>> -> memref<2x16xf32, #tpu.memory_space<hbm>>
      %dma_wait3A_130 = arith.constant 0 : i32
      %dma_wait3A_131 = arith.constant 0 : i32
      %dma_wait3A_132 = tpu.memref_slice %arg6[%add3A, %dma_wait3A_130, %dma_wait3A_131] : memref<32x2x16xf32, #tpu.memory_space<hbm>> -> memref<1x2x16xf32, #tpu.memory_space<hbm>>
      %dma_wait3A_133 = tpu.memref_squeeze %dma_wait3A_132 : memref<1x2x16xf32, #tpu.memory_space<hbm>> -> memref<2x16xf32, #tpu.memory_space<hbm>>
      tpu.wait_dma2 semaphore(%run_scoped3A : memref<!tpu.dma_semaphore, #tpu.memory_space<semaphore_mem>>) src(%arg15 : memref<2x16xf32, #tpu.memory_space<vmem>>) dst(%dma_wait3A_133 : memref<2x16xf32, #tpu.memory_space<hbm>>)
      tpu.yield
    }) : () -> ()
    return
  }
}

module attributes {stable_mosaic.version = 14 : i64} {
  func.func @_tc_body(%arg0: i32, %arg1: memref<1x256x16x128xf32, #tpu.memory_space<vmem>>, %arg2: memref<1x16x128xi32, #tpu.memory_space<vmem>>, %arg3: memref<100x256xf32, #tpu.memory_space<vmem>>, %arg4: memref<1x2xf32, #tpu.memory_space<smem>>, %arg5: memref<2xf32, #tpu.memory_space<smem>>) attributes {dimension_semantics = [#tpu.dimension_semantics<arbitrary>], iteration_bounds = array<i64: 32>, scalar_prefetch = 0 : i64, scratch_operands = 1 : i64, tpu.core_type = #tpu.core_type<tc>, window_params = [{transform_indices = @transform_0, window_bounds = array<i64: 1, 256, 16, 128>}, {transform_indices = @transform_1, window_bounds = array<i64: 1, 16, 128>}, {pipeline_mode = #tpu.pipeline_mode<synchronous>, transform_indices = @transform_2, window_bounds = array<i64: 100, 256>}, {transform_indices = @transform_3, window_bounds = array<i64: 1, 2>}]} {
    %get3A = arith.constant 0 : index
    %get3A_0 = arith.constant 0 : index
    %get3A_1 = arith.constant 0 : index
    %get3A_2 = arith.constant 0 : index
    %get3A_3 = vector.load %arg1[%get3A, %get3A_0, %get3A_1, %get3A_2] : memref<1x256x16x128xf32, #tpu.memory_space<vmem>>, vector<1x256x16x128xf32>
    %get3A_4 = vector.shape_cast %get3A_3 : vector<1x256x16x128xf32> to vector<256x16x128xf32>
    %reshape3A = vector.shape_cast %get3A_4 : vector<256x16x128xf32> to vector<256x2048xf32>
    %get3A_5 = arith.constant 0 : index
    %get3A_6 = arith.constant 0 : index
    %get3A_7 = vector.load %arg3[%get3A_5, %get3A_6] : memref<100x256xf32, #tpu.memory_space<vmem>>, vector<100x256xf32>
    %get3A_8 = arith.constant 0 : index
    %get3A_9 = arith.constant 0 : index
    %get3A_10 = arith.constant 0 : index
    %get3A_11 = vector.load %arg2[%get3A_8, %get3A_9, %get3A_10] : memref<1x16x128xi32, #tpu.memory_space<vmem>>, vector<1x16x128xi32>
    %get3A_12 = vector.shape_cast %get3A_11 : vector<1x16x128xi32> to vector<16x128xi32>
    %reshape3A_13 = vector.shape_cast %get3A_12 : vector<16x128xi32> to vector<1x2048xi32>
    %mul3A = arith.mulf %reshape3A, %reshape3A : vector<256x2048xf32>
    %reduce_sum3A = arith.constant dense<0.000000e+00> : vector<2048xf32>
    %reduce_sum3A_14 = vector.multi_reduction <add>, %mul3A, %reduce_sum3A [0] : vector<256x2048xf32> to vector<2048xf32>
    %broadcast_in_dim3A = vector.shape_cast %reduce_sum3A_14 : vector<2048xf32> to vector<1x2048xf32>
    %dot_general3A = arith.constant dense<0.000000e+00> : vector<100x2048xf32>
    %dot_general3A_15 = tpu.matmul %get3A_7, %reshape3A, %dot_general3A {dimension_numbers = #tpu.dot_dimension_numbers<[1], [0], [0], [1], [0, 0, 1, 1], [], []>, transpose_lhs_hint = false} : vector<100x256xf32>, vector<256x2048xf32>, vector<100x2048xf32> -> vector<100x2048xf32>
    %mul3A_16 = arith.mulf %get3A_7, %get3A_7 : vector<100x256xf32>
    %reduce_sum3A_17 = arith.constant dense<0.000000e+00> : vector<100xf32>
    %reduce_sum3A_18 = vector.multi_reduction <add>, %mul3A_16, %reduce_sum3A_17 [1] : vector<100x256xf32> to vector<100xf32>
    %broadcast_in_dim3A_19 = vector.shape_cast %reduce_sum3A_18 : vector<100xf32> to vector<100x1xf32>
    %iota3A = tpu.iota {dimensions = array<i32: 0>} : vector<100x1xi32>
    %eq3A = vector.broadcast %reshape3A_13 : vector<1x2048xi32> to vector<100x2048xi32>
    %eq3A_20 = vector.broadcast %iota3A : vector<100x1xi32> to vector<100x2048xi32>
    %eq3A_21 = arith.cmpi eq, %eq3A, %eq3A_20 : vector<100x2048xi32>
    %jit3A = arith.constant 0.000000e+00 : f32
    %broadcast_in_dim3A_22 = vector.broadcast %jit3A : f32 to vector<100x2048xf32>
    %select_n3A = arith.select %eq3A_21, %dot_general3A_15, %broadcast_in_dim3A_22 : vector<100x2048xi1>, vector<100x2048xf32>
    %reduce_sum3A_23 = arith.constant dense<0.000000e+00> : vector<2048xf32>
    %reduce_sum3A_24 = vector.multi_reduction <add>, %select_n3A, %reduce_sum3A_23 [0] : vector<100x2048xf32> to vector<2048xf32>
    %broadcast_in_dim3A_25 = vector.shape_cast %reduce_sum3A_24 : vector<2048xf32> to vector<1x2048xf32>
    %broadcast_in_dim3A_26 = vector.shape_cast %broadcast_in_dim3A_19 : vector<100x1xf32> to vector<100x1xf32>
    %broadcast_in_dim3A_27 = vector.broadcast %broadcast_in_dim3A_26 : vector<100x1xf32> to vector<100x2048xf32>
    %jit3A_28 = arith.constant 0.000000e+00 : f32
    %broadcast_in_dim3A_29 = vector.broadcast %jit3A_28 : f32 to vector<100x2048xf32>
    %select_n3A_30 = arith.select %eq3A_21, %broadcast_in_dim3A_27, %broadcast_in_dim3A_29 : vector<100x2048xi1>, vector<100x2048xf32>
    %reduce_sum3A_31 = arith.constant dense<0.000000e+00> : vector<2048xf32>
    %reduce_sum3A_32 = vector.multi_reduction <add>, %select_n3A_30, %reduce_sum3A_31 [0] : vector<100x2048xf32> to vector<2048xf32>
    %broadcast_in_dim3A_33 = vector.shape_cast %reduce_sum3A_32 : vector<2048xf32> to vector<1x2048xf32>
    %sqrt3A = math.sqrt %broadcast_in_dim3A : vector<1x2048xf32>
    %max3A = arith.constant 1.000000e-15 : f32
    %max3A_34 = vector.broadcast %max3A : f32 to vector<1x2048xf32>
    %max3A_35 = arith.maximumf %sqrt3A, %max3A_34 : vector<1x2048xf32>
    %tanh3A = math.tanh %max3A_35 : vector<1x2048xf32>
    %div3A = arith.divf %tanh3A, %max3A_35 : vector<1x2048xf32>
    %mul3A_36 = arith.mulf %tanh3A, %tanh3A : vector<1x2048xf32>
    %sub3A = arith.constant 1.000000e+00 : f32
    %sub3A_37 = vector.broadcast %sub3A : f32 to vector<1x2048xf32>
    %sub3A_38 = arith.subf %sub3A_37, %mul3A_36 : vector<1x2048xf32>
    %max3A_39 = arith.constant 9.99999974E-6 : f32
    %max3A_40 = vector.broadcast %max3A_39 : f32 to vector<1x2048xf32>
    %max3A_41 = arith.maximumf %sub3A_38, %max3A_40 : vector<1x2048xf32>
    %add3A = arith.addf %broadcast_in_dim3A_33, %mul3A_36 : vector<1x2048xf32>
    %mul3A_42 = arith.mulf %div3A, %broadcast_in_dim3A_25 : vector<1x2048xf32>
    %mul3A_43 = arith.constant 2.000000e+00 : f32
    %mul3A_44 = vector.broadcast %mul3A_43 : f32 to vector<1x2048xf32>
    %mul3A_45 = arith.mulf %mul3A_44, %mul3A_42 : vector<1x2048xf32>
    %sub3A_46 = arith.subf %add3A, %mul3A_45 : vector<1x2048xf32>
    %div3A_47 = arith.divf %sub3A_46, %max3A_41 : vector<1x2048xf32>
    %max3A_48 = arith.constant 9.99999974E-6 : f32
    %max3A_49 = vector.broadcast %max3A_48 : f32 to vector<1x2048xf32>
    %max3A_50 = arith.maximumf %div3A_47, %max3A_49 : vector<1x2048xf32>
    %log3A = math.log %max3A_50 : vector<1x2048xf32>
    %log3A_51 = math.log %max3A_41 : vector<1x2048xf32>
    %mul3A_52 = arith.constant 1.000000e-01 : f32
    %mul3A_53 = vector.broadcast %mul3A_52 : f32 to vector<1x2048xf32>
    %mul3A_54 = arith.mulf %mul3A_53, %log3A_51 : vector<1x2048xf32>
    %sub3A_55 = arith.subf %log3A, %mul3A_54 : vector<1x2048xf32>
    %ne3A = arith.constant 255 : i32
    %ne3A_56 = vector.broadcast %ne3A : i32 to vector<1x2048xi32>
    %ne3A_57 = arith.cmpi ne, %reshape3A_13, %ne3A_56 : vector<1x2048xi32>
    %ne3A_58 = arith.constant -1 : i32
    %ne3A_59 = vector.broadcast %ne3A_58 : i32 to vector<1x2048xi32>
    %ne3A_60 = arith.cmpi ne, %reshape3A_13, %ne3A_59 : vector<1x2048xi32>
    %and3A = arith.andi %ne3A_57, %ne3A_60 : vector<1x2048xi1>
    %convert_element_type3A = arith.extui %and3A : vector<1x2048xi1> to vector<1x2048xi32>
    %convert_element_type3A_61 = arith.sitofp %convert_element_type3A : vector<1x2048xi32> to vector<1x2048xf32>
    %eq3A_62 = arith.constant 0 : i32
    %eq3A_63 = arith.cmpi eq, %arg0, %eq3A_62 : i32
    %convert_element_type3A_64 = arith.extui %eq3A_63 : i1 to i32
    %cond3A = arith.constant 0 : i32
    %cond3A_65 = arith.cmpi ne, %convert_element_type3A_64, %cond3A : i32
    scf.if %cond3A_65 {
      %swap3A_91 = arith.constant 0.000000e+00 : f32
      %swap3A_92 = arith.constant 0 : index
      %swap3A_93 = memref.load %arg5[%swap3A_92] : memref<2xf32, #tpu.memory_space<smem>>
      memref.store %swap3A_91, %arg5[%swap3A_92] : memref<2xf32, #tpu.memory_space<smem>>
      %swap3A_94 = arith.constant 0.000000e+00 : f32
      %swap3A_95 = arith.constant 1 : index
      %swap3A_96 = memref.load %arg5[%swap3A_95] : memref<2xf32, #tpu.memory_space<smem>>
      memref.store %swap3A_94, %arg5[%swap3A_95] : memref<2xf32, #tpu.memory_space<smem>>
    } else {
    }
    %get3A_66 = arith.constant 0 : index
    %get3A_67 = memref.load %arg5[%get3A_66] : memref<2xf32, #tpu.memory_space<smem>>
    %mul3A_68 = arith.mulf %sub3A_55, %convert_element_type3A_61 : vector<1x2048xf32>
    %reduce_sum3A_69 = vector.shape_cast %mul3A_68 : vector<1x2048xf32> to vector<1x1x2048xf32>
    %reduce_sum3A_70 = arith.constant dense<0.000000e+00> : vector<1xf32>
    %reduce_sum3A_71 = vector.multi_reduction <add>, %reduce_sum3A_69, %reduce_sum3A_70 [1, 2] : vector<1x1x2048xf32> to vector<1xf32>
    %reduce_sum3A_72 = vector.shape_cast %reduce_sum3A_71 : vector<1xf32> to vector<1x1x1xf32>
    %reduce_sum3A_73 = vector.extract %reduce_sum3A_72[0, 0, 0] : f32 from vector<1x1x1xf32>
    %add3A_74 = arith.addf %get3A_67, %reduce_sum3A_73 : f32
    %swap3A = arith.constant 0 : index
    %swap3A_75 = memref.load %arg5[%swap3A] : memref<2xf32, #tpu.memory_space<smem>>
    memref.store %add3A_74, %arg5[%swap3A] : memref<2xf32, #tpu.memory_space<smem>>
    %get3A_76 = arith.constant 1 : index
    %get3A_77 = memref.load %arg5[%get3A_76] : memref<2xf32, #tpu.memory_space<smem>>
    %reduce_sum3A_78 = vector.shape_cast %convert_element_type3A_61 : vector<1x2048xf32> to vector<1x1x2048xf32>
    %reduce_sum3A_79 = arith.constant dense<0.000000e+00> : vector<1xf32>
    %reduce_sum3A_80 = vector.multi_reduction <add>, %reduce_sum3A_78, %reduce_sum3A_79 [1, 2] : vector<1x1x2048xf32> to vector<1xf32>
    %reduce_sum3A_81 = vector.shape_cast %reduce_sum3A_80 : vector<1xf32> to vector<1x1x1xf32>
    %reduce_sum3A_82 = vector.extract %reduce_sum3A_81[0, 0, 0] : f32 from vector<1x1x1xf32>
    %add3A_83 = arith.addf %get3A_77, %reduce_sum3A_82 : f32
    %swap3A_84 = arith.constant 1 : index
    %swap3A_85 = memref.load %arg5[%swap3A_84] : memref<2xf32, #tpu.memory_space<smem>>
    memref.store %add3A_83, %arg5[%swap3A_84] : memref<2xf32, #tpu.memory_space<smem>>
    %eq3A_86 = arith.constant 31 : i32
    %eq3A_87 = arith.cmpi eq, %arg0, %eq3A_86 : i32
    %convert_element_type3A_88 = arith.extui %eq3A_87 : i1 to i32
    %cond3A_89 = arith.constant 0 : i32
    %cond3A_90 = arith.cmpi ne, %convert_element_type3A_88, %cond3A_89 : i32
    scf.if %cond3A_90 {
      %get3A_91 = arith.constant 0 : index
      %get3A_92 = memref.load %arg5[%get3A_91] : memref<2xf32, #tpu.memory_space<smem>>
      %swap3A_93 = arith.constant 0 : index
      %swap3A_94 = arith.constant 0 : index
      %swap3A_95 = memref.load %arg4[%swap3A_93, %swap3A_94] : memref<1x2xf32, #tpu.memory_space<smem>>
      memref.store %get3A_92, %arg4[%swap3A_93, %swap3A_94] : memref<1x2xf32, #tpu.memory_space<smem>>
      %get3A_96 = arith.constant 1 : index
      %get3A_97 = memref.load %arg5[%get3A_96] : memref<2xf32, #tpu.memory_space<smem>>
      %swap3A_98 = arith.constant 0 : index
      %swap3A_99 = arith.constant 1 : index
      %swap3A_100 = memref.load %arg4[%swap3A_98, %swap3A_99] : memref<1x2xf32, #tpu.memory_space<smem>>
      memref.store %get3A_97, %arg4[%swap3A_98, %swap3A_99] : memref<1x2xf32, #tpu.memory_space<smem>>
    } else {
    }
    return
  }
  func.func @transform_0(%arg0: i32) -> (i32, i32, i32, i32) {
    %jit3A = arith.constant 4 : i32
    %div3A = arith.divsi %arg0, %jit3A : i32
    %sign3A = arith.constant 0 : i32
    %sign3A_0 = arith.cmpi sgt, %arg0, %sign3A : i32
    %sign3A_1 = arith.extui %sign3A_0 : i1 to i32
    %sign3A_2 = arith.constant 0 : i32
    %sign3A_3 = arith.cmpi slt, %arg0, %sign3A_2 : i32
    %sign3A_4 = arith.extui %sign3A_3 : i1 to i32
    %sign3A_5 = arith.subi %sign3A_1, %sign3A_4 : i32
    %sign3A_6 = arith.constant 0 : i32
    %sign3A_7 = arith.cmpi sgt, %jit3A, %sign3A_6 : i32
    %sign3A_8 = arith.extui %sign3A_7 : i1 to i32
    %sign3A_9 = arith.constant 0 : i32
    %sign3A_10 = arith.cmpi slt, %jit3A, %sign3A_9 : i32
    %sign3A_11 = arith.extui %sign3A_10 : i1 to i32
    %sign3A_12 = arith.subi %sign3A_8, %sign3A_11 : i32
    %ne3A = arith.cmpi ne, %sign3A_5, %sign3A_12 : i32
    %rem3A = arith.remsi %arg0, %jit3A : i32
    %ne3A_13 = arith.constant 0 : i32
    %ne3A_14 = arith.cmpi ne, %rem3A, %ne3A_13 : i32
    %and3A = arith.andi %ne3A, %ne3A_14 : i1
    %sub3A = arith.constant 1 : i32
    %sub3A_15 = arith.subi %div3A, %sub3A : i32
    %select_n3A = arith.select %and3A, %sub3A_15, %div3A : i32
    %jit3A_16 = arith.constant 4 : i32
    %eq3A = arith.constant 0 : i32
    %eq3A_17 = arith.cmpi eq, %jit3A_16, %eq3A : i32
    %jit3A_18 = arith.constant 1 : i32
    %select_n3A_19 = arith.select %eq3A_17, %jit3A_18, %jit3A_16 : i32
    %rem3A_20 = arith.remsi %arg0, %select_n3A_19 : i32
    %ne3A_21 = arith.constant 0 : i32
    %ne3A_22 = arith.cmpi ne, %rem3A_20, %ne3A_21 : i32
    %lt3A = arith.constant 0 : i32
    %lt3A_23 = arith.cmpi slt, %rem3A_20, %lt3A : i32
    %lt3A_24 = arith.constant 0 : i32
    %lt3A_25 = arith.cmpi slt, %select_n3A_19, %lt3A_24 : i32
    %ne3A_26 = arith.xori %lt3A_23, %lt3A_25 : i1
    %and3A_27 = arith.andi %ne3A_26, %ne3A_22 : i1
    %add3A = arith.addi %rem3A_20, %select_n3A_19 : i32
    %select_n3A_28 = arith.select %and3A_27, %add3A, %rem3A_20 : i32
    %add3A_29 = arith.constant 4 : i32
    %add3A_30 = arith.addi %add3A_29, %select_n3A_28 : i32
    %c0_i32 = arith.constant 0 : i32
    %c0_i32_31 = arith.constant 0 : i32
    %c0_i32_32 = arith.constant 0 : i32
    return %select_n3A, %c0_i32, %add3A_30, %c0_i32_31 : i32, i32, i32, i32
  }
  func.func @transform_1(%arg0: i32) -> (i32, i32, i32) {
    %jit3A = arith.constant 4 : i32
    %div3A = arith.divsi %arg0, %jit3A : i32
    %sign3A = arith.constant 0 : i32
    %sign3A_0 = arith.cmpi sgt, %arg0, %sign3A : i32
    %sign3A_1 = arith.extui %sign3A_0 : i1 to i32
    %sign3A_2 = arith.constant 0 : i32
    %sign3A_3 = arith.cmpi slt, %arg0, %sign3A_2 : i32
    %sign3A_4 = arith.extui %sign3A_3 : i1 to i32
    %sign3A_5 = arith.subi %sign3A_1, %sign3A_4 : i32
    %sign3A_6 = arith.constant 0 : i32
    %sign3A_7 = arith.cmpi sgt, %jit3A, %sign3A_6 : i32
    %sign3A_8 = arith.extui %sign3A_7 : i1 to i32
    %sign3A_9 = arith.constant 0 : i32
    %sign3A_10 = arith.cmpi slt, %jit3A, %sign3A_9 : i32
    %sign3A_11 = arith.extui %sign3A_10 : i1 to i32
    %sign3A_12 = arith.subi %sign3A_8, %sign3A_11 : i32
    %ne3A = arith.cmpi ne, %sign3A_5, %sign3A_12 : i32
    %rem3A = arith.remsi %arg0, %jit3A : i32
    %ne3A_13 = arith.constant 0 : i32
    %ne3A_14 = arith.cmpi ne, %rem3A, %ne3A_13 : i32
    %and3A = arith.andi %ne3A, %ne3A_14 : i1
    %sub3A = arith.constant 1 : i32
    %sub3A_15 = arith.subi %div3A, %sub3A : i32
    %select_n3A = arith.select %and3A, %sub3A_15, %div3A : i32
    %jit3A_16 = arith.constant 4 : i32
    %eq3A = arith.constant 0 : i32
    %eq3A_17 = arith.cmpi eq, %jit3A_16, %eq3A : i32
    %jit3A_18 = arith.constant 1 : i32
    %select_n3A_19 = arith.select %eq3A_17, %jit3A_18, %jit3A_16 : i32
    %rem3A_20 = arith.remsi %arg0, %select_n3A_19 : i32
    %ne3A_21 = arith.constant 0 : i32
    %ne3A_22 = arith.cmpi ne, %rem3A_20, %ne3A_21 : i32
    %lt3A = arith.constant 0 : i32
    %lt3A_23 = arith.cmpi slt, %rem3A_20, %lt3A : i32
    %lt3A_24 = arith.constant 0 : i32
    %lt3A_25 = arith.cmpi slt, %select_n3A_19, %lt3A_24 : i32
    %ne3A_26 = arith.xori %lt3A_23, %lt3A_25 : i1
    %and3A_27 = arith.andi %ne3A_26, %ne3A_22 : i1
    %add3A = arith.addi %rem3A_20, %select_n3A_19 : i32
    %select_n3A_28 = arith.select %and3A_27, %add3A, %rem3A_20 : i32
    %add3A_29 = arith.constant 4 : i32
    %add3A_30 = arith.addi %add3A_29, %select_n3A_28 : i32
    %c0_i32 = arith.constant 0 : i32
    %c0_i32_31 = arith.constant 0 : i32
    return %select_n3A, %add3A_30, %c0_i32 : i32, i32, i32
  }
  func.func @transform_2(%arg0: i32) -> (i32, i32) {
    %c0_i32 = arith.constant 0 : i32
    %c0_i32_0 = arith.constant 0 : i32
    %c0_i32_1 = arith.constant 0 : i32
    return %c0_i32, %c0_i32_0 : i32, i32
  }
  func.func @transform_3(%arg0: i32) -> (i32, i32) {
    %c0_i32 = arith.constant 0 : i32
    %c0_i32_0 = arith.constant 0 : i32
    %c0_i32_1 = arith.constant 0 : i32
    return %c0_i32, %c0_i32_0 : i32, i32
  }
}

module attributes {stable_mosaic.version = 14 : i64} {
  func.func @_reduce_body(%arg0: memref<32x2x16xf32, #tpu.memory_space<vmem>>, %arg1: memref<1x2xf32, #tpu.memory_space<smem>>, %arg2: memref<1x1xf32, #tpu.memory_space<smem>>) attributes {dimension_semantics = [], scalar_prefetch = 0 : i64, scratch_operands = 0 : i64, tpu.core_type = #tpu.core_type<tc>} {
    %get3A = arith.constant 0 : index
    %get3A_0 = arith.constant 0 : index
    %get3A_1 = arith.constant 0 : index
    %get3A_2 = vector.load %arg0[%get3A, %get3A_0, %get3A_1] : memref<32x2x16xf32, #tpu.memory_space<vmem>>, vector<32x1x16xf32>
    %get3A_3 = vector.shape_cast %get3A_2 : vector<32x1x16xf32> to vector<32x16xf32>
    %reduce_sum3A = vector.shape_cast %get3A_3 : vector<32x16xf32> to vector<1x32x16xf32>
    %reduce_sum3A_4 = arith.constant dense<0.000000e+00> : vector<1xf32>
    %reduce_sum3A_5 = vector.multi_reduction <add>, %reduce_sum3A, %reduce_sum3A_4 [1, 2] : vector<1x32x16xf32> to vector<1xf32>
    %reduce_sum3A_6 = vector.shape_cast %reduce_sum3A_5 : vector<1xf32> to vector<1x1x1xf32>
    %reduce_sum3A_7 = vector.extract %reduce_sum3A_6[0, 0, 0] : f32 from vector<1x1x1xf32>
    %get3A_8 = arith.constant 0 : index
    %get3A_9 = arith.constant 0 : index
    %get3A_10 = memref.load %arg1[%get3A_8, %get3A_9] : memref<1x2xf32, #tpu.memory_space<smem>>
    %add3A = arith.addf %reduce_sum3A_7, %get3A_10 : f32
    %get3A_11 = arith.constant 0 : index
    %get3A_12 = arith.constant 1 : index
    %get3A_13 = arith.constant 0 : index
    %get3A_14 = vector.load %arg0[%get3A_11, %get3A_12, %get3A_13] : memref<32x2x16xf32, #tpu.memory_space<vmem>>, vector<32x1x16xf32>
    %get3A_15 = vector.shape_cast %get3A_14 : vector<32x1x16xf32> to vector<32x16xf32>
    %reduce_sum3A_16 = vector.shape_cast %get3A_15 : vector<32x16xf32> to vector<1x32x16xf32>
    %reduce_sum3A_17 = arith.constant dense<0.000000e+00> : vector<1xf32>
    %reduce_sum3A_18 = vector.multi_reduction <add>, %reduce_sum3A_16, %reduce_sum3A_17 [1, 2] : vector<1x32x16xf32> to vector<1xf32>
    %reduce_sum3A_19 = vector.shape_cast %reduce_sum3A_18 : vector<1xf32> to vector<1x1x1xf32>
    %reduce_sum3A_20 = vector.extract %reduce_sum3A_19[0, 0, 0] : f32 from vector<1x1x1xf32>
    %get3A_21 = arith.constant 0 : index
    %get3A_22 = arith.constant 1 : index
    %get3A_23 = memref.load %arg1[%get3A_21, %get3A_22] : memref<1x2xf32, #tpu.memory_space<smem>>
    %add3A_24 = arith.addf %reduce_sum3A_20, %get3A_23 : f32
    %div3A = arith.divf %add3A, %add3A_24 : f32
    %swap3A = arith.constant 0 : index
    %swap3A_25 = arith.constant 0 : index
    %swap3A_26 = memref.load %arg2[%swap3A, %swap3A_25] : memref<1x1xf32, #tpu.memory_space<smem>>
    memref.store %div3A, %arg2[%swap3A, %swap3A_25] : memref<1x1xf32, #tpu.memory_space<smem>>
    return
  }
}

</mosaic_0001>

<sc_bundles>
// kernel: kernel.5.cloned.1.call-start
scs
__scs_entry_jumppad:
0x0: {  	(pc) =	sbr.rel $0x88, $3  }
0x1: {  	(tag) =	ssettag $0x0;
	lr =	simm.s32 $0x1  }
0x2: {  	[smem:$0x3F9E] =	sst lr;
	_ =	strace $0xD0000000  }
0x3: {  	_ = 	snop  }
0x4: {  	_ = 	snop  }
0x5: {  	_ = 	snop  }
0x6: {  	_ = 	snop  }
0x7: {  	_ = 	snop  }
__scs_overlays_trampoline_lowered:
0x8: {  	[smem:$0x3FAD] =	sst s0  }
0x9: {  	[smem:$0x3FAE] =	sst s1  }
0xa: {  	[smem:$0x3FAF] =	sst s2  }
0xb: {  	[smem:$0x3FB0] =	sst s3  }
0xc: {  	[smem:$0x3FB1] =	sst s4  }
0xd: {  	[smem:$0x3FB2] =	sst s5  }
0xe: {  	[smem:$0x3FB3] =	sst s6  }
0xf: {  	[smem:$0x3FB4] =	sst s7  }
0x10: {  	[smem:$0x3FB5] =	sst s8  }
0x11: {  	[smem:$0x3FB6] =	sst s9;
	s0 =	simm.s32 @!p0 $0x0  }
0x12: {  	s1 =	sld [smem:$0x3F9C];
	s0 =	simm.s32 @p0 $0x1  }
0x13: {  	[smem:$0x3FB7] =	sst s0;
	s0 =	simm.s32 @!p1 $0x0  }
0x14: {  	s2 =	sld [smem:$0x3F9B];
	s0 =	simm.s32 @p1 $0x1  }
0x15: {  	[smem:$0x3FB8] =	sst s0;
	s0 =	simm.s32 @!p2 $0x0  }
0x16: {  	s3 =	sld [smem:$0x3FDB];
	s0 =	simm.s32 @p2 $0x1  }
0x17: {  	s4 =	simm.s32 $0x1BF5;
	[smem:$0x3FBA] =	sst s0  }
0x18: {  	s0 =	sld [smem:$0x3F9D];
	_ =	swait.ge [sflag:s4], $0x0  }
0x19: {  	s7 =	sld [smem:$0x3F9E]  }
0x1a: {  	s8 =	sadd.s32 $0xFFFFE003, lr  }
0x1b: {  	s9 =	sadd.s32 $0xFFFFFEF7, lr;
	s5 =	simm.s32 $0xFFFFFFFF;
	p2 =	slt.u32 s8, $0xFFFFF086  }
0x1c: {  	p1 =	slt.u32 s9, $0xF7A;
	s5 =	simm.s32 @!p2 $0x0  }
0x1d: {  	s5 =	simm.s32 @p1 $0x1;
	p0 =	seq.s32 s7, s2  }
0x1e: {  	s7 =	smul.u32 @!p0 $0xF7A, s2;
	p2 =	seq.s32 @!p0 s5, $0x0  }
0x1f: {  	s9 =	smul.u32 $0xF7A, s1;
	s8 =	simm.s32 @!p0 $0x1BF5;
	p2 =	por !p2, p0  }
0x20: {  	[sflag:s8] =	ssyncset.s32 @!p0 $0xFFFFF086;
	s6 =	sadd.s32 @!p0 s3, s7;
	s7 =	simm.s32 @!p0 $0x108  }
0x21: {  	s3 =	sadd.s32 s3, s9;
	s6 =	sadd.s32 @!p0 $0x88, s6;
	s7 =	simm.s32 @p2 $0x1082  }
0x22: {  	[simem:s7], [sflag:s8] =	dma.local @!p0 [hbm:s6], $0xF7A  }
0x23: {  	s9 =	sor.u32 $0xD0000000, s2;
	s6 =	simm.s32 $0x108;
	_ =	swait.ge @!p0 [sflag:s8], $0x0  }
0x24: {  	s3 =	sadd.s32 $0x88, s3;
	s6 =	simm.s32 @!p1 $0x1082;
	[sflag:s4] =	ssyncset.s32 $0xFFFFF086  }
0x25: {  	[simem:s6], [sflag:s4] =	dma.local [hbm:s3], $0xF7A  }
0x26: {  	[smem:$0x3F9E] =	sst s1;
	(tag) =	ssettag s2;
	_ =	strace s9  }
0x27: {  	s1 =	sld [smem:$0x3FAE]  }
0x28: {  	s2 =	sld [smem:$0x3FAF]  }
0x29: {  	s4 =	sld [smem:$0x3FB1]  }
0x2a: {  	p0 =	seq.s32 s5, $0x0;
	s5 =	sld [smem:$0x3FB2]  }
0x2b: {  	s6 =	sld [smem:$0x3FB3]  }
0x2c: {  	s7 =	sld [smem:$0x3FB4]  }
0x2d: {  	s3 =	simm.s32 $0x108;
	s8 =	sld [smem:$0x3FB5]  }
0x2e: {  	s3 =	simm.s32 @!p0 $0x1082;
	s9 =	sld [smem:$0x3FB6]  }
0x2f: {  	lr =	sadd.s32 s0, s3;
	s0 =	sld [smem:$0x3FAD]  }
0x30: {  	s3 =	sld [smem:$0x3FB0]  }
0x31: {  	[smem:$0x3FB9] =	sst s10  }
0x32: {  	s10 =	sld [smem:$0x3FB7];
	_ =	sdelay $0x3  }
0x33: {  	p0 =	seq.s32 s10, $0x1;
	s10 =	sld [smem:$0x3FB9];
	_ =	sdelay $0x3  }
0x34: {  	[smem:$0x3FB9] =	sst s10  }
0x35: {  	s10 =	sld [smem:$0x3FB8];
	_ =	sdelay $0x3  }
0x36: {  	p1 =	seq.s32 s10, $0x1;
	s10 =	sld [smem:$0x3FB9];
	_ =	sdelay $0x3  }
0x37: {  	[smem:$0x3FB9] =	sst s10  }
0x38: {  	s10 =	sld [smem:$0x3FBA]  }
0x39: {  	_ = 	snop;
	(pc) =	sbr.ind lr, $3  }
0x3a: {  	_ = 	snop  }
0x3b: {  	_ = 	snop  }
0x3c: {  	p2 =	seq.s32 s10, $0x1;
	s10 =	sld [smem:$0x3FB9]  }
0x3d: {  	_ =	shalt  }
0x3e: {  	_ =	shalt  }
0x3f: {  	_ =	shalt  }
0x40: {  	_ =	shalt  }
0x41: {  	_ =	shalt  }
0x42: {  	_ =	shalt  }
0x43: {  	_ =	shalt  }
0x44: {  	_ =	shalt  }
0x45: {  	_ =	shalt  }
0x46: {  	_ =	shalt  }
0x47: {  	_ =	shalt  }
0x48: {  	_ =	shalt  }
0x49: {  	_ =	shalt  }
0x4a: {  	_ =	shalt  }
0x4b: {  	_ =	shalt  }
0x4c: {  	_ =	shalt  }
0x4d: {  	_ =	shalt  }
0x4e: {  	_ =	shalt  }
0x4f: {  	_ =	shalt  }
0x50: {  	_ =	shalt  }
0x51: {  	_ =	shalt  }
0x52: {  	_ =	shalt  }
0x53: {  	_ =	shalt  }
0x54: {  	_ =	shalt  }
0x55: {  	_ =	shalt  }
0x56: {  	_ =	shalt  }
0x57: {  	_ =	shalt  }
0x58: {  	_ =	shalt  }
0x59: {  	_ =	shalt  }
0x5a: {  	_ =	shalt  }
0x5b: {  	_ =	shalt  }
0x5c: {  	_ =	shalt  }
0x5d: {  	_ =	shalt  }
0x5e: {  	_ =	shalt  }
0x5f: {  	_ =	shalt  }
0x60: {  	_ =	shalt  }
0x61: {  	_ =	shalt  }
0x62: {  	_ =	shalt  }
0x63: {  	_ =	shalt  }
0x64: {  	_ =	shalt  }
0x65: {  	_ =	shalt  }
0x66: {  	_ =	shalt  }
0x67: {  	_ =	shalt  }
0x68: {  	_ =	shalt  }
0x69: {  	_ =	shalt  }
0x6a: {  	_ =	shalt  }
0x6b: {  	_ =	shalt  }
0x6c: {  	_ =	shalt  }
0x6d: {  	_ =	shalt  }
0x6e: {  	_ =	shalt  }
0x6f: {  	_ =	shalt  }
0x70: {  	_ =	shalt  }
0x71: {  	_ =	shalt  }
0x72: {  	_ =	shalt  }
0x73: {  	_ =	shalt  }
0x74: {  	_ =	shalt  }
0x75: {  	_ =	shalt  }
0x76: {  	_ =	shalt  }
0x77: {  	_ =	shalt  }
0x78: {  	_ =	shalt  }
0x79: {  	_ =	shalt  }
0x7a: {  	_ =	shalt  }
0x7b: {  	_ =	shalt  }
0x7c: {  	_ =	shalt  }
0x7d: {  	_ =	shalt  }
0x7e: {  	_ =	shalt  }
0x7f: {  	_ =	shalt  }
0x80: {  	_ =	shalt  }
0x81: {  	_ =	shalt  }
0x82: {  	_ =	shalt  }
0x83: {  	_ =	shalt  }
0x84: {  	_ =	shalt  }
0x85: {  	_ =	shalt  }
0x86: {  	_ =	shalt  }
0x87: {  	_ =	shalt  }
.Lfunc_end0:
.L_simem_size_0:
called_computation_lowered:
.L_overlay_start_0:
0x88: {  	s2 =	sld [smem:$0x3FD9]  }
0x89: {  	s3 =	sld [smem:$0x3FFE];
	_ =	sdelay $0x1  }
0x8a: {  	s1 =	srdreg.scid  }
0x8b: {  	s0 =	sand.u32 $0x1, s1  }
0x8c: {  	s17 =	sshll.u32 s0, $0xA;
	s2 =	sadd.s32 s3, s2  }
0x8d: {  	s2 =	sadd.s32 s2, s17  }
0x8e: {  	[smem:$0x3FC5] =	sst s2  }
0x8f: {  	_ = 	snop  }
0x90: {  	s2 =	sld [smem:$0x3FC9]  }
0x91: {  	s18 =	sld [smem:$0x3FC8];
	(tm) =	ssettm $0x1  }
0x92: {  	s4 =	sld [smem:$0x3FFB];
	_ =	sdelay $0x3  }
0x93: {  	_ =	strace s4  }
0x94: {  	s4 =	sld [smem:$0x3FFC];
	_ =	sdelay $0x3  }
0x95: {  	_ =	strace s4  }
0x96: {  	s4 =	sld [smem:$0x3FFD];
	_ =	sdelay $0x3  }
0x97: {  	_ =	strace s4  }
0x98: {  	_ =	strace $0x8FFFFFFF  }
0x99: {  	s19 =	sld [smem:$0x3FDB];
	_ =	sdelay $0x1  }
0x9a: {  	s5 =	simm.s32 $_scs_section_size  }
0x9b: {  	s6 =	simm.s32 $_size__tile_overlayer_lowered;
	s7 =	simm.s32 $_tile_overlayer_lowered  }
0x9c: {  	s22 =	simm.s32 $0x1BFF;
	s21 =	sshll.u32 s7, $0x1;
	s4 =	sadd.s32 s5, s19  }
0x9d: {  	s8 =	simm.s32 $0x0;
	s20 =	sshll.u32 s6, $0x1;
	s6 =	sadd.s32 s21, s4  }
0x9e: {  	[timem:s8], [sflag:s22] =	dma.local [hbm:s6], s20  }
0x9f: {  	_ =	swait.ge [sflag:s22], s20  }
0xa0: {  	s5 =	ssub.s32 $0x0, s20;
	[sflag:s22] =	ssyncset.done $0x0  }
0xa1: {  	[sflag:s22] =	ssyncadd.s32 s5;
	_ =	sdelay $0x1  }
0xa2: {  	s23 =	simm.s32 $0x1B8B  }
0xa3: {  	_ =	swait.ge [sflag:s23], $0x1  }
0xa4: {  	[sflag:s23] =	ssyncset.done $0x0  }
0xa5: {  	s25 =	simm.s32 $0x1B8E;
	s24 =	sld [smem:$0x3FFE];
	[sflag:s23] =	ssyncadd.s32 $0xFFFFFFFF  }
0xa6: {  	s26 =	simm.s32 $execute0_lowered;
	[smem:$0x3FD2] =	sst s25  }
0xa7: {  	s6 =	sshll.u32 s26, $0x1;
	_ =	strace $0x80000046;
	[dreg:$0x1] =	wrdreg $0xFFFFFFFF  }
0xa8: {  	s28 =	simm.s32 $_size_execute0_lowered;
	s4 =	sadd.s32 s4, s6;
	[dreg:$0x0] =	wrdreg $0x0  }
0xa9: {  	s6 =	sshll.u32 s28, $0x1;
	[dreg:$0x2] =	wrdreg s4  }
0xaa: {  	[dreg:$0x3] =	wrdreg s6  }
0xab: {  	[dreg:$0x4] =	wrdreg $0xC0  }
0xac: {  	_ =	task [dreg:s8], $0x5FFFF  }
0xad: {  	[dreg:$0x1] =	wrdreg $0xFFFFFFFF  }
0xae: {  	[dreg:$0x0] =	wrdreg $0x60  }
0xaf: {  	[dreg:$0x2] =	wrdreg s2  }
0xb0: {  	[dreg:$0x3] =	wrdreg s18  }
0xb1: {  	[dreg:$0x4] =	wrdreg s24  }
0xb2: {  	[dreg:$0x5] =	wrdreg $0x9  }
0xb3: {  	_ =	task.clear_ibuf [dreg:s8], $0x6FFFF;
	_ =	strace $0x90000046  }
0xb4: {  	s29 =	simm.s32 $0x9;
	_ =	strace $0x80000048  }
0xb5: {  	_ =	swait.ge [sflag:s29], $0x1  }
0xb6: {  	[sflag:s29] =	ssyncadd.s32 $0xFFFFFFFF  }
0xb7: {  	_ =	strace $0x90000048  }
0xb8: {  	_ =	sfence  }
0xb9: {  	s30 =	sld [smem:$0x0];
	_ =	sdelay $0x2  }
0xba: {  	s31 =	sshll.u32 s1, $0xD;
	s1 =	sshrl.u32 s1, $0x2  }
0xbb: {  	s3 =	sand.u32 $0x4000, s31;
	s1 =	sadd.s32 s1, s30  }
0xbc: {  	s0 =	sor.u32 s3, s0;
	s1 =	sshll.u32 s1, $0x11  }
0xbd: {  	s0 =	sor.u32 s1, s0  }
0xbe: {  	s0 =	sadd.s32 $0x8F2B, s0  }
0xbf: {  	[sflag:s0] =	ssyncadd.remote.s32 $0x1  }
0xc0: {  	_ =	sfence.sel $0xFFFF  }
0xc1: {  	[dreg:$0x0] =	wrdreg $0xFFFFFFFF;
	(pc) =	sbr.abs _section_cstart, $3  }
0xc2: {  	[dreg:$0x1] =	wrdreg $0xFFFFFFFF  }
0xc3: {  	_ =	task.clear_ibuf [dreg:s8], $0x2FFFF;
	_ =	strace $0x9FFFFFFF  }
0xc4: {  	(tm) =	ssettm $0x7FFFFFFF  }
0xc5: {  	_ =	shalt  }
tec
execute0_lowered:
.L_overlay_start_1:
0x0: {  	(tag) =	ssettag $0x1  }
0x1: {  	s7 =	rddreg [dreg:$0x0]  }
0x2: {  	s0 =	rddreg [dreg:$0x1]  }
0x3: {  	s1 =	rddreg [dreg:$0x2];
	s9 =	simm.s32 $0x0;
	s2 =	srdreg.scid  }
0x4: {  	s4 =	stileid.u32;
	[smem:$0x7FF] =	sst s9;
	s2 =	sand.u32 $0x1, s2  }
0x5: {  	s3 =	sshll.u32 s4, $0x1;
	s5 =	sadd.s32 $0xA00, s1;
	s20 =	sadd.s32 $0x1800, s1  }
0x6: {  	s4 =	sshrl.u32 s4, $0x1;
	_ =	strace $0x80000047;
	[dreg:$0xa] =	wrdreg s5  }
0x7: {  	s3 =	sor.u32 s2, s3;
	[dreg:$0xb] =	wrdreg s20;
	s6 =	sshll.u32 s4, $0x16  }
0x8: {  	s2 =	ssub.s32 $0x2, s2;
	s21 =	sshll.u32 s3, $0xB;
	s3 =	sshll.u32 s3, $0x5  }
0x9: {  	s22 =	sshll.u32 s4, $0xE;
	s25 =	sshrl.u32 s2, $0x1;
	s1 =	sadd.s32 s3, s1  }
0xa: {  	s5 =	sand.u32 $0x1800, s21;
	s2 =	ssub.s32 s2, s25;
	s30 =	sadd.s32 $0x2000, s1  }
0xb: {  	s23 =	sor.u32 s6, s5;
	s31 =	smax.u32 s2, $0x1;
	[dreg:$0x11] =	wrdreg s30  }
0xc: {  	s3 =	sor.u32 s22, s5;
	s28 =	sor.u32 $0x40000, s23;
	[dreg:$0x12] =	wrdreg s31  }
0xd: {  	s3 =	sshrl.u32 s3, $0x3;
	s29 =	sor.u32 $0x60000, s23;
	[dreg:$0xf] =	wrdreg s28  }
0xe: {  	s24 =	sshrl.u32 s23, $0x3;
	s0 =	sadd.s32 s0, s3;
	[dreg:$0x10] =	wrdreg s29  }
0xf: {  	s5 =	sadd.s32 s7, s24;
	[dreg:$0xd] =	wrdreg s0  }
0x10: {  	s13 =	simm.s32 $0x6400;
	[dreg:$0xc] =	wrdreg s5;
	s26 =	sadd.s32 $0x4000, s5  }
0x11: {  	v0 =	vlaneseq.u32;
	v1 =	vimm.f32 $0.0e+00;
	v2 =	vimm.s32 $0x0;
	s2 =	simm.s32 $0x2;
	s1 =	simm.s32 $0x0;
	[dreg:$0xe] =	wrdreg s26  }
.LBB2_1:
0x12: {  	[dreg:$0x13] =	wrdreg s1  }
0x13: {  	s0 =	rddreg [dreg:$0xa]  }
0x14: {  	[tilespmem:s9], [sflag:$0x2] =	stream.linear.gather [hbm4b:s0+s9], $0x6400, $0x38;
	[tilespmem:$0x13780] =	vst v63  }
0x15: {  	_ =	swait.ge [sflag:s2], $0x6400  }
0x16: {  	[sflag:s2] =	ssyncset.done $0x0  }
0x17: {  	s28 =	rddreg [dreg:$0xb];
	[sflag:s2] =	ssyncadd.s32 $0xFFFF9C00  }
0x18: {  	[tilespmem:s13], [sflag:$0x2] =	stream.linear.gather [hbm4b:s28+s9], $0x3200, $0x38;
	[tilespmem:$0x13780] =	vst v63  }
0x19: {  	s30 =	simm.s32 $0x9600;
	_ =	swait.ge [sflag:s2], $0x3200  }
0x1a: {  	s31 =	simm.s32 $0x10;
	s1 =	simm.s32 $0xC8;
	[sflag:s2] =	ssyncset.done $0x0  }
0x1b: {  	s3 =	simm.s32 $0x0;
	v3 =	vor.u32 s31, v0;
	s29 =	rddreg [dreg:$0xd];
	[sflag:s2] =	ssyncadd.s32 $0xFFFFCE00  }
0x1c: {  	v4 =	vadd.s32 s1, v0;
	[tilespmem:s30], [sflag:$0x2] =	stream.linear.gather [hbm4b:s29+s9], $0x800, $0x38;
	[tilespmem:$0x13780] =	vst v63  }
0x1d: {  	s4 =	simm.s32 $0x30;
	v5 =	vor.u32 s3, v0;
	_ =	swait.ge [sflag:s2], $0x800  }
0x1e: {  	s5 =	simm.s32 $0x94;
	v6 =	vor.u32 s4, v0;
	[sflag:s2] =	ssyncset.done $0x0  }
0x1f: {  	s6 =	simm.s32 $0x74;
	v7 =	vadd.s32 s5, v0;
	[sflag:s2] =	ssyncadd.s32 $0xFFFFF800  }
0x20: {  	s7 =	simm.s32 $0x84;
	v8 =	vadd.s32 s6, v0;
	v3 =	vld.idx.msk [tilespmem:v3+s9+$0x0], $0xffff  }
0x21: {  	s8 =	simm.s32 $0x60;
	v9 =	vadd.s32 s7, v0;
	v4 =	vld.idx.msk [tilespmem:v4+s9+$0x0], $0xffff  }
0x22: {  	s14 =	simm.s32 $0xC4;
	v10 =	vor.u32 s8, v0;
	v11 =	vld.idx.msk [tilespmem:v5+s9+$0x0], $0xffff  }
0x23: {  	s21 =	simm.s32 $0x40;
	v12 =	vadd.s32 s14, v0;
	v15 =	vld.idx.msk [tilespmem:v6+s9+$0x0], $0xffff  }
0x24: {  	s10 =	simm.s32 $0x12C;
	v20 =	vor.u32 s21, v0;
	v13 =	vld.idx.msk [tilespmem:v7+s9+$0x0], $0xffff  }
0x25: {  	s11 =	simm.s32 $0xA4;
	v5 =	vadd.s32 s10, v0;
	v8 =	vld.idx.msk [tilespmem:v8+s9+$0x0], $0xffff  }
0x26: {  	s12 =	simm.s32 $0xD8;
	v6 =	vadd.s32 s11, v0;
	v9 =	vld.idx.msk [tilespmem:v9+s9+$0x0], $0xffff  }
0x27: {  	s16 =	simm.s32 $0x20;
	v7 =	vadd.s32 s12, v0;
	v10 =	vld.idx.msk [tilespmem:v10+s9+$0x0], $0xffff  }
0x28: {  	s15 =	simm.s32 $0xF8;
	s17 =	simm.s32 $0x50;
	s18 =	simm.s32 $0xB4;
	v16 =	vor.u32 s16, v0;
	v24 =	vld.idx.msk [tilespmem:v12+s9+$0x0], $0xffff  }
0x29: {  	s19 =	simm.s32 $0x128;
	s20 =	simm.s32 $0x64;
	s23 =	simm.s32 $0xE8;
	v14 =	vadd.s32 s15, v0;
	v18 =	vor.u32 s17, v0;
	v21 =	vadd.s32 s18, v0;
	v27 =	vld.idx.msk [tilespmem:v20+s9+$0x0], $0xffff  }
0x2a: {  	s24 =	simm.s32 $0x118;
	s25 =	simm.s32 $0x14C;
	v19 =	vadd.s32 s19, v0;
	v25 =	vadd.s32 s20, v0;
	v28 =	vadd.s32 s23, v0;
	v17 =	vld.idx.msk [tilespmem:v5+s9+$0x0], $0xffff  }
0x2b: {  	s22 =	simm.s32 $0x13C;
	s26 =	simm.s32 $0x108;
	v29 =	vadd.s32 s24, v0;
	v33 =	vadd.s32 s25, v0;
	s29 =	simm.s32 $0x15C;
	v6 =	vld.idx.msk [tilespmem:v6+s9+$0x0], $0xffff;
	v3 =	vmul.f32 v3, v3  }
0x2c: {  	v22 =	vadd.s32 s26, v0;
	v20 =	vadd.s32 s29, v0;
	v23 =	vld.idx.msk [tilespmem:v7+s9+$0x0], $0xffff;
	v5 =	vadd.s32 s22, v0  }
0x2d: {  	s28 =	simm.s32 $0x17C;
	v8 =	vmul.f32 v8, v8;
	v12 =	vmul.f32 v9, v9;
	v9 =	vld.idx.msk [tilespmem:v16+s9+$0x0], $0xffff;
	v7 =	vadd.f32 v3, v1  }
0x2e: {  	s30 =	simm.s32 $0x18C;
	v30 =	vmul.f32 v11, v11;
	v16 =	vld.idx.msk [tilespmem:v18+s9+$0x0], $0xffff;
	v18 =	vadd.s32 s28, v0;
	v34 =	vmul.f32 v24, v24  }
0x2f: {  	v32 =	vld.idx.msk [tilespmem:v14+s9+$0x0], $0xffff;
	v24 =	vadd.s32 s30, v0;
	v3 =	vmul.f32 v4, v4;
	v14 =	vadd.f32 v8, v7  }
0x30: {  	v19 =	vld.idx.msk [tilespmem:v19+s9+$0x0], $0xffff;
	v8 =	vmul.f32 v13, v13;
	v13 =	vadd.f32 v30, v1;
	v4 =	vmul.f32 v17, v17  }
0x31: {  	s31 =	simm.s32 $0x16C;
	v26 =	vld.idx.msk [tilespmem:v21+s9+$0x0], $0xffff;
	v30 =	vimm.f32 $0.0e+00;
	v7 =	vmul.f32 v6, v6;
	v6 =	vmul.f32 v10, v10  }
0x32: {  	v11 =	vld.idx.msk [tilespmem:v28+s9+$0x0], $0xffff;
	v10 =	vmul.f32 v23, v23;
	v23 =	vadd.s32 s31, v0;
	v31 =	vmul.f32 v9, v9  }
0x33: {  	v28 =	vld.idx.msk [tilespmem:v29+s9+$0x0], $0xffff;
	v17 =	vmul.f32 v15, v15;
	v29 =	vmul.f32 v16, v16;
	v21 =	vadd.f32 v6, v1  }
0x34: {  	v16 =	vld.idx.msk [tilespmem:v33+s9+$0x0], $0xffff;
	v15 =	vimm.f32 $0.0e+00;
	v10 =	vadd.f32 v10, v14;
	v6 =	vmul.f32 v32, v32  }
0x35: {  	s0 =	simm.s32 $0x0;
	s2 =	simm.s32 $0x31C;
	v14 =	vld.idx.msk [tilespmem:v25+s9+$0x0], $0xffff;
	v25 =	vimm.f32 $0.0e+00;
	v9 =	vadd.f32 v34, v21;
	v21 =	vimm.f32 $0.0e+00  }
.LBB2_2:
0x36: {  	s1 =	sadd.s32 $0xFFFFFE74, s2;
	s3 =	sadd.s32 $0xFFFFFE84, s2;
	s4 =	sadd.s32 $0xFFFFFE94, s2;
	v30 =	vadd.f32 v31, v30;
	v27 =	vmul.f32 v27, v27;
	v22 =	vld.idx.msk [tilespmem:v22+s9+$0x0], $0xffff;
	v19 =	vmul.f32 v19, v19  }
0x37: {  	s5 =	sadd.s32 $0xFFFFFF3C, s2;
	v26 =	vmul.f32 v26, v26;
	v31 =	vor.u32 s1, v0;
	v32 =	vor.u32 s3, v0;
	s1 =	sadd.s32 $0xFFFFFEA4, s2;
	s3 =	sadd.s32 $0xFFFFFF18, s2;
	v18 =	vld.idx.msk [tilespmem:v18+s9+$0x0], $0xffff  }
0x38: {  	s6 =	sadd.s32 $0xFFFFFED4, s2;
	v34 =	vadd.s32 s5, v0;
	s5 =	sadd.s32 $0xFFFFFF6C, s2;
	v21 =	vadd.f32 v29, v21;
	v33 =	vor.u32 s1, v0;
	s1 =	sadd.s32 $0xFFFFFEC4, s2;
	v24 =	vld.idx.msk [tilespmem:v24+s9+$0x0], $0xffff  }
0x39: {  	s7 =	sadd.s32 $0xFFFFFF4C, s2;
	v35 =	vor.u32 s6, v0;
	s6 =	sadd.s32 $0xFFFFFEF8, s2;
	v25 =	vadd.f32 v27, v25;
	v29 =	vor.u32 s1, v0;
	s1 =	sadd.s32 $0xFFFFFED8, s2;
	v20 =	vld.idx.msk [tilespmem:v20+s9+$0x0], $0xffff  }
0x3a: {  	s8 =	sadd.s32 $0xFFFFFEE8, s2;
	s0 =	sadd.s32 $0x4, s0;
	v36 =	vadd.s32 s7, v0;
	v27 =	vadd.s32 s6, v0;
	s6 =	sadd.s32 $0xFFFFFF08, s2;
	v28 =	vmul.f32 v28, v28;
	v23 =	vld.idx.msk [tilespmem:v23+s9+$0x0], $0xffff  }
0x3b: {  	p0 =	slt.u32 s0, $0xFC;
	v38 =	vadd.s32 s3, v0;
	s3 =	sadd.s32 $0xFFFFFF28, s2;
	v12 =	vadd.f32 v12, v30;
	v37 =	vadd.s32 s6, v0;
	v30 =	vld.idx.msk [tilespmem:v5+s9+$0x0], $0xffff  }
0x3c: {  	v39 =	vadd.s32 s8, v0;
	v40 =	vadd.s32 s3, v0;
	s3 =	sadd.s32 $0xFFFFFF38, s2;
	v22 =	vmul.f32 v22, v22;
	v32 =	vld.idx.msk [tilespmem:v32+s9+$0x0], $0xffff  }
0x3d: {  	v21 =	vadd.f32 v26, v21;
	v41 =	vadd.s32 s1, v0;
	v42 =	vadd.s32 s3, v0;
	v34 =	vld.idx.msk [tilespmem:v34+s9+$0x0], $0xffff  }
0x3e: {  	v43 =	vadd.s32 s5, v0;
	s1 =	sadd.s32 $0xFFFFFEB4, s2;
	s3 =	sadd.s32 $0xFFFFFFA0, s2;
	v24 =	vmul.f32 v24, v24;
	v26 =	vld.idx.msk [tilespmem:v31+s9+$0x0], $0xffff;
	v31 =	vor.u32 s4, v0  }
0x3f: {  	v44 =	vor.u32 s1, v0;
	s1 =	sadd.s32 $0xFFFFFF9C, s2;
	v45 =	vadd.s32 s3, v0;
	s3 =	sadd.s32 $0xFFFFFFB0, s2;
	v46 =	vmul.f32 v20, v20;
	v33 =	vld.idx.msk [tilespmem:v33+s9+$0x0], $0xffff  }
0x40: {  	v5 =	vadd.s32 s3, v0;
	s4 =	sadd.s32 $0xFFFFFF5C, s2;
	v20 =	vadd.s32 s1, v0;
	v23 =	vmul.f32 v23, v23;
	v37 =	vld.idx.msk [tilespmem:v37+s9+$0x0], $0xffff  }
0x41: {  	v15 =	vadd.f32 v17, v15;
	v17 =	vmul.f32 v18, v18;
	v47 =	vadd.s32 s4, v0;
	v39 =	vld.idx.msk [tilespmem:v39+s9+$0x0], $0xffff  }
0x42: {  	v16 =	vmul.f32 v16, v16;
	v21 =	vadd.f32 v28, v21;
	s1 =	sadd.s32 $0xFFFFFF8C, s2;
	v18 =	vld.idx.msk [tilespmem:v27+s9+$0x0], $0xffff;
	v27 =	vmul.f32 v30, v30  }
0x43: {  	v14 =	vmul.f32 v14, v14;
	v7 =	vadd.f32 v7, v25;
	v28 =	vld.idx.msk [tilespmem:v35+s9+$0x0], $0xffff;
	v35 =	vadd.s32 s1, v0  }
0x44: {  	v11 =	vmul.f32 v11, v11;
	v48 =	vmul.f32 v26, v26;
	s1 =	sadd.s32 $0xFFFFFFC0, s2;
	v25 =	vld.idx.msk [tilespmem:v45+s9+$0x0], $0xffff;
	v10 =	vadd.f32 v27, v10  }
0x45: {  	v13 =	vadd.f32 v14, v13;
	v7 =	vadd.f32 v22, v7;
	v26 =	vld.idx.msk [tilespmem:v38+s9+$0x0], $0xffff;
	v38 =	vadd.s32 s1, v0  }
0x46: {  	v9 =	vadd.f32 v19, v9;
	v21 =	vadd.f32 v17, v21;
	v14 =	vmul.f32 v32, v32;
	v32 =	vld.idx.msk [tilespmem:v43+s9+$0x0], $0xffff  }
0x47: {  	v8 =	vadd.f32 v8, v15;
	v11 =	vadd.f32 v11, v12;
	v17 =	vmul.f32 v34, v34;
	v34 =	vld.idx.msk [tilespmem:v36+s9+$0x0], $0xffff  }
0x48: {  	v9 =	vadd.f32 v24, v9;
	s1 =	sadd.s32 $0xFFFFFF7C, s2;
	v10 =	vadd.f32 v14, v10;
	v14 =	vmul.f32 v39, v39;
	v36 =	vld.idx.msk [tilespmem:v42+s9+$0x0], $0xffff  }
0x49: {  	v13 =	vadd.f32 v3, v13;
	v3 =	vmovc v17;
	v22 =	vadd.s32 s1, v0;
	v12 =	vmul.f32 v18, v18;
	v19 =	vld.idx.msk [tilespmem:v20+s9+$0x0], $0xffff  }
0x4a: {  	s1 =	sadd.s32 $0xFFFFFFF0, s2;
	v10 =	vadd.f32 v14, v10;
	v14 =	vmul.f32 v25, v25;
	v25 =	vadd.f32 v23, v7;
	v17 =	vld.idx.msk [tilespmem:v31+s9+$0x0], $0xffff  }
0x4b: {  	v6 =	vadd.f32 v6, v8;
	s3 =	sadd.s32 $0xFFFFFFD0, s2;
	v13 =	vadd.f32 v4, v13;
	v18 =	vadd.s32 s1, v0;
	v29 =	vld.idx.msk [tilespmem:v29+s9+$0x0], $0xffff  }
0x4c: {  	v30 =	vadd.f32 v16, v11;
	v20 =	vadd.s32 s3, v0;
	v7 =	vmul.f32 v26, v26;
	v4 =	vmovc v14;
	v27 =	vld.idx.msk [tilespmem:v44+s9+$0x0], $0xffff  }
.Ltmp0:
0x4d: {  	v15 =	vadd.f32 v46, v6;
	s1 =	sadd.s32 $0xFFFFFFE0, s2;
	v8 =	vmul.f32 v28, v28;
	v16 =	vmul.f32 v34, v34;
	v26 =	vld.idx.msk [tilespmem:v40+s9+$0x0], $0xffff;
	(pc) =	sbr.rel @p0 .LBB2_2-.Ltmp0, $4  }
0x4e: {  	v24 =	vadd.s32 s2, v0;
	v23 =	vadd.s32 s1, v0;
	v34 =	vmul.f32 v36, v36;
	v11 =	vld.idx.msk [tilespmem:v47+s9+$0x0], $0xffff  }
0x4f: {  	v9 =	vadd.f32 v8, v9;
	v8 =	vmul.f32 v37, v37;
	v10 =	vadd.f32 v16, v10;
	v14 =	vld.idx.msk [tilespmem:v41+s9+$0x0], $0xffff  }
0x50: {  	v13 =	vadd.f32 v48, v13;
	v6 =	vmul.f32 v32, v32;
	v31 =	vmul.f32 v17, v17;
	v28 =	vld.idx.msk [tilespmem:v35+s9+$0x0], $0xffff  }
0x51: {  	s2 =	sadd.s32 $0x190, s2;
	v17 =	vmul.f32 v33, v33;
	v9 =	vadd.f32 v34, v9;
	v29 =	vmul.f32 v29, v29;
	v16 =	vld.idx.msk [tilespmem:v38+s9+$0x0], $0xffff  }
0x52: {  	_ =	sdelay $0x3  }
0x53: {  	v22 =	vld.idx.msk [tilespmem:v22+s9+$0x0], $0xffff;
	v30 =	vadd.f32 v31, v30;
	v27 =	vmul.f32 v27, v27;
	v19 =	vmul.f32 v19, v19  }
0x54: {  	v5 =	vld.idx.msk [tilespmem:v5+s9+$0x0], $0xffff;
	v26 =	vmul.f32 v26, v26;
	v21 =	vadd.f32 v29, v21;
	v14 =	vmul.f32 v14, v14  }
0x55: {  	v55 =	vld.idx.msk [tilespmem:v23+s9+$0x0], $0xffff;
	v15 =	vadd.f32 v17, v15;
	v11 =	vmul.f32 v11, v11;
	v12 =	vadd.f32 v12, v30  }
0x56: {  	v20 =	vld.idx.msk [tilespmem:v20+s9+$0x0], $0xffff;
	v25 =	vadd.f32 v27, v25;
	v54 =	vmul.f32 v28, v28;
	v13 =	vadd.f32 v14, v13  }
0x57: {  	v56 =	vld.idx.msk [tilespmem:v18+s9+$0x0], $0xffff;
	v57 =	vadd.f32 v26, v21;
	v59 =	vmul.f32 v16, v16;
	v11 =	vadd.f32 v11, v12  }
0x58: {  	v58 =	vld.idx.msk [tilespmem:v24+s9+$0x0], $0xffff;
	v7 =	vadd.f32 v7, v25;
	v22 =	vmul.f32 v22, v22;
	v3 =	vadd.f32 v3, v13  }
0x59: {  	v8 =	vadd.f32 v8, v15;
	v5 =	vmul.f32 v5, v5;
	v61 =	vadd.f32 v59, v11  }
0x5a: {  	v60 =	vmul.f32 v55, v55;
	v7 =	vadd.f32 v22, v7;
	v3 =	vadd.f32 v4, v3  }
0x5b: {  	v6 =	vadd.f32 v6, v8;
	v5 =	vadd.f32 v5, v10;
	v4 =	vmul.f32 v20, v20;
	[tilespmem:$0xA620] =	vst v61  }
0x5c: {  	v62 =	vadd.f32 v54, v57;
	v7 =	vadd.f32 v60, v7;
	[tilespmem:$0xA600] =	vst v3;
	v3 =	vmul.f32 v56, v56  }
0x5d: {  	v63 =	vadd.f32 v19, v9;
	[tilespmem:$0xA610] =	vst v5;
	v5 =	vmul.f32 v58, v58;
	v4 =	vadd.f32 v4, v6  }
0x5e: {  	s0 =	simm.s32 $0x0;
	[tilespmem:$0xA640] =	vst v7;
	v3 =	vadd.f32 v3, v62  }
0x5f: {  	s1 =	sand.u32 $0x1E00, s0;
	[tilespmem:$0xA630] =	vst v4;
	v4 =	vadd.f32 v5, v63  }
0x60: {  	s0 =	sand.u32 $0x70, s0;
	s1 =	sshrl.u32 s1, $0x2;
	[tilespmem:$0xA650] =	vst v3  }
0x61: {  	s0 =	sor.u32 s0, s1;
	[tilespmem:$0xA660] =	vst v4  }
0x62: {  	v3 =	vld [tilespmem:s0+$0x9600];
	_ =	sdelay $0x4  }
0x63: {  	s2 =	simm.s32 $0x10;
	s3 =	simm.s32 $0x80;
	s0 =	simm.s32 $0x40;
	vm0 =	vgt.s32 v3, $0x0  }
0x64: {  	s4 =	simm.s32 $0x0;
	s1 =	simm.s32 $0x40;
	s5 =	sand.u32 $0x1E00, s0;
	v3 =	vnsel vm0, $0x0, v3  }
.LBB2_4:
0x65: {  	p0 =	sne.s32 s3, $0x1FC0;
	s6 =	sand.u32 $0x70, s2;
	s5 =	sshrl.u32 s5, $0x2;
	v3 =	vmin.u32 v3, $0x63  }
0x66: {  	s5 =	sor.u32 s6, s5;
	[tilespmem:s4+$0x9E00] =	vst v3;
	s4 =	smov.u32 s1;
	s1 =	smov.u32 s3  }
0x67: {  	v3 =	vld [tilespmem:s5+$0x9600];
	_ =	sdelay $0x1  }
.Ltmp1:
0x68: {  	(pc) =	sbr.rel @p0 .LBB2_4-.Ltmp1, $3  }
0x69: {  	_ =	sdelay $0x1  }
0x6a: {  	s2 =	sadd.s32 $0x10, s2;
	vm0 =	vgt.s32 v3, $0x0  }
0x6b: {  	s3 =	sadd.s32 $0x40, s3;
	s5 =	sand.u32 $0x1E00, s1;
	s4 =	sshra.s32 s4, $0x2;
	v3 =	vnsel vm0, $0x0, v3  }
0x6c: {  	s2 =	sand.u32 $0x70, s2;
	s3 =	sshrl.u32 s5, $0x2;
	v3 =	vmin.u32 v3, $0x63  }
0x6d: {  	s2 =	sor.u32 s2, s3;
	[tilespmem:s4+$0x9E00] =	vst v3  }
0x6e: {  	v3 =	vld [tilespmem:s2+$0x9600];
	_ =	sdelay $0x4  }
0x6f: {  	vm0 =	vgt.s32 v3, $0x0  }
0x70: {  	v3 =	vnsel vm0, $0x0, v3  }
0x71: {  	s1 =	sshra.s32 s1, $0x2;
	v3 =	vmin.u32 v3, $0x63  }
0x72: {  	[tilespmem:s1+$0x9E00] =	vst v3;
	s1 =	simm.s32 $0x0  }
.LBB2_6:
0x73: {  	p0 =	sne.s32 s0, $0x1FC0;
	[tilespmem:s1+$0x12680] =	vst v1;
	s2 =	smov.u32 s0;
	s0 =	sadd.s32 $0x40, s0  }
.Ltmp2:
0x74: {  	[tilespmem:s1+$0x12E80] =	vst v1;
	(pc) =	sbr.rel @p0 .LBB2_6-.Ltmp2, $2  }
0x75: {  	_ =	sdelay $0x2  }
0x76: {  	s1 =	sshra.s32 s2, $0x2  }
0x77: {  	[tilespmem:s1+$0x12680] =	vst v1;
	s0 =	rddreg [dreg:$0xc]  }
0x78: {  	[tilespmem:s1+$0x12E80] =	vst v1;
	s29 =	simm.s32 $0x800;
	s2 =	simm.s32 $0x4000;
	s3 =	simm.s32 $0xA680  }
0x79: {  	[tilespmem:s3], [sflag:$0x1] =	stream.strided.gather [hbm4b:s0+s29], $0x4000, s2, s29, $0x38;
	[tilespmem:$0x13780] =	vst v63  }
0x7a: {  	s30 =	rddreg [dreg:$0xe];
	s31 =	simm.s32 $0xE680;
	s4 =	simm.s32 $0x0  }
0x7b: {  	[tilespmem:s31], [sflag:$0x1] =	stream.strided.gather [hbm4b:s30+s29], $0x4000, s2, s29, $0x38;
	[tilespmem:$0x13780] =	vst v63  }
.LBB2_8:
0x7c: {  	s0 =	simm.s32 $0x1  }
0x7d: {  	s11 =	simm.s32 $0x0;
	s1 =	simm.s32 $0x30;
	_ =	swait.ge [sflag:s0], $0x4000  }
0x7e: {  	s3 =	simm.s32 $0x9E20;
	s29 =	sand.u32 $0x780, s11;
	[sflag:s0] =	ssyncset.done $0x0  }
0x7f: {  	s1 =	sand.u32 $0x70, s1;
	s9 =	sadd.s32 $0xA680, s29;
	[sflag:s0] =	ssyncadd.s32 $0xFFFFC000  }
0x80: {  	s12 =	smul.u32 $0x320, s4;
	s8 =	sadd.s32 $0xAE80, s29;
	s2 =	sor.u32 s1, s9;
	v4 =	vld [tilespmem:s3+$0x10]  }
0x81: {  	s7 =	sadd.s32 $0xB680, s29;
	s10 =	sor.u32 s1, s8;
	v5 =	vld [tilespmem:s2+$0x0];
	[dreg:$0x14] =	wrdreg s4  }
0x82: {  	s6 =	sadd.s32 $0xBE80, s29;
	s14 =	sor.u32 s1, s7;
	v6 =	vld [tilespmem:s10+$0x0]  }
0x83: {  	s5 =	sadd.s32 $0xC680, s29;
	s15 =	sor.u32 s1, s6;
	v7 =	vld [tilespmem:s14+$0x0];
	[dreg:$0x16] =	wrdreg s12  }
0x84: {  	s16 =	sor.u32 s1, s5;
	s4 =	sadd.s32 $0xCE80, s29;
	v8 =	vld [tilespmem:s15+$0x0]  }
0x85: {  	s2 =	sadd.s32 $0xDE80, s29;
	s10 =	sor.u32 s1, s4;
	v9 =	vld [tilespmem:s16+$0x0]  }
0x86: {  	s18 =	sor.u32 s1, s2;
	v13 =	vld [tilespmem:s10+$0x0]  }
0x87: {  	v18 =	vld [tilespmem:s18+$0x0]  }
0x88: {  	v16 =	vld [tilespmem:s3+$0xFFFFFFE0]  }
0x89: {  	s22 =	simm.s32 $0x10;
	s19 =	sand.u32 $0x40, s11;
	v3 =	vmov s12;
	v23 =	vld [tilespmem:s3+$0xFFFFFFF0]  }
0x8a: {  	s0 =	simm.s32 $0x126A0;
	s15 =	sadd.s32 $0xD680, s29;
	v25 =	vld [tilespmem:s3+$0x0];
	s29 =	simm.s32 $0x20;
	v4 =	vadd.s32 v3, v4  }
0x8b: {  	s23 =	sand.u32 $0x50, s22;
	v24 =	vld [tilespmem:s0+$0x10];
	s17 =	sor.u32 s1, s15;
	s3 =	sand.u32 $0x60, s29;
	v10 =	vadd.s32 $0x12C, v4  }
0x8c: {  	s11 =	sor.u32 s19, s7;
	s28 =	sor.u32 s23, s7;
	v17 =	vld [tilespmem:s17+$0x0];
	s7 =	sor.u32 s3, s7;
	v11 =	vadd.s32 $0xC8, v4  }
0x8d: {  	s24 =	sor.u32 s19, s6;
	s12 =	sor.u32 s23, s6;
	s6 =	sor.u32 s3, s6;
	v32 =	vld [tilespmem:s7+$0x0];
	v12 =	vadd.s32 $0x64, v4  }
0x8e: {  	v33 =	vld [tilespmem:s6+$0x0];
	v26 =	vadd.s32 v3, v16  }
0x8f: {  	v14 =	vmul.f32 v5, v5;
	v25 =	vadd.s32 v3, v25;
	v4 =	vld.idx.msk [tilespmem:v4+s13+$0x0], $0xffff  }
0x90: {  	v15 =	vmul.f32 v6, v6;
	v19 =	vmul.f32 v8, v8;
	v20 =	vld.idx.msk [tilespmem:v10+s13+$0x0], $0xffff  }
0x91: {  	v34 =	vadd.s32 v3, v23;
	v27 =	vadd.s32 $0x64, v26;
	v29 =	vadd.s32 $0xC8, v26;
	v21 =	vld.idx.msk [tilespmem:v11+s13+$0x0], $0xffff  }
0x92: {  	v31 =	vadd.s32 $0x12C, v26;
	v41 =	vadd.s32 $0xC8, v34;
	v10 =	vmul.f32 v7, v7;
	v22 =	vld.idx.msk [tilespmem:v12+s13+$0x0], $0xffff  }
0x93: {  	v11 =	vmul.f32 v9, v9;
	v12 =	vadd.f32 v15, v14;
	v14 =	vmul.f32 v13, v13;
	v26 =	vld.idx.msk [tilespmem:v26+s13+$0x0], $0xffff  }
0x94: {  	s20 =	sor.u32 s19, s9;
	v63 =	vld.idx.msk [tilespmem:v25+s13+$0x0], $0xffff  }
0x95: {  	s25 =	sor.u32 s23, s9;
	v35 =	vadd.s32 $0x64, v34;
	v10 =	vadd.f32 v19, v10;
	v11 =	vadd.f32 v14, v11;
	v14 =	vld [tilespmem:s20+$0x0]  }
0x96: {  	v39 =	vadd.s32 $0x64, v25;
	v46 =	vadd.s32 $0xC8, v25;
	v15 =	vmul.f32 v17, v17;
	v19 =	vld [tilespmem:s25+$0x0]  }
0x97: {  	v41 =	vld.idx.msk [tilespmem:v41+s13+$0x0], $0xffff;
	v10 =	vadd.f32 v10, v12;
	v12 =	vmul.f32 v18, v18;
	v16 =	vshll.u32 v4, $0x10  }
0x98: {  	s21 =	sor.u32 s19, s8;
	v47 =	vadd.s32 $0x12C, v34;
	v54 =	vmul.f32 v32, v32;
	v5 =	vmul.f32 v16, v5;
	v16 =	vld [tilespmem:s12+$0x0]  }
0x99: {  	v40 =	vmul.f32 v33, v33;
	v4 =	vand.u32 $0xFFFF0000, v4;
	v12 =	vadd.f32 v12, v15;
	v15 =	vld [tilespmem:s21+$0x0]  }
0x9a: {  	s26 =	sor.u32 s23, s8;
	s8 =	sor.u32 s3, s8;
	v4 =	vmul.f32 v4, v6;
	v30 =	vshll.u32 v21, $0x10;
	v11 =	vadd.f32 v11, v10;
	v10 =	vld [tilespmem:s11+$0x0]  }
0x9b: {  	v6 =	vshll.u32 v22, $0x10;
	v22 =	vand.u32 $0xFFFF0000, v22;
	v9 =	vmul.f32 v30, v9;
	v30 =	vld [tilespmem:s8+$0x0];
	s8 =	sor.u32 s19, s5  }
0x9c: {  	v4 =	vadd.f32 v4, v5;
	v5 =	vmul.f32 v6, v7;
	v6 =	vmul.f32 v22, v8;
	v23 =	vld [tilespmem:s8+$0x0]  }
0x9d: {  	v21 =	vand.u32 $0xFFFF0000, v21;
	s11 =	sor.u32 s23, s5;
	s5 =	sor.u32 s3, s5;
	v8 =	vshll.u32 v20, $0x10;
	v12 =	vadd.f32 v12, v11;
	v11 =	vld [tilespmem:s24+$0x0]  }
0x9e: {  	v8 =	vmul.f32 v8, v17;
	v17 =	vld [tilespmem:s5+$0x0];
	v4 =	vadd.f32 $0.0e+00, v4;
	v5 =	vadd.f32 v6, v5  }
0x9f: {  	v25 =	vadd.s32 $0x12C, v25;
	s12 =	sor.u32 s23, s4;
	v6 =	vmul.f32 v21, v13;
	v13 =	vand.u32 $0xFFFF0000, v20;
	v21 =	vld [tilespmem:s11+$0x0]  }
0xa0: {  	v20 =	vld [tilespmem:s12+$0x0];
	v28 =	vadd.f32 v12, v24;
	v38 =	vmul.f32 v16, v16;
	v4 =	vadd.f32 v5, v4  }
0xa1: {  	v12 =	vld [tilespmem:s28+$0x0];
	v5 =	vadd.f32 v6, v9;
	v6 =	vmul.f32 v13, v18;
	v9 =	vmul.f32 v14, v14  }
0xa2: {  	s9 =	sor.u32 s3, s9;
	v50 =	vand.u32 $0xFFFF0000, v41;
	v24 =	vld [tilespmem:s26+$0x0];
	v13 =	vmul.f32 v15, v15;
	v18 =	vmul.f32 v10, v10  }
0xa3: {  	s14 =	simm.s32 $0x12EA0;
	v53 =	vmul.f32 v30, v30;
	[tilespmem:s0+$0x10] =	vst v28;
	v28 =	vld [tilespmem:s9+$0x0];
	v42 =	vmul.f32 v23, v23;
	v4 =	vadd.f32 v5, v4  }
0xa4: {  	s9 =	sor.u32 s19, s4;
	v7 =	vld [tilespmem:s14+$0x10];
	v5 =	vadd.f32 v6, v8;
	v6 =	vmul.f32 v11, v11;
	v8 =	vmul.f32 v19, v19  }
0xa5: {  	v22 =	vld [tilespmem:s9+$0x0];
	v37 =	vadd.f32 v13, v9;
	v44 =	vmul.f32 v21, v21;
	v45 =	vmul.f32 v20, v20  }
0xa6: {  	s16 =	sor.u32 s19, s15;
	v56 =	vmul.f32 v17, v17;
	v4 =	vadd.f32 v5, v4;
	v5 =	vmul.f32 v12, v12  }
0xa7: {  	s4 =	sor.u32 s3, s4;
	v9 =	vld [tilespmem:s16+$0x0];
	v20 =	vmul.f32 v50, v20;
	v6 =	vadd.f32 v6, v18;
	v57 =	vadd.f32 v45, v44  }
0xa8: {  	v36 =	vmul.f32 v24, v24;
	v18 =	vld [tilespmem:s4+$0x0];
	v5 =	vadd.f32 v38, v5;
	v38 =	vadd.f32 v40, v54  }
0xa9: {  	v34 =	vld.idx.msk [tilespmem:v34+s13+$0x0], $0xffff;
	v54 =	vshll.u32 v26, $0x10;
	v26 =	vand.u32 $0xFFFF0000, v26;
	v13 =	vadd.f32 v4, v7  }
0xaa: {  	s18 =	sor.u32 s23, s2;
	v27 =	vld.idx.msk [tilespmem:v27+s13+$0x0], $0xffff;
	v4 =	vadd.f32 v36, v8;
	v8 =	vmul.f32 v28, v28;
	v43 =	vmul.f32 v22, v22  }
0xab: {  	v37 =	vadd.f32 v6, v37;
	v6 =	vld [tilespmem:s18+$0x0];
	v14 =	vmul.f32 v54, v14;
	v15 =	vmul.f32 v26, v15  }
0xac: {  	s1 =	sor.u32 s19, s2;
	v29 =	vld.idx.msk [tilespmem:v29+s13+$0x0], $0xffff;
	v59 =	vmul.f32 v9, v9;
	v36 =	vadd.f32 v53, v8;
	v42 =	vadd.f32 v43, v42  }
0xad: {  	v7 =	vld [tilespmem:s1+$0x0];
	v55 =	vadd.f32 v5, v4;
	v58 =	vmul.f32 v18, v18;
	v14 =	vadd.f32 v15, v14  }
0xae: {  	s17 =	sor.u32 s23, s15;
	v35 =	vld.idx.msk [tilespmem:v35+s13+$0x0], $0xffff;
	v26 =	vshll.u32 v63, $0x10;
	v36 =	vadd.f32 v38, v36;
	v37 =	vadd.f32 v42, v37  }
0xaf: {  	s19 =	sor.u32 s3, s15;
	v26 =	vmul.f32 v26, v28;
	v8 =	vld [tilespmem:s17+$0x0];
	v40 =	vadd.f32 v57, v55;
	v38 =	vadd.f32 v58, v56  }
0xb0: {  	s20 =	sor.u32 s3, s2;
	v4 =	vld [tilespmem:s19+$0x0];
	v62 =	vmul.f32 v6, v6;
	v55 =	vshll.u32 v34, $0x10;
	v34 =	vand.u32 $0xFFFF0000, v34  }
0xb1: {  	v5 =	vld [tilespmem:s20+$0x0];
	v56 =	vand.u32 $0xFFFF0000, v63;
	v58 =	vshll.u32 v27, $0x10;
	v27 =	vand.u32 $0xFFFF0000, v27  }
0xb2: {  	v57 =	vld.idx.msk [tilespmem:v46+s13+$0x0], $0xffff;
	v46 =	vshll.u32 v29, $0x10;
	v60 =	vmul.f32 v7, v7;
	v19 =	vmul.f32 v55, v19  }
0xb3: {  	v39 =	vld.idx.msk [tilespmem:v39+s13+$0x0], $0xffff;
	s21 =	simm.s32 $0x40;
	v29 =	vand.u32 $0xFFFF0000, v29;
	v24 =	vmul.f32 v34, v24;
	v28 =	vmul.f32 v56, v30  }
0xb4: {  	s23 =	sand.u32 $0x780, s21;
	s24 =	simm.s32 $0x70;
	v10 =	vmul.f32 v58, v10;
	v11 =	vmul.f32 v27, v11;
	v27 =	vld.idx.msk [tilespmem:v47+s13+$0x0], $0xffff;
	v47 =	vshll.u32 v41, $0x10  }
0xb5: {  	v25 =	vld.idx.msk [tilespmem:v25+s13+$0x0], $0xffff;
	s25 =	sand.u32 $0x70, s24;
	s26 =	simm.s32 $0x9E60;
	s4 =	sadd.s32 $0xBE80, s23;
	v23 =	vmul.f32 v46, v23;
	v29 =	vmul.f32 v29, v22;
	v36 =	vadd.f32 v38, v36  }
0xb6: {  	s22 =	sadd.s32 $0xCE80, s23;
	v49 =	vld [tilespmem:s26+$0x10];
	s9 =	sor.u32 s25, s4;
	v61 =	vmul.f32 v8, v8;
	v42 =	vadd.f32 v60, v59;
	v52 =	vmul.f32 v4, v4  }
0xb7: {  	s5 =	sadd.s32 $0xB680, s23;
	s11 =	sor.u32 s25, s22;
	v44 =	vld [tilespmem:s9+$0x0];
	v48 =	vmul.f32 v5, v5;
	v60 =	vshll.u32 v35, $0x10;
	v35 =	vand.u32 $0xFFFF0000, v35  }
0xb8: {  	s29 =	sor.u32 s25, s5;
	v54 =	vld [tilespmem:s11+$0x0];
	v15 =	vadd.f32 v24, v19;
	v19 =	vand.u32 $0xFFFF0000, v39;
	v26 =	vadd.f32 v28, v26  }
0xb9: {  	s7 =	sadd.s32 $0xA680, s23;
	v43 =	vld [tilespmem:s29+$0x0];
	v10 =	vadd.f32 v11, v10;
	v23 =	vadd.f32 v29, v23;
	v12 =	vmul.f32 v60, v12  }
0xba: {  	s2 =	sor.u32 s25, s7;
	v30 =	vld [tilespmem:s0+$0xFFFFFFF0];
	v16 =	vmul.f32 v35, v16;
	v19 =	vmul.f32 v19, v33;
	v37 =	vadd.f32 v42, v37  }
0xbb: {  	v41 =	vld [tilespmem:s2+$0x0];
	v53 =	vadd.f32 v62, v61;
	v38 =	vadd.f32 v48, v52;
	v61 =	vshll.u32 v39, $0x10  }
0xbc: {  	s15 =	sadd.s32 $0xDE80, s23;
	v59 =	vld [tilespmem:s0+$0xFFFFFFE0];
	v51 =	vshll.u32 v57, $0x10;
	v52 =	vand.u32 $0xFFFF0000, v57;
	v15 =	vadd.f32 $0.0e+00, v15  }
0xbd: {  	s16 =	sor.u32 s25, s15;
	s2 =	sadd.s32 $0xD680, s23;
	v24 =	vld.idx.msk [tilespmem:v31+s13+$0x0], $0xffff;
	v11 =	vadd.f32 $0.0e+00, v26;
	v26 =	vmul.f32 v47, v21;
	v31 =	vmul.f32 v61, v32  }
0xbe: {  	s8 =	sadd.s32 $0xAE80, s23;
	v58 =	vld [tilespmem:s16+$0x0];
	s12 =	sor.u32 s25, s2;
	v16 =	vadd.f32 v16, v12;
	v17 =	vmul.f32 v51, v17;
	v18 =	vmul.f32 v52, v18  }
0xbf: {  	s28 =	sor.u32 s25, s8;
	v55 =	vld [tilespmem:s12+$0x0];
	v60 =	vand.u32 $0xFFFF0000, v27;
	v12 =	vshll.u32 v25, $0x10;
	v25 =	vand.u32 $0xFFFF0000, v25  }
0xc0: {  	v33 =	vld [tilespmem:s28+$0x0];
	v28 =	vadd.f32 v53, v40;
	v63 =	vadd.f32 v38, v36;
	v6 =	vmul.f32 v60, v6  }
0xc1: {  	s18 =	sadd.s32 $0xC680, s23;
	v62 =	vld [tilespmem:s0+$0x0];
	v53 =	vadd.f32 $0.0e+00, v14;
	v4 =	vmul.f32 v12, v4;
	v5 =	vmul.f32 v25, v5  }
0xc2: {  	s10 =	sor.u32 s25, s18;
	v61 =	vld [tilespmem:s26+$0xFFFFFFE0];
	v19 =	vadd.f32 v19, v31;
	v21 =	vadd.f32 v37, v59;
	v31 =	vadd.s32 v3, v49  }
0xc3: {  	s30 =	simm.s32 $0x126E0;
	s11 =	sand.u32 $0x40, s21;
	v38 =	vld [tilespmem:s10+$0x0];
	v56 =	vshll.u32 v24, $0x10;
	v24 =	vand.u32 $0xFFFF0000, v24;
	v49 =	vadd.f32 v20, v26  }
0xc4: {  	s21 =	sor.u32 s11, s4;
	v20 =	vld [tilespmem:s30+$0x10];
	v22 =	vadd.f32 v28, v30;
	v28 =	vadd.s32 $0x12C, v31;
	v10 =	vadd.f32 v10, v53  }
0xc5: {  	s19 =	simm.s32 $0x50;
	s20 =	sor.u32 s11, s5;
	v59 =	vshll.u32 v27, $0x10;
	v30 =	vadd.s32 $0xC8, v31;
	v7 =	vmul.f32 v24, v7;
	v24 =	vld [tilespmem:s21+$0x0]  }
0xc6: {  	s6 =	sand.u32 $0x50, s19;
	v37 =	vadd.f32 v16, v15;
	v57 =	vadd.s32 $0x64, v31;
	v35 =	vadd.f32 v23, v10;
	v23 =	vld [tilespmem:s20+$0x0]  }
0xc7: {  	s24 =	sor.u32 s6, s8;
	v16 =	vmul.f32 v41, v41;
	v27 =	vmul.f32 v43, v43;
	v50 =	vadd.f32 v18, v17;
	v15 =	vld.idx.msk [tilespmem:v31+s13+$0x0], $0xffff  }
0xc8: {  	v26 =	vmul.f32 v55, v55;
	v51 =	vmul.f32 v56, v9;
	v14 =	vadd.f32 v63, v62;
	v31 =	vld [tilespmem:s24+$0x0]  }
0xc9: {  	v11 =	vadd.f32 v19, v11;
	v19 =	vmul.f32 v33, v33;
	v62 =	vld.idx.msk [tilespmem:v28+s13+$0x0], $0xffff;
	v28 =	vmul.f32 v44, v44  }
0xca: {  	v8 =	vmul.f32 v59, v8;
	v5 =	vadd.f32 v5, v4;
	v29 =	vmul.f32 v38, v38;
	v63 =	vld.idx.msk [tilespmem:v30+s13+$0x0], $0xffff  }
0xcb: {  	s23 =	sor.u32 s6, s7;
	v16 =	vadd.f32 v19, v16;
	v19 =	vmul.f32 v54, v54;
	v17 =	vld.idx.msk [tilespmem:v57+s13+$0x0], $0xffff;
	v18 =	vadd.f32 v28, v27  }
0xcc: {  	s29 =	sor.u32 s6, s4;
	v37 =	vadd.f32 v49, v37;
	v32 =	vadd.s32 v3, v61;
	v51 =	vadd.f32 v7, v51;
	v30 =	vld [tilespmem:s23+$0x0]  }
0xcd: {  	s1 =	sor.u32 s11, s7;
	s25 =	simm.s32 $0x60;
	v40 =	vadd.s32 $0x64, v32;
	v10 =	vadd.f32 v19, v29;
	v29 =	vld [tilespmem:s29+$0x0];
	v9 =	vadd.f32 v18, v16  }
0xce: {  	s17 =	sor.u32 s11, s8;
	v50 =	vadd.f32 v50, v11;
	v49 =	vadd.s32 $0x12C, v32;
	v27 =	vld [tilespmem:s1+$0x0];
	s1 =	sand.u32 $0x60, s25;
	v16 =	vmul.f32 v58, v58  }
0xcf: {  	v28 =	vld [tilespmem:s17+$0x0];
	s7 =	sor.u32 s1, s7;
	v9 =	vadd.f32 v10, v9;
	v10 =	vshll.u32 v15, $0x10;
	v15 =	vand.u32 $0xFFFF0000, v15  }
0xd0: {  	s9 =	sor.u32 s1, s8;
	v34 =	vld [tilespmem:s7+$0x0];
	v16 =	vadd.f32 v16, v26;
	v10 =	vmul.f32 v10, v41;
	v15 =	vmul.f32 v15, v33  }
0xd1: {  	s28 =	sor.u32 s6, s5;
	v36 =	vld [tilespmem:s9+$0x0];
	v57 =	vmul.f32 v31, v31;
	v18 =	vshll.u32 v17, $0x10;
	v17 =	vand.u32 $0xFFFF0000, v17  }
0xd2: {  	s10 =	sor.u32 s1, s5;
	v19 =	vand.u32 $0xFFFF0000, v63;
	v26 =	vld [tilespmem:s28+$0x0];
	v9 =	vadd.f32 v16, v9;
	v10 =	vadd.f32 v15, v10  }
0xd3: {  	v17 =	vmul.f32 v17, v44;
	s28 =	sor.u32 s6, s2;
	v33 =	vld [tilespmem:s10+$0x0];
	v16 =	vshll.u32 v62, $0x10;
	v15 =	vmul.f32 v18, v43  }
0xd4: {  	v12 =	vld [tilespmem:s28+$0x0];
	v18 =	vshll.u32 v63, $0x10;
	v9 =	vadd.f32 v9, v20;
	v10 =	vadd.f32 $0.0e+00, v10  }
0xd5: {  	v20 =	vld [tilespmem:s26+$0xFFFFFFF0];
	v15 =	vadd.f32 v17, v15;
	v17 =	vmul.f32 v18, v38;
	v18 =	vmul.f32 v19, v54  }
0xd6: {  	s12 =	sor.u32 s1, s4;
	v59 =	vmul.f32 v29, v29;
	v16 =	vmul.f32 v16, v55;
	v19 =	vand.u32 $0xFFFF0000, v62;
	v54 =	vld [tilespmem:s26+$0x0]  }
0xd7: {  	s31 =	simm.s32 $0x12EE0;
	v38 =	vld [tilespmem:s12+$0x0];
	[tilespmem:s30+$0x10] =	vst v9;
	v10 =	vadd.f32 v15, v10;
	v15 =	vadd.f32 v18, v17;
	v17 =	vmul.f32 v19, v58  }
0xd8: {  	s16 =	sor.u32 s11, s18;
	v5 =	vadd.f32 v5, v50;
	v9 =	vmul.f32 v28, v28;
	v18 =	vmul.f32 v27, v27;
	v56 =	vld [tilespmem:s31+$0x10]  }
0xd9: {  	s21 =	sor.u32 s1, s18;
	v55 =	vmul.f32 v23, v23;
	v19 =	vld [tilespmem:s16+$0x0];
	v10 =	vadd.f32 v15, v10;
	v15 =	vadd.f32 v17, v16  }
0xda: {  	s17 =	sor.u32 s11, s22;
	v43 =	vadd.s32 $0xC8, v32;
	v16 =	vmul.f32 v24, v24;
	v9 =	vadd.f32 v9, v18;
	v18 =	vld [tilespmem:s21+$0x0]  }
0xdb: {  	s19 =	sor.u32 s6, s18;
	v58 =	vmul.f32 v26, v26;
	v17 =	vmul.f32 v30, v30;
	v10 =	vadd.f32 v15, v10;
	v15 =	vld [tilespmem:s17+$0x0]  }
0xdc: {  	s20 =	sor.u32 s6, s22;
	v62 =	vmul.f32 v36, v36;
	v47 =	vadd.s32 v3, v20;
	v20 =	vadd.f32 v16, v55;
	v16 =	vld [tilespmem:s19+$0x0]  }
0xdd: {  	v61 =	vadd.f32 v59, v58;
	v39 =	vadd.s32 v3, v54;
	v60 =	vadd.f32 v57, v17;
	v17 =	vld [tilespmem:s20+$0x0]  }
0xde: {  	s23 =	sor.u32 s1, s22;
	v46 =	vadd.s32 $0x64, v47;
	v55 =	vld.idx.msk [tilespmem:v40+s13+$0x0], $0xffff;
	v45 =	vadd.f32 v10, v56;
	v10 =	vmul.f32 v34, v34  }
0xdf: {  	s24 =	sor.u32 s11, s2;
	v63 =	vadd.f32 v20, v9;
	v20 =	vld [tilespmem:s23+$0x0];
	v9 =	vmul.f32 v33, v33;
	v56 =	vmul.f32 v38, v38  }
0xe0: {  	s25 =	sor.u32 s11, s15;
	v52 =	vmul.f32 v19, v19;
	v41 =	vadd.f32 v61, v60;
	v42 =	vadd.f32 v62, v10;
	v10 =	vld [tilespmem:s24+$0x0]  }
0xe1: {  	s29 =	sor.u32 s6, s15;
	v60 =	vadd.f32 v6, v8;
	v44 =	vadd.f32 v56, v9;
	v9 =	vld [tilespmem:s25+$0x0];
	v57 =	vmul.f32 v15, v15  }
0xe2: {  	v11 =	vld [tilespmem:s29+$0x0];
	s2 =	sor.u32 s1, s2;
	v6 =	vadd.f32 v51, v35;
	v25 =	vmul.f32 v16, v16;
	v58 =	vmul.f32 v17, v17  }
0xe3: {  	v8 =	vld [tilespmem:s2+$0x0];
	v59 =	vmul.f32 v18, v18;
	v4 =	vadd.f32 v60, v37;
	v42 =	vadd.f32 v44, v42  }
0xe4: {  	[tilespmem:s14+$0x10] =	vst v13;
	v46 =	vld.idx.msk [tilespmem:v46+s13+$0x0], $0xffff;
	v13 =	vand.u32 $0xFFFF0000, v55;
	v7 =	vadd.f32 v57, v52;
	v25 =	vadd.f32 v58, v25  }
0xe5: {  	v61 =	vmul.f32 v20, v20;
	v57 =	vld.idx.msk [tilespmem:v32+s13+$0x0], $0xffff;
	v52 =	vadd.s32 $0xC8, v47;
	v58 =	vmul.f32 v12, v12  }
0xe6: {  	s1 =	sor.u32 s1, s15;
	v44 =	vld.idx.msk [tilespmem:v47+s13+$0x0], $0xffff;
	v48 =	vadd.f32 v7, v63;
	v53 =	vmul.f32 v10, v10;
	v62 =	vmul.f32 v9, v9  }
0xe7: {  	v7 =	vld [tilespmem:s1+$0x0];
	v63 =	vadd.s32 $0x64, v39;
	v41 =	vadd.f32 v25, v41;
	v25 =	vadd.f32 v61, v59  }
0xe8: {  	[tilespmem:s0+$0xFFFFFFE0] =	vst v21;
	v60 =	vmul.f32 v8, v8;
	v47 =	vadd.s32 $0x12C, v47;
	v59 =	vmul.f32 v11, v11  }
0xe9: {  	[tilespmem:s0+$0xFFFFFFF0] =	vst v22;
	v21 =	vshll.u32 v46, $0x10;
	v35 =	vadd.f32 v62, v53;
	v53 =	vld.idx.msk [tilespmem:v39+s13+$0x0], $0xffff;
	v54 =	vadd.f32 v25, v42  }
0xea: {  	[tilespmem:s0+$0x0] =	vst v14;
	v14 =	vld [tilespmem:s14+$0xFFFFFFF0];
	v42 =	vadd.s32 $0xC8, v39;
	v39 =	vadd.s32 $0x12C, v39;
	v62 =	vshll.u32 v57, $0x10  }
0xeb: {  	v56 =	vld.idx.msk [tilespmem:v43+s13+$0x0], $0xffff;
	v25 =	vadd.f32 v35, v48;
	v43 =	vmul.f32 v62, v27;
	v27 =	vshll.u32 v44, $0x10  }
0xec: {  	v35 =	vmul.f32 v13, v24;
	v61 =	vmul.f32 v7, v7;
	v50 =	vld.idx.msk [tilespmem:v63+s13+$0x0], $0xffff;
	v63 =	vand.u32 $0xFFFF0000, v57  }
0xed: {  	v32 =	vld [tilespmem:s30+$0x0];
	v48 =	vadd.f32 v59, v58;
	v28 =	vmul.f32 v63, v28;
	v63 =	vmul.f32 v27, v30  }
0xee: {  	v37 =	vld.idx.msk [tilespmem:v52+s13+$0x0], $0xffff;
	v51 =	vadd.f32 v61, v60;
	v60 =	vand.u32 $0xFFFF0000, v44;
	v61 =	vshll.u32 v53, $0x10  }
0xef: {  	v13 =	vld [tilespmem:s14+$0xFFFFFFE0];
	v62 =	vand.u32 $0xFFFF0000, v53;
	v53 =	vshll.u32 v55, $0x10;
	v57 =	vmul.f32 v60, v31  }
0xf0: {  	v27 =	vld [tilespmem:s30+$0xFFFFFFE0];
	v44 =	vshll.u32 v56, $0x10;
	v60 =	vmul.f32 v61, v34;
	v36 =	vmul.f32 v62, v36  }
0xf1: {  	v40 =	vld.idx.msk [tilespmem:v42+s13+$0x0], $0xffff;
	v61 =	vand.u32 $0xFFFF0000, v46;
	v42 =	vadd.f32 v28, v43;
	v34 =	vmul.f32 v53, v23  }
0xf2: {  	v30 =	vld [tilespmem:s30+$0xFFFFFFF0];
	v28 =	vmul.f32 v21, v26;
	v26 =	vadd.f32 v48, v41;
	v41 =	vand.u32 $0xFFFF0000, v56  }
0xf3: {  	v22 =	vld.idx.msk [tilespmem:v39+s13+$0x0], $0xffff;
	v39 =	vshll.u32 v37, $0x10;
	v29 =	vmul.f32 v61, v29;
	v24 =	vadd.f32 v51, v54  }
0xf4: {  	[tilespmem:s31+$0x10] =	vst v45;
	v31 =	vld.idx.msk [tilespmem:v49+s13+$0x0], $0xffff;
	v62 =	vshll.u32 v50, $0x10;
	v43 =	vadd.f32 v57, v63;
	v63 =	vand.u32 $0xFFFF0000, v50  }
0xf5: {  	s3 =	simm.s32 $0x12EE0;
	s15 =	simm.s32 $0x80;
	s2 =	simm.s32 $0x4;
	v23 =	vld.idx.msk [tilespmem:v47+s13+$0x0], $0xffff;
	v36 =	vadd.f32 v36, v60;
	v33 =	vmul.f32 v62, v33;
	v38 =	vmul.f32 v63, v38  }
.LBB2_9:
0xf6: {  	[dreg:$0x5] =	wrdreg s3;
	s0 =	sand.u32 $0x780, s15;
	s11 =	sadd.s32 $0x30, s15  }
0xf7: {  	v37 =	vand.u32 $0xFFFF0000, v37;
	v21 =	vld [tilespmem:s14+$0x0];
	v42 =	vadd.f32 $0.0e+00, v42;
	s26 =	sadd.s32 $0x40, s26;
	s1 =	sadd.s32 $0xA680, s0;
	s3 =	sand.u32 $0x70, s11  }
0xf8: {  	v19 =	vmul.f32 v44, v19;
	v53 =	vmul.f32 v41, v15;
	v43 =	vadd.f32 $0.0e+00, v43;
	s4 =	sadd.s32 $0xAE80, s0;
	v52 =	vld [tilespmem:s26+$0x10];
	s7 =	sor.u32 s3, s1  }
0xf9: {  	v16 =	vmul.f32 v39, v16;
	v34 =	vadd.f32 v35, v34;
	v36 =	vadd.f32 $0.0e+00, v36;
	s6 =	sadd.s32 $0xB680, s0;
	s12 =	sor.u32 s3, s4;
	v15 =	vld [tilespmem:s7+$0x0]  }
0xfa: {  	v28 =	vadd.f32 v29, v28;
	v29 =	vadd.f32 v38, v33;
	s8 =	sadd.s32 $0xBE80, s0;
	v17 =	vmul.f32 v37, v17;
	s10 =	sor.u32 s3, s6;
	v39 =	vld [tilespmem:s12+$0x0]  }
0xfb: {  	s11 =	sadd.s32 $0xCE80, s0;
	s16 =	sor.u32 s3, s8;
	v19 =	vadd.f32 v53, v19;
	v41 =	vld [tilespmem:s10+$0x0];
	v34 =	vadd.f32 v34, v42  }
0xfc: {  	s22 =	sadd.s32 $0xD680, s0;
	s19 =	sor.u32 s3, s11;
	v54 =	vld [tilespmem:s16+$0x0];
	v33 =	vadd.f32 v28, v43;
	v63 =	vadd.f32 v17, v16;
	v45 =	vshll.u32 v40, $0x10  }
0xfd: {  	s20 =	sor.u32 s3, s22;
	s7 =	sadd.s32 $0xC680, s0;
	v47 =	vld [tilespmem:s19+$0x0];
	v51 =	vand.u32 $0xFFFF0000, v40;
	v25 =	vadd.f32 v25, v27;
	v26 =	vadd.f32 v26, v30  }
0xfe: {  	s0 =	sadd.s32 $0xDE80, s0;
	v48 =	vld [tilespmem:s20+$0x0];
	v24 =	vadd.f32 v24, v32;
	s17 =	sor.u32 s3, s7;
	v30 =	vshll.u32 v31, $0x10;
	v31 =	vand.u32 $0xFFFF0000, v31  }
0xff: {  	v55 =	vshll.u32 v23, $0x10;
	v23 =	vand.u32 $0xFFFF0000, v23;
	s23 =	sor.u32 s3, s0;
	v27 =	vadd.f32 v29, v36;
	v46 =	vld [tilespmem:s17+$0x0]  }
0x100: {  	v6 =	vadd.f32 v6, v13;
	v18 =	vmul.f32 v45, v18;
	v20 =	vmul.f32 v51, v20;
	v58 =	vld [tilespmem:s23+$0x0];
	[tilespmem:s30+$0xFFFFFFE0] =	vst v25  }
0x101: {  	s29 =	sand.u32 $0x40, s15;
	v36 =	vadd.f32 v19, v34;
	v44 =	vmul.f32 v30, v10;
	v56 =	vadd.s32 v3, v52;
	[tilespmem:s30+$0xFFFFFFF0] =	vst v26;
	v49 =	vld [tilespmem:s26+$0xFFFFFFE0]  }
0x102: {  	s28 =	sor.u32 s29, s1;
	v25 =	vshll.u32 v22, $0x10;
	v26 =	vand.u32 $0xFFFF0000, v22;
	v22 =	vadd.s32 $0xC8, v56;
	v19 =	vld [tilespmem:s26+$0xFFFFFFF0]  }
0x103: {  	s12 =	smov.u32 s14;
	s14 =	sor.u32 s29, s4;
	[tilespmem:s30+$0x0] =	vst v24;
	v57 =	vadd.s32 $0x12C, v56;
	v32 =	vld [tilespmem:s28+$0x0];
	v24 =	vmul.f32 v15, v15;
	v28 =	vmul.f32 v39, v39  }
0x104: {  	s5 =	sadd.s32 $0x10, s15;
	s9 =	sadd.s32 $0x20, s15;
	s21 =	sor.u32 s29, s6;
	v29 =	vadd.s32 $0x64, v56;
	v30 =	vld [tilespmem:s14+$0x0];
	v59 =	vmul.f32 v41, v41;
	v60 =	vmul.f32 v54, v54  }
0x105: {  	s5 =	sand.u32 $0x50, s5;
	s18 =	sand.u32 $0x60, s9;
	v51 =	vmul.f32 v23, v11;
	v38 =	vadd.f32 v20, v18;
	v23 =	vld [tilespmem:s21+$0x0];
	v18 =	vmul.f32 v47, v47  }
0x106: {  	s24 =	sor.u32 s5, s4;
	s10 =	sor.u32 s18, s4;
	s4 =	simm.s32 $0x6400;
	v62 =	vmul.f32 v46, v46;
	v16 =	vadd.f32 v28, v24;
	v17 =	vadd.f32 v60, v59;
	v61 =	vld.idx.msk [tilespmem:v56+s13+$0x0], $0xffff  }
0x107: {  	v14 =	vadd.f32 v4, v14;
	v50 =	vmul.f32 v55, v12;
	v28 =	vld.idx.msk [tilespmem:v22+s4+$0x0], $0xffff;
	v22 =	vmul.f32 v48, v48  }
0x108: {  	v20 =	vld.idx.msk [tilespmem:v57+s13+$0x0], $0xffff;
	v16 =	vadd.f32 v17, v16;
	v17 =	vadd.f32 v18, v62;
	v18 =	vmul.f32 v58, v58  }
0x109: {  	s25 =	sor.u32 s5, s1;
	v33 =	vadd.f32 v63, v33;
	v21 =	vadd.f32 v5, v21;
	v8 =	vmul.f32 v25, v8;
	v10 =	vld.idx.msk [tilespmem:v29+s4+$0x0], $0xffff  }
0x10a: {  	s30 =	sadd.s32 $0x40, s30;
	v34 =	vld [tilespmem:s25+$0x0];
	v7 =	vmul.f32 v26, v7;
	v12 =	vadd.f32 v17, v16;
	v16 =	vadd.f32 v18, v22  }
0x10b: {  	v50 =	vadd.f32 v51, v50;
	v27 =	vadd.f32 v38, v27;
	v60 =	vmul.f32 v31, v9;
	v17 =	vld [tilespmem:s30+$0x10]  }
0x10c: {  	s1 =	sor.u32 s18, s1;
	v35 =	vld [tilespmem:s24+$0x0];
	v11 =	vshll.u32 v61, $0x10;
	v18 =	vand.u32 $0xFFFF0000, v61;
	v12 =	vadd.f32 v16, v12  }
0x10d: {  	v43 =	vld [tilespmem:s1+$0x0];
	v11 =	vmul.f32 v11, v15;
	v15 =	vmul.f32 v18, v39;
	v16 =	vshll.u32 v20, $0x10  }
0x10e: {  	v45 =	vld [tilespmem:s10+$0x0];
	v18 =	vshll.u32 v10, $0x10;
	v10 =	vand.u32 $0xFFFF0000, v10;
	v29 =	vshll.u32 v28, $0x10  }
0x10f: {  	s3 =	sor.u32 s29, s8;
	v9 =	vld [tilespmem:s26+$0x0];
	v10 =	vmul.f32 v10, v54;
	v11 =	vadd.f32 v15, v11;
	v15 =	vmul.f32 v18, v41  }
0x110: {  	s17 =	sor.u32 s18, s6;
	v24 =	vld [tilespmem:s3+$0x0];
	v61 =	vmul.f32 v29, v46;
	v18 =	vand.u32 $0xFFFF0000, v28;
	v12 =	vadd.f32 v12, v17  }
0x111: {  	s20 =	sor.u32 s5, s6;
	v39 =	vld [tilespmem:s17+$0x0];
	v11 =	vadd.f32 $0.0e+00, v11;
	v10 =	vadd.f32 v10, v15;
	v15 =	vmul.f32 v18, v47  }
0x112: {  	s9 =	sor.u32 s5, s8;
	v44 =	vadd.f32 v60, v44;
	v16 =	vmul.f32 v16, v48;
	v28 =	vld [tilespmem:s20+$0x0];
	v17 =	vand.u32 $0xFFFF0000, v20  }
0x113: {  	s31 =	sadd.s32 $0x40, s31;
	s19 =	sor.u32 s18, s8;
	v29 =	vld [tilespmem:s9+$0x0];
	[tilespmem:s30+$0x10] =	vst v12;
	v10 =	vadd.f32 v10, v11;
	v11 =	vadd.f32 v15, v61;
	v15 =	vmul.f32 v17, v58  }
0x114: {  	s16 =	sor.u32 s29, s7;
	s8 =	sor.u32 s18, s11;
	s23 =	sor.u32 s29, s11;
	v46 =	vadd.s32 v3, v19;
	v20 =	vmul.f32 v35, v35;
	v47 =	vadd.s32 v3, v9;
	v9 =	vld [tilespmem:s31+$0x10]  }
0x115: {  	s13 =	sor.u32 s5, s11;
	s11 =	sor.u32 s29, s22;
	s29 =	sor.u32 s29, s0;
	v19 =	vld [tilespmem:s16+$0x0];
	v12 =	vmul.f32 v32, v32;
	v10 =	vadd.f32 v11, v10;
	v11 =	vadd.f32 v15, v16  }
0x116: {  	[dreg:$0x8] =	wrdreg s29;
	s29 =	sor.u32 s5, s22;
	s22 =	sor.u32 s18, s22;
	v41 =	vld [tilespmem:s19+$0x0];
	v18 =	vmul.f32 v23, v23;
	v17 =	vmul.f32 v30, v30;
	v61 =	vadd.f32 v7, v8  }
0x117: {  	s6 =	sor.u32 s5, s7;
	s7 =	sor.u32 s18, s7;
	s18 =	sor.u32 s18, s0;
	v8 =	vld [tilespmem:s22+$0x0];
	v52 =	vmul.f32 v28, v28;
	v15 =	vmul.f32 v24, v24;
	v10 =	vadd.f32 v11, v10  }
0x118: {  	v7 =	vld [tilespmem:s18+$0x0];
	v16 =	vmul.f32 v34, v34;
	v11 =	vadd.f32 v17, v12;
	v12 =	vmul.f32 v29, v29  }
0x119: {  	v40 =	vadd.s32 v3, v49;
	v17 =	vadd.f32 v15, v18;
	v15 =	vld [tilespmem:s23+$0x0];
	v9 =	vadd.f32 v10, v9  }
0x11a: {  	v37 =	vadd.s32 $0x64, v40;
	v10 =	vadd.f32 v20, v16;
	v12 =	vadd.f32 v12, v52;
	v16 =	vld [tilespmem:s6+$0x0]  }
0x11b: {  	v18 =	vmul.f32 v43, v43;
	v62 =	vadd.f32 v17, v11;
	v11 =	vmul.f32 v45, v45;
	v17 =	vld [tilespmem:s13+$0x0]  }
0x11c: {  	v31 =	vadd.s32 $0xC8, v40;
	v22 =	vadd.s32 $0x12C, v40;
	v20 =	vld [tilespmem:s8+$0x0];
	v56 =	vadd.f32 v12, v10  }
0x11d: {  	[tilespmem:s31+$0x10] =	vst v9;
	v9 =	vmul.f32 v39, v39;
	v11 =	vadd.f32 v11, v18;
	v12 =	vmul.f32 v41, v41;
	v18 =	vld [tilespmem:s7+$0x0]  }
0x11e: {  	s25 =	rddreg [dreg:$0x8];
	v48 =	vadd.s32 $0x64, v46;
	v59 =	vmul.f32 v19, v19;
	v10 =	vld [tilespmem:s11+$0x0];
	v25 =	vmul.f32 v15, v15  }
0x11f: {  	v54 =	vadd.s32 $0xC8, v46;
	v57 =	vadd.s32 $0x12C, v46;
	s13 =	simm.s32 $0x6400;
	v63 =	vadd.f32 v12, v9;
	v9 =	vld [tilespmem:s25+$0x0]  }
0x120: {  	[dreg:$0x6] =	wrdreg s29;
	v53 =	vadd.s32 $0x64, v47;
	v55 =	vadd.s32 $0xC8, v47;
	v40 =	vld.idx.msk [tilespmem:v40+s13+$0x0], $0xffff;
	v25 =	vadd.f32 v25, v59  }
0x121: {  	s28 =	rddreg [dreg:$0x6];
	v27 =	vadd.f32 v61, v27;
	v46 =	vld.idx.msk [tilespmem:v46+s13+$0x0], $0xffff;
	v26 =	vmul.f32 v16, v16;
	v59 =	vmul.f32 v17, v17  }
0x122: {  	v12 =	vld [tilespmem:s28+$0x0];
	v60 =	vmul.f32 v18, v18;
	v25 =	vadd.f32 v25, v62;
	v62 =	vmul.f32 v20, v20  }
0x123: {  	s5 =	sor.u32 s5, s0;
	v58 =	vadd.s32 $0x12C, v47;
	v47 =	vld.idx.msk [tilespmem:v47+s13+$0x0], $0xffff;
	v42 =	vadd.f32 v63, v11;
	v26 =	vadd.f32 v59, v26  }
0x124: {  	v11 =	vld [tilespmem:s5+$0x0];
	v63 =	vmul.f32 v10, v10;
	v59 =	vmul.f32 v9, v9;
	v38 =	vadd.f32 v62, v60  }
0x125: {  	v33 =	vadd.f32 v50, v33;
	v36 =	vadd.f32 v44, v36;
	v5 =	vmovc v27;
	v27 =	vshll.u32 v40, $0x10  }
0x126: {  	v40 =	vand.u32 $0xFFFF0000, v40;
	v13 =	vadd.f32 v59, v63;
	v50 =	vadd.f32 v38, v42;
	v38 =	vld.idx.msk [tilespmem:v37+s13+$0x0], $0xffff;
	[tilespmem:s12+$0xFFFFFFE0] =	vst v6  }
0x127: {  	v26 =	vadd.f32 v26, v56;
	v60 =	vmul.f32 v12, v12;
	v56 =	vand.u32 $0xFFFF0000, v46;
	v49 =	vld.idx.msk [tilespmem:v31+s13+$0x0], $0xffff  }
0x128: {  	v62 =	vmul.f32 v8, v8;
	v35 =	vmul.f32 v56, v35;
	v25 =	vadd.f32 v13, v25;
	v13 =	vld.idx.msk [tilespmem:v48+s13+$0x0], $0xffff  }
0x129: {  	v61 =	vmul.f32 v11, v11;
	v63 =	vmul.f32 v7, v7;
	v59 =	vshll.u32 v47, $0x10;
	v48 =	vld.idx.msk [tilespmem:v53+s13+$0x0], $0xffff  }
0x12a: {  	v4 =	vmovc v33;
	v31 =	vshll.u32 v46, $0x10;
	v33 =	vmul.f32 v59, v43;
	[tilespmem:s12+$0xFFFFFFF0] =	vst v14;
	v14 =	vmul.f32 v27, v32;
	v27 =	vld [tilespmem:s30+$0xFFFFFFE0]  }
0x12b: {  	[tilespmem:s12+$0x0] =	vst v21;
	v21 =	vmul.f32 v40, v30;
	v34 =	vmul.f32 v31, v34;
	v31 =	vld.idx.msk [tilespmem:v22+s13+$0x0], $0xffff  }
0x12c: {  	v6 =	vmovc v36;
	v44 =	vadd.f32 v61, v60;
	v51 =	vadd.f32 v63, v62;
	v60 =	vand.u32 $0xFFFF0000, v47;
	v37 =	vld.idx.msk [tilespmem:v54+s13+$0x0], $0xffff  }
0x12d: {  	s2 =	sadd.s32 $0x4, s2;
	v40 =	vld.idx.msk [tilespmem:v55+s13+$0x0], $0xffff;
	v36 =	vmul.f32 v60, v45;
	v42 =	vadd.f32 v21, v14;
	v43 =	vadd.f32 v35, v34  }
0x12e: {  	p0 =	slt.u32 s2, $0x7C;
	v30 =	vld [tilespmem:s30+$0xFFFFFFF0];
	v26 =	vadd.f32 v44, v26;
	v61 =	vshll.u32 v38, $0x10;
	v38 =	vand.u32 $0xFFFF0000, v38  }
.Ltmp3:
0x12f: {  	v32 =	vld [tilespmem:s30+$0x0];
	v36 =	vadd.f32 v36, v33;
	v34 =	vmul.f32 v61, v23;
	v35 =	vmul.f32 v38, v24;
	(pc) =	sbr.rel @p0 .LBB2_9-.Ltmp3, $4  }
0x130: {  	s29 =	rddreg [dreg:$0x5];
	v22 =	vld.idx.msk [tilespmem:v58+s13+$0x0], $0xffff;
	v24 =	vadd.f32 v51, v50;
	v44 =	vshll.u32 v49, $0x10;
	v62 =	vshll.u32 v13, $0x10  }
0x131: {  	s14 =	smov.u32 s29;
	v23 =	vld.idx.msk [tilespmem:v57+s13+$0x0], $0xffff;
	v13 =	vand.u32 $0xFFFF0000, v13;
	v63 =	vshll.u32 v48, $0x10;
	v28 =	vmul.f32 v62, v28  }
0x132: {  	v14 =	vand.u32 $0xFFFF0000, v48;
	v29 =	vmul.f32 v13, v29;
	v33 =	vmul.f32 v63, v39;
	v13 =	vld [tilespmem:s14+$0xFFFFFFE0]  }
0x133: {  	s15 =	sadd.s32 $0x40, s15;
	s3 =	smov.u32 s31;
	v38 =	vmul.f32 v14, v41;
	v41 =	vand.u32 $0xFFFF0000, v49;
	v39 =	vshll.u32 v37, $0x10;
	v14 =	vld [tilespmem:s14+$0xFFFFFFF0]  }
0x134: {  	v3 =	vand.u32 $0xFFFF0000, v37  }
0x135: {  	v21 =	vshll.u32 v40, $0x10;
	v59 =	vand.u32 $0xFFFF0000, v40;
	v60 =	vadd.f32 $0.0e+00, v42  }
0x136: {  	v19 =	vmul.f32 v44, v19;
	v61 =	vadd.f32 $0.0e+00, v43;
	v34 =	vadd.f32 v35, v34  }
0x137: {  	v15 =	vmul.f32 v41, v15;
	v62 =	vadd.f32 $0.0e+00, v36;
	v28 =	vadd.f32 v29, v28  }
0x138: {  	v16 =	vmul.f32 v39, v16;
	v25 =	vadd.f32 v25, v27;
	v29 =	vadd.f32 v38, v33  }
0x139: {  	v3 =	vmul.f32 v3, v17;
	v17 =	vadd.f32 v26, v30;
	v18 =	vmul.f32 v21, v18  }
0x13a: {  	v20 =	vmul.f32 v59, v20;
	v21 =	vadd.f32 v24, v32;
	v24 =	vshll.u32 v31, $0x10  }
0x13b: {  	v26 =	vand.u32 $0xFFFF0000, v31;
	v31 =	vshll.u32 v22, $0x10;
	v27 =	vshll.u32 v23, $0x10  }
0x13c: {  	v23 =	vand.u32 $0xFFFF0000, v23;
	v30 =	vadd.f32 v34, v60;
	v28 =	vadd.f32 v28, v61  }
0x13d: {  	v15 =	vadd.f32 v15, v19;
	v19 =	vand.u32 $0xFFFF0000, v22;
	v10 =	vmul.f32 v24, v10  }
0x13e: {  	v9 =	vmul.f32 v26, v9;
	v3 =	vadd.f32 v3, v16;
	v16 =	vadd.f32 v20, v18;
	v18 =	vld [tilespmem:s14+$0x0]  }
0x13f: {  	v8 =	vmul.f32 v31, v8;
	v29 =	vadd.f32 v29, v62;
	v12 =	vmul.f32 v27, v12  }
0x140: {  	[tilespmem:s30+$0xFFFFFFE0] =	vst v25;
	v11 =	vmul.f32 v23, v11;
	v6 =	vadd.f32 v6, v13;
	v15 =	vadd.f32 v15, v30  }
0x141: {  	[tilespmem:s30+$0xFFFFFFF0] =	vst v17;
	v7 =	vmul.f32 v19, v7;
	v9 =	vadd.f32 v9, v10;
	v10 =	vld [tilespmem:s3+$0xFFFFFFE0];
	v4 =	vadd.f32 v4, v14  }
0x142: {  	[tilespmem:s30+$0x0] =	vst v21;
	v3 =	vadd.f32 v3, v28;
	v11 =	vadd.f32 v11, v12;
	v12 =	vld [tilespmem:s3+$0xFFFFFFF0]  }
0x143: {  	v7 =	vadd.f32 v7, v8;
	v8 =	vld [tilespmem:s3+$0x0];
	[tilespmem:s14+$0xFFFFFFE0] =	vst v6;
	v5 =	vadd.f32 v5, v18  }
0x144: {  	v16 =	vadd.f32 v16, v29;
	v9 =	vadd.f32 v9, v15;
	[tilespmem:s14+$0xFFFFFFF0] =	vst v4  }
0x145: {  	v3 =	vadd.f32 v11, v3;
	s0 =	rddreg [dreg:$0x14];
	[tilespmem:s14+$0x0] =	vst v5  }
0x146: {  	v6 =	vadd.f32 v7, v16;
	s1 =	sshll.u32 s0, $0x12;
	p0 =	seq.s32 s0, $0xF;
	v4 =	vadd.f32 v9, v10;
	s0 =	rddreg [dreg:$0xf]  }
0x147: {  	v3 =	vadd.f32 v3, v12;
	[dreg:$0x15] =	wrdreg s1  }
0x148: {  	s23 =	simm.s32 $0x1;
	v5 =	vadd.f32 v6, v8;
	s0 =	sadd.s32 @!p0 s1, s0;
	[tilespmem:s3+$0xFFFFFFE0] =	vst v4  }
0x149: {  	s2 =	simm.s32 @!p0 $0x4000;
	[tilespmem:s3+$0xFFFFFFF0] =	vst v3;
	s1 =	rddreg [dreg:$0x0];
	s0 =	sshrl.u32 @!p0 s0, $0x3  }
0x14a: {  	[tilespmem:s3+$0x0] =	vst v5;
	s3 =	simm.s32 @!p0 $0xA680;
	s0 =	sadd.s32 @!p0 s1, s0;
	s1 =	simm.s32 @!p0 $0x800  }
0x14b: {  	[tilespmem:s3], [sflag:$0x1] =	stream.strided.gather @!p0 [hbm4b:s0+s1], $0x4000, s2, s1, $0x38;
	[tilespmem:$0x13780] =	vst v63  }
0x14c: {  	s24 =	simm.s32 $0x0;
	s26 =	simm.s32 $0x30;
	_ =	swait.ge [sflag:s23], $0x4000  }
0x14d: {  	s28 =	simm.s32 $0x9E20;
	s25 =	sand.u32 $0x780, s24;
	[sflag:s23] =	ssyncset.done $0x0  }
0x14e: {  	s10 =	sand.u32 $0x70, s26;
	s9 =	sadd.s32 $0xE680, s25;
	[sflag:s23] =	ssyncadd.s32 $0xFFFFC000  }
0x14f: {  	s8 =	sadd.s32 $0xEE80, s25;
	s2 =	sor.u32 s10, s9;
	v4 =	vld [tilespmem:s28+$0x10]  }
0x150: {  	s7 =	sadd.s32 $0xF680, s25;
	s5 =	sor.u32 s10, s8;
	v5 =	vld [tilespmem:s2+$0x0]  }
0x151: {  	s6 =	sadd.s32 $0xFE80, s25;
	s11 =	sor.u32 s10, s7;
	v6 =	vld [tilespmem:s5+$0x0]  }
0x152: {  	s15 =	sadd.s32 $0x11680, s25;
	s12 =	sor.u32 s10, s6;
	v7 =	vld [tilespmem:s11+$0x0]  }
0x153: {  	s16 =	sor.u32 s10, s15;
	v8 =	vld [tilespmem:s12+$0x0]  }
0x154: {  	v17 =	vld [tilespmem:s16+$0x0]  }
0x155: {  	v23 =	vld [tilespmem:s28+$0xFFFFFFF0]  }
0x156: {  	s20 =	simm.s32 $0x10;
	s4 =	rddreg [dreg:$0x16];
	v16 =	vld [tilespmem:s28+$0xFFFFFFE0]  }
0x157: {  	s0 =	simm.s32 $0x126A0;
	s4 =	sadd.s32 $0x190, s4;
	s5 =	sadd.s32 $0x10680, s25;
	v25 =	vld [tilespmem:s28+$0x0]  }
0x158: {  	s22 =	sand.u32 $0x50, s20;
	v3 =	vmov s4;
	s4 =	sadd.s32 $0x10E80, s25;
	v24 =	vld [tilespmem:s0+$0x10];
	s14 =	sor.u32 s10, s5  }
0x159: {  	s2 =	sadd.s32 $0x11E80, s25;
	s28 =	simm.s32 $0x20;
	s11 =	sor.u32 s10, s4;
	v9 =	vld [tilespmem:s14+$0x0];
	v4 =	vadd.s32 v3, v4  }
0x15a: {  	s1 =	sand.u32 $0x40, s24;
	s17 =	sor.u32 s10, s2;
	s3 =	sand.u32 $0x60, s28;
	v13 =	vld [tilespmem:s11+$0x0];
	v63 =	vadd.s32 v3, v23  }
0x15b: {  	s26 =	sor.u32 s22, s7;
	s21 =	sor.u32 s1, s7;
	v18 =	vld [tilespmem:s17+$0x0];
	s7 =	sor.u32 s3, s7;
	v10 =	vadd.s32 $0x12C, v4  }
0x15c: {  	s23 =	sor.u32 s1, s6;
	s12 =	sor.u32 s22, s6;
	s6 =	sor.u32 s3, s6;
	v32 =	vld [tilespmem:s7+$0x0];
	v11 =	vadd.s32 $0xC8, v4  }
0x15d: {  	v33 =	vld [tilespmem:s6+$0x0];
	v12 =	vadd.s32 $0x64, v4  }
0x15e: {  	v41 =	vadd.s32 $0xC8, v63;
	v4 =	vld.idx.msk [tilespmem:v4+s13+$0x0], $0xffff  }
0x15f: {  	v14 =	vmul.f32 v5, v5;
	v34 =	vld.idx.msk [tilespmem:v63+s13+$0x0], $0xffff  }
0x160: {  	v15 =	vmul.f32 v6, v6;
	v19 =	vmul.f32 v8, v8;
	v20 =	vld.idx.msk [tilespmem:v10+s13+$0x0], $0xffff  }
0x161: {  	v26 =	vadd.s32 v3, v16;
	v25 =	vadd.s32 v3, v25;
	v10 =	vmul.f32 v7, v7;
	v21 =	vld.idx.msk [tilespmem:v11+s13+$0x0], $0xffff  }
0x162: {  	v11 =	vmul.f32 v9, v9;
	v22 =	vld.idx.msk [tilespmem:v12+s13+$0x0], $0xffff;
	v12 =	vadd.f32 v15, v14;
	v14 =	vmul.f32 v13, v13  }
0x163: {  	s18 =	sor.u32 s1, s9;
	v27 =	vadd.s32 $0x64, v26;
	v29 =	vadd.s32 $0xC8, v26;
	v41 =	vld.idx.msk [tilespmem:v41+s13+$0x0], $0xffff;
	v10 =	vadd.f32 v19, v10  }
0x164: {  	s24 =	sor.u32 s22, s9;
	v31 =	vadd.s32 $0x12C, v26;
	v15 =	vmul.f32 v17, v17;
	v11 =	vadd.f32 v14, v11;
	v14 =	vld [tilespmem:s18+$0x0]  }
0x165: {  	v19 =	vld [tilespmem:s24+$0x0];
	v10 =	vadd.f32 v10, v12;
	v12 =	vmul.f32 v18, v18;
	v16 =	vshll.u32 v4, $0x10  }
0x166: {  	s19 =	sor.u32 s1, s8;
	v35 =	vadd.s32 $0x64, v63;
	v39 =	vadd.s32 $0x64, v25;
	v5 =	vmul.f32 v16, v5;
	v16 =	vld [tilespmem:s12+$0x0]  }
0x167: {  	v50 =	vmul.f32 v32, v32;
	v4 =	vand.u32 $0xFFFF0000, v4;
	v12 =	vadd.f32 v12, v15;
	v15 =	vld [tilespmem:s19+$0x0]  }
0x168: {  	s25 =	sor.u32 s22, s8;
	s8 =	sor.u32 s3, s8;
	v4 =	vmul.f32 v4, v6;
	v30 =	vshll.u32 v21, $0x10;
	v11 =	vadd.f32 v11, v10;
	v10 =	vld [tilespmem:s21+$0x0]  }
0x169: {  	v6 =	vshll.u32 v22, $0x10;
	v22 =	vand.u32 $0xFFFF0000, v22;
	v9 =	vmul.f32 v30, v9;
	v30 =	vld [tilespmem:s8+$0x0];
	s8 =	sor.u32 s1, s5  }
0x16a: {  	v4 =	vadd.f32 v4, v5;
	v5 =	vmul.f32 v6, v7;
	v6 =	vmul.f32 v22, v8;
	v23 =	vld [tilespmem:s8+$0x0]  }
0x16b: {  	s11 =	sor.u32 s22, s5;
	v21 =	vand.u32 $0xFFFF0000, v21;
	s5 =	sor.u32 s3, s5;
	v8 =	vshll.u32 v20, $0x10;
	v12 =	vadd.f32 v12, v11;
	v11 =	vld [tilespmem:s23+$0x0]  }
0x16c: {  	v8 =	vmul.f32 v8, v17;
	v17 =	vld [tilespmem:s5+$0x0];
	v4 =	vadd.f32 $0.0e+00, v4;
	v5 =	vadd.f32 v6, v5  }
0x16d: {  	v51 =	vmul.f32 v33, v33;
	s12 =	sor.u32 s22, s4;
	v6 =	vmul.f32 v21, v13;
	v13 =	vand.u32 $0xFFFF0000, v20;
	v21 =	vld [tilespmem:s11+$0x0]  }
0x16e: {  	v20 =	vld [tilespmem:s12+$0x0];
	v28 =	vadd.f32 v12, v24;
	v48 =	vmul.f32 v16, v16;
	v4 =	vadd.f32 v5, v4  }
0x16f: {  	v24 =	vld [tilespmem:s25+$0x0];
	v5 =	vadd.f32 v6, v9;
	v6 =	vmul.f32 v13, v18;
	v9 =	vmul.f32 v14, v14  }
0x170: {  	s9 =	sor.u32 s3, s9;
	v38 =	vadd.f32 v51, v50;
	v12 =	vld [tilespmem:s26+$0x0];
	v13 =	vmul.f32 v15, v15;
	v18 =	vmul.f32 v10, v10  }
0x171: {  	s14 =	simm.s32 $0x12EA0;
	v49 =	vmul.f32 v30, v30;
	[tilespmem:s0+$0x10] =	vst v28;
	v28 =	vld [tilespmem:s9+$0x0];
	v52 =	vmul.f32 v23, v23;
	v4 =	vadd.f32 v5, v4  }
0x172: {  	s9 =	sor.u32 s1, s4;
	v7 =	vld [tilespmem:s14+$0x10];
	v5 =	vadd.f32 v6, v8;
	v6 =	vmul.f32 v11, v11;
	v8 =	vmul.f32 v19, v19  }
0x173: {  	v50 =	vand.u32 $0xFFFF0000, v41;
	v22 =	vld [tilespmem:s9+$0x0];
	v56 =	vmul.f32 v17, v17;
	v55 =	vmul.f32 v21, v21  }
0x174: {  	v26 =	vld.idx.msk [tilespmem:v26+s13+$0x0], $0xffff;
	v47 =	vadd.f32 v13, v9;
	v45 =	vmul.f32 v20, v20;
	v20 =	vmul.f32 v50, v20  }
0x175: {  	v27 =	vld.idx.msk [tilespmem:v27+s13+$0x0], $0xffff;
	s4 =	sor.u32 s3, s4;
	v46 =	vmul.f32 v24, v24;
	v4 =	vadd.f32 v5, v4;
	v6 =	vadd.f32 v6, v18  }
0x176: {  	s16 =	sor.u32 s1, s15;
	v5 =	vmul.f32 v12, v12;
	v18 =	vld [tilespmem:s4+$0x0];
	v57 =	vadd.f32 v45, v55;
	v55 =	vshll.u32 v34, $0x10  }
0x177: {  	s18 =	sor.u32 s22, s2;
	v9 =	vld [tilespmem:s16+$0x0];
	v34 =	vand.u32 $0xFFFF0000, v34;
	v37 =	vadd.f32 v6, v47;
	v13 =	vadd.f32 v4, v7  }
0x178: {  	v6 =	vld [tilespmem:s18+$0x0];
	v4 =	vadd.f32 v46, v8;
	v8 =	vmul.f32 v28, v28;
	v53 =	vmul.f32 v22, v22  }
0x179: {  	s1 =	sor.u32 s1, s2;
	v5 =	vadd.f32 v48, v5;
	v47 =	vadd.s32 $0x12C, v63;
	v63 =	vld.idx.msk [tilespmem:v25+s13+$0x0], $0xffff;
	v19 =	vmul.f32 v55, v19  }
0x17a: {  	v24 =	vmul.f32 v34, v24;
	v7 =	vld [tilespmem:s1+$0x0];
	v36 =	vadd.f32 v49, v8;
	v42 =	vadd.f32 v53, v52  }
0x17b: {  	v46 =	vadd.s32 $0xC8, v25;
	v54 =	vadd.f32 v5, v4;
	v58 =	vmul.f32 v18, v18  }
0x17c: {  	v35 =	vld.idx.msk [tilespmem:v35+s13+$0x0], $0xffff;
	v59 =	vmul.f32 v9, v9;
	v36 =	vadd.f32 v38, v36;
	v37 =	vadd.f32 v42, v37  }
0x17d: {  	s17 =	sor.u32 s22, s15;
	v29 =	vld.idx.msk [tilespmem:v29+s13+$0x0], $0xffff;
	v25 =	vadd.s32 $0x12C, v25;
	v40 =	vadd.f32 v57, v54;
	v38 =	vadd.f32 v58, v56  }
0x17e: {  	s19 =	sor.u32 s3, s15;
	v8 =	vld [tilespmem:s17+$0x0];
	v62 =	vmul.f32 v6, v6;
	v54 =	vshll.u32 v26, $0x10;
	v26 =	vand.u32 $0xFFFF0000, v26  }
0x17f: {  	s20 =	sor.u32 s3, s2;
	v4 =	vld [tilespmem:s19+$0x0];
	v56 =	vand.u32 $0xFFFF0000, v63;
	v58 =	vshll.u32 v27, $0x10;
	v60 =	vmul.f32 v7, v7  }
0x180: {  	s21 =	simm.s32 $0x40;
	v5 =	vld [tilespmem:s20+$0x0];
	v27 =	vand.u32 $0xFFFF0000, v27;
	v14 =	vmul.f32 v54, v14;
	v15 =	vmul.f32 v26, v15  }
0x181: {  	v39 =	vld.idx.msk [tilespmem:v39+s13+$0x0], $0xffff;
	s24 =	simm.s32 $0x70;
	s23 =	sand.u32 $0x780, s21;
	v26 =	vshll.u32 v63, $0x10;
	v10 =	vmul.f32 v58, v10;
	v11 =	vmul.f32 v27, v11  }
0x182: {  	s5 =	sadd.s32 $0xF680, s23;
	s25 =	sand.u32 $0x70, s24;
	v57 =	vld.idx.msk [tilespmem:v46+s13+$0x0], $0xffff;
	v46 =	vshll.u32 v29, $0x10;
	v29 =	vand.u32 $0xFFFF0000, v29;
	v26 =	vmul.f32 v26, v28  }
0x183: {  	s28 =	sor.u32 s25, s5;
	s4 =	sadd.s32 $0xFE80, s23;
	v27 =	vld.idx.msk [tilespmem:v47+s13+$0x0], $0xffff;
	v47 =	vshll.u32 v41, $0x10;
	v28 =	vmul.f32 v56, v30;
	v23 =	vmul.f32 v46, v23  }
0x184: {  	v43 =	vld [tilespmem:s28+$0x0];
	s9 =	sor.u32 s25, s4;
	v36 =	vadd.f32 v38, v36;
	v29 =	vmul.f32 v29, v22;
	v61 =	vmul.f32 v8, v8  }
0x185: {  	s29 =	simm.s32 $0x9E60;
	v44 =	vld [tilespmem:s9+$0x0];
	v42 =	vadd.f32 v60, v59;
	v52 =	vmul.f32 v4, v4;
	v48 =	vmul.f32 v5, v5  }
0x186: {  	s7 =	sadd.s32 $0xE680, s23;
	v49 =	vld [tilespmem:s29+$0x10];
	v60 =	vshll.u32 v35, $0x10;
	v35 =	vand.u32 $0xFFFF0000, v35;
	v14 =	vadd.f32 v15, v14  }
0x187: {  	s22 =	sadd.s32 $0x10E80, s23;
	s2 =	sor.u32 s25, s7;
	v25 =	vld.idx.msk [tilespmem:v25+s13+$0x0], $0xffff;
	v15 =	vadd.f32 v24, v19;
	v19 =	vand.u32 $0xFFFF0000, v39;
	v10 =	vadd.f32 v11, v10  }
0x188: {  	s15 =	sadd.s32 $0x11E80, s23;
	s11 =	sor.u32 s25, s22;
	v41 =	vld [tilespmem:s2+$0x0];
	v26 =	vadd.f32 v28, v26;
	v12 =	vmul.f32 v60, v12;
	v16 =	vmul.f32 v35, v16  }
0x189: {  	s16 =	sor.u32 s25, s15;
	v54 =	vld [tilespmem:s11+$0x0];
	v19 =	vmul.f32 v19, v33;
	v23 =	vadd.f32 v29, v23;
	v37 =	vadd.f32 v42, v37  }
0x18a: {  	v58 =	vld [tilespmem:s16+$0x0];
	v53 =	vadd.f32 v62, v61;
	v38 =	vadd.f32 v48, v52;
	v61 =	vshll.u32 v39, $0x10  }
0x18b: {  	v24 =	vld.idx.msk [tilespmem:v31+s13+$0x0], $0xffff;
	v15 =	vadd.f32 $0.0e+00, v15;
	v31 =	vmul.f32 v61, v32;
	v51 =	vshll.u32 v57, $0x10  }
0x18c: {  	s2 =	sadd.s32 $0x11680, s23;
	v59 =	vld [tilespmem:s0+$0xFFFFFFE0];
	v52 =	vand.u32 $0xFFFF0000, v57;
	v11 =	vadd.f32 $0.0e+00, v26;
	v16 =	vadd.f32 v16, v12  }
0x18d: {  	s8 =	sadd.s32 $0xEE80, s23;
	v30 =	vld [tilespmem:s0+$0xFFFFFFF0];
	s12 =	sor.u32 s25, s2;
	v26 =	vmul.f32 v47, v21;
	v60 =	vand.u32 $0xFFFF0000, v27;
	v12 =	vshll.u32 v25, $0x10  }
0x18e: {  	s26 =	sor.u32 s25, s8;
	v55 =	vld [tilespmem:s12+$0x0];
	v25 =	vand.u32 $0xFFFF0000, v25;
	v28 =	vadd.f32 v53, v40;
	v17 =	vmul.f32 v51, v17  }
0x18f: {  	v33 =	vld [tilespmem:s26+$0x0];
	v63 =	vadd.f32 v38, v36;
	v18 =	vmul.f32 v52, v18;
	v6 =	vmul.f32 v60, v6  }
0x190: {  	s18 =	sadd.s32 $0x10680, s23;
	v62 =	vld [tilespmem:s0+$0x0];
	v53 =	vadd.f32 $0.0e+00, v14;
	v4 =	vmul.f32 v12, v4;
	v5 =	vmul.f32 v25, v5  }
0x191: {  	s10 =	sor.u32 s25, s18;
	v61 =	vld [tilespmem:s29+$0xFFFFFFE0];
	v19 =	vadd.f32 v19, v31;
	v21 =	vadd.f32 v37, v59;
	v31 =	vadd.s32 v3, v49  }
0x192: {  	s30 =	simm.s32 $0x126E0;
	s11 =	sand.u32 $0x40, s21;
	v38 =	vld [tilespmem:s10+$0x0];
	v56 =	vshll.u32 v24, $0x10;
	v24 =	vand.u32 $0xFFFF0000, v24;
	v49 =	vadd.f32 v20, v26  }
0x193: {  	s21 =	sor.u32 s11, s4;
	v20 =	vld [tilespmem:s30+$0x10];
	v22 =	vadd.f32 v28, v30;
	v28 =	vadd.s32 $0x12C, v31;
	v10 =	vadd.f32 v10, v53  }
0x194: {  	s19 =	simm.s32 $0x50;
	s20 =	sor.u32 s11, s5;
	v37 =	vadd.f32 v16, v15;
	v30 =	vadd.s32 $0xC8, v31;
	v7 =	vmul.f32 v24, v7;
	v24 =	vld [tilespmem:s21+$0x0]  }
0x195: {  	s6 =	sand.u32 $0x50, s19;
	v16 =	vmul.f32 v41, v41;
	v57 =	vadd.s32 $0x64, v31;
	v35 =	vadd.f32 v23, v10;
	v23 =	vld [tilespmem:s20+$0x0]  }
0x196: {  	s24 =	sor.u32 s6, s8;
	v59 =	vshll.u32 v27, $0x10;
	v27 =	vmul.f32 v43, v43;
	v26 =	vmul.f32 v55, v55;
	v15 =	vld.idx.msk [tilespmem:v31+s13+$0x0], $0xffff  }
0x197: {  	v50 =	vadd.f32 v18, v17;
	v51 =	vmul.f32 v56, v9;
	v14 =	vadd.f32 v63, v62;
	v31 =	vld [tilespmem:s24+$0x0]  }
0x198: {  	v11 =	vadd.f32 v19, v11;
	v19 =	vmul.f32 v33, v33;
	v62 =	vld.idx.msk [tilespmem:v28+s13+$0x0], $0xffff;
	v28 =	vmul.f32 v44, v44  }
0x199: {  	v8 =	vmul.f32 v59, v8;
	v5 =	vadd.f32 v5, v4;
	v29 =	vmul.f32 v38, v38;
	v63 =	vld.idx.msk [tilespmem:v30+s13+$0x0], $0xffff  }
0x19a: {  	s23 =	sor.u32 s6, s7;
	v16 =	vadd.f32 v19, v16;
	v19 =	vmul.f32 v54, v54;
	v17 =	vld.idx.msk [tilespmem:v57+s13+$0x0], $0xffff;
	v18 =	vadd.f32 v28, v27  }
0x19b: {  	s28 =	sor.u32 s6, s4;
	v37 =	vadd.f32 v49, v37;
	v32 =	vadd.s32 v3, v61;
	v51 =	vadd.f32 v7, v51;
	v30 =	vld [tilespmem:s23+$0x0]  }
0x19c: {  	s1 =	sor.u32 s11, s7;
	s25 =	simm.s32 $0x60;
	v40 =	vadd.s32 $0x64, v32;
	v10 =	vadd.f32 v19, v29;
	v29 =	vld [tilespmem:s28+$0x0];
	v9 =	vadd.f32 v18, v16  }
0x19d: {  	s17 =	sor.u32 s11, s8;
	v50 =	vadd.f32 v50, v11;
	v49 =	vadd.s32 $0x12C, v32;
	v27 =	vld [tilespmem:s1+$0x0];
	s1 =	sand.u32 $0x60, s25;
	v16 =	vmul.f32 v58, v58  }
0x19e: {  	v28 =	vld [tilespmem:s17+$0x0];
	s7 =	sor.u32 s1, s7;
	v9 =	vadd.f32 v10, v9;
	v10 =	vshll.u32 v15, $0x10;
	v15 =	vand.u32 $0xFFFF0000, v15  }
0x19f: {  	s9 =	sor.u32 s1, s8;
	v34 =	vld [tilespmem:s7+$0x0];
	v16 =	vadd.f32 v16, v26;
	v10 =	vmul.f32 v10, v41;
	v15 =	vmul.f32 v15, v33  }
0x1a0: {  	s26 =	sor.u32 s6, s5;
	v36 =	vld [tilespmem:s9+$0x0];
	v57 =	vmul.f32 v31, v31;
	v18 =	vshll.u32 v17, $0x10;
	v17 =	vand.u32 $0xFFFF0000, v17  }
0x1a1: {  	s10 =	sor.u32 s1, s5;
	v19 =	vand.u32 $0xFFFF0000, v63;
	v26 =	vld [tilespmem:s26+$0x0];
	v9 =	vadd.f32 v16, v9;
	v10 =	vadd.f32 v15, v10  }
0x1a2: {  	v17 =	vmul.f32 v17, v44;
	s26 =	sor.u32 s6, s2;
	v33 =	vld [tilespmem:s10+$0x0];
	v16 =	vshll.u32 v62, $0x10;
	v15 =	vmul.f32 v18, v43  }
0x1a3: {  	v12 =	vld [tilespmem:s26+$0x0];
	v18 =	vshll.u32 v63, $0x10;
	v9 =	vadd.f32 v9, v20;
	v10 =	vadd.f32 $0.0e+00, v10  }
0x1a4: {  	v20 =	vld [tilespmem:s29+$0xFFFFFFF0];
	v15 =	vadd.f32 v17, v15;
	v17 =	vmul.f32 v18, v38;
	v18 =	vmul.f32 v19, v54  }
0x1a5: {  	s12 =	sor.u32 s1, s4;
	v59 =	vmul.f32 v29, v29;
	v16 =	vmul.f32 v16, v55;
	v19 =	vand.u32 $0xFFFF0000, v62;
	v54 =	vld [tilespmem:s29+$0x0]  }
0x1a6: {  	s31 =	simm.s32 $0x12EE0;
	v38 =	vld [tilespmem:s12+$0x0];
	[tilespmem:s30+$0x10] =	vst v9;
	v10 =	vadd.f32 v15, v10;
	v15 =	vadd.f32 v18, v17;
	v17 =	vmul.f32 v19, v58  }
0x1a7: {  	s16 =	sor.u32 s11, s18;
	v5 =	vadd.f32 v5, v50;
	v9 =	vmul.f32 v28, v28;
	v18 =	vmul.f32 v27, v27;
	v56 =	vld [tilespmem:s31+$0x10]  }
0x1a8: {  	s21 =	sor.u32 s1, s18;
	v55 =	vmul.f32 v23, v23;
	v19 =	vld [tilespmem:s16+$0x0];
	v10 =	vadd.f32 v15, v10;
	v15 =	vadd.f32 v17, v16  }
0x1a9: {  	s17 =	sor.u32 s11, s22;
	v43 =	vadd.s32 $0xC8, v32;
	v16 =	vmul.f32 v24, v24;
	v9 =	vadd.f32 v9, v18;
	v18 =	vld [tilespmem:s21+$0x0]  }
0x1aa: {  	s19 =	sor.u32 s6, s18;
	v58 =	vmul.f32 v26, v26;
	v17 =	vmul.f32 v30, v30;
	v10 =	vadd.f32 v15, v10;
	v15 =	vld [tilespmem:s17+$0x0]  }
0x1ab: {  	s20 =	sor.u32 s6, s22;
	v62 =	vmul.f32 v36, v36;
	v47 =	vadd.s32 v3, v20;
	v20 =	vadd.f32 v16, v55;
	v16 =	vld [tilespmem:s19+$0x0]  }
0x1ac: {  	v61 =	vadd.f32 v59, v58;
	v39 =	vadd.s32 v3, v54;
	v60 =	vadd.f32 v57, v17;
	v17 =	vld [tilespmem:s20+$0x0]  }
0x1ad: {  	s23 =	sor.u32 s1, s22;
	v46 =	vadd.s32 $0x64, v47;
	v55 =	vld.idx.msk [tilespmem:v40+s13+$0x0], $0xffff;
	v45 =	vadd.f32 v10, v56;
	v10 =	vmul.f32 v34, v34  }
0x1ae: {  	s24 =	sor.u32 s11, s2;
	v63 =	vadd.f32 v20, v9;
	v20 =	vld [tilespmem:s23+$0x0];
	v9 =	vmul.f32 v33, v33;
	v56 =	vmul.f32 v38, v38  }
0x1af: {  	s25 =	sor.u32 s11, s15;
	v52 =	vmul.f32 v19, v19;
	v41 =	vadd.f32 v61, v60;
	v42 =	vadd.f32 v62, v10;
	v10 =	vld [tilespmem:s24+$0x0]  }
0x1b0: {  	s28 =	sor.u32 s6, s15;
	v60 =	vadd.f32 v6, v8;
	v44 =	vadd.f32 v56, v9;
	v9 =	vld [tilespmem:s25+$0x0];
	v57 =	vmul.f32 v15, v15  }
0x1b1: {  	v11 =	vld [tilespmem:s28+$0x0];
	s2 =	sor.u32 s1, s2;
	v6 =	vadd.f32 v51, v35;
	v25 =	vmul.f32 v16, v16;
	v58 =	vmul.f32 v17, v17  }
0x1b2: {  	v8 =	vld [tilespmem:s2+$0x0];
	v59 =	vmul.f32 v18, v18;
	v4 =	vadd.f32 v60, v37;
	v42 =	vadd.f32 v44, v42  }
0x1b3: {  	[tilespmem:s14+$0x10] =	vst v13;
	v46 =	vld.idx.msk [tilespmem:v46+s13+$0x0], $0xffff;
	v13 =	vand.u32 $0xFFFF0000, v55;
	v7 =	vadd.f32 v57, v52;
	v25 =	vadd.f32 v58, v25  }
0x1b4: {  	v61 =	vmul.f32 v20, v20;
	v57 =	vld.idx.msk [tilespmem:v32+s13+$0x0], $0xffff;
	v52 =	vadd.s32 $0xC8, v47;
	v58 =	vmul.f32 v12, v12  }
0x1b5: {  	s1 =	sor.u32 s1, s15;
	v44 =	vld.idx.msk [tilespmem:v47+s13+$0x0], $0xffff;
	v48 =	vadd.f32 v7, v63;
	v53 =	vmul.f32 v10, v10;
	v62 =	vmul.f32 v9, v9  }
0x1b6: {  	v7 =	vld [tilespmem:s1+$0x0];
	v63 =	vadd.s32 $0x64, v39;
	v41 =	vadd.f32 v25, v41;
	v25 =	vadd.f32 v61, v59  }
0x1b7: {  	[tilespmem:s0+$0xFFFFFFE0] =	vst v21;
	v60 =	vmul.f32 v8, v8;
	v47 =	vadd.s32 $0x12C, v47;
	v59 =	vmul.f32 v11, v11  }
0x1b8: {  	[tilespmem:s0+$0xFFFFFFF0] =	vst v22;
	v21 =	vshll.u32 v46, $0x10;
	v35 =	vadd.f32 v62, v53;
	v53 =	vld.idx.msk [tilespmem:v39+s13+$0x0], $0xffff;
	v54 =	vadd.f32 v25, v42  }
0x1b9: {  	[tilespmem:s0+$0x0] =	vst v14;
	v14 =	vld [tilespmem:s14+$0xFFFFFFF0];
	v42 =	vadd.s32 $0xC8, v39;
	v39 =	vadd.s32 $0x12C, v39;
	v62 =	vshll.u32 v57, $0x10  }
0x1ba: {  	v56 =	vld.idx.msk [tilespmem:v43+s13+$0x0], $0xffff;
	v25 =	vadd.f32 v35, v48;
	v43 =	vmul.f32 v62, v27;
	v27 =	vshll.u32 v44, $0x10  }
0x1bb: {  	v35 =	vmul.f32 v13, v24;
	v61 =	vmul.f32 v7, v7;
	v50 =	vld.idx.msk [tilespmem:v63+s13+$0x0], $0xffff;
	v63 =	vand.u32 $0xFFFF0000, v57  }
0x1bc: {  	v32 =	vld [tilespmem:s30+$0x0];
	v48 =	vadd.f32 v59, v58;
	v28 =	vmul.f32 v63, v28;
	v63 =	vmul.f32 v27, v30  }
0x1bd: {  	v37 =	vld.idx.msk [tilespmem:v52+s13+$0x0], $0xffff;
	v51 =	vadd.f32 v61, v60;
	v60 =	vand.u32 $0xFFFF0000, v44;
	v61 =	vshll.u32 v53, $0x10  }
0x1be: {  	v13 =	vld [tilespmem:s14+$0xFFFFFFE0];
	v62 =	vand.u32 $0xFFFF0000, v53;
	v53 =	vshll.u32 v55, $0x10;
	v57 =	vmul.f32 v60, v31  }
0x1bf: {  	v27 =	vld [tilespmem:s30+$0xFFFFFFE0];
	v44 =	vshll.u32 v56, $0x10;
	v60 =	vmul.f32 v61, v34;
	v36 =	vmul.f32 v62, v36  }
0x1c0: {  	v40 =	vld.idx.msk [tilespmem:v42+s13+$0x0], $0xffff;
	v61 =	vand.u32 $0xFFFF0000, v46;
	v42 =	vadd.f32 v28, v43;
	v34 =	vmul.f32 v53, v23  }
0x1c1: {  	v30 =	vld [tilespmem:s30+$0xFFFFFFF0];
	v28 =	vmul.f32 v21, v26;
	v26 =	vadd.f32 v48, v41;
	v41 =	vand.u32 $0xFFFF0000, v56  }
0x1c2: {  	v22 =	vld.idx.msk [tilespmem:v39+s13+$0x0], $0xffff;
	v39 =	vshll.u32 v37, $0x10;
	v29 =	vmul.f32 v61, v29;
	v24 =	vadd.f32 v51, v54  }
0x1c3: {  	[tilespmem:s31+$0x10] =	vst v45;
	v31 =	vld.idx.msk [tilespmem:v49+s13+$0x0], $0xffff;
	v62 =	vshll.u32 v50, $0x10;
	v43 =	vadd.f32 v57, v63;
	v63 =	vand.u32 $0xFFFF0000, v50  }
0x1c4: {  	s0 =	simm.s32 $0x12EE0;
	s15 =	simm.s32 $0x80;
	s2 =	simm.s32 $0x4;
	v23 =	vld.idx.msk [tilespmem:v47+s13+$0x0], $0xffff;
	v36 =	vadd.f32 v36, v60;
	v33 =	vmul.f32 v62, v33;
	v38 =	vmul.f32 v63, v38  }
.LBB2_11:
0x1c5: {  	s26 =	sand.u32 $0x780, s15;
	s3 =	sadd.s32 $0x30, s15  }
0x1c6: {  	v37 =	vand.u32 $0xFFFF0000, v37;
	v21 =	vld [tilespmem:s14+$0x0];
	v42 =	vadd.f32 $0.0e+00, v42;
	s29 =	sadd.s32 $0x40, s29;
	s1 =	sadd.s32 $0xE680, s26;
	s3 =	sand.u32 $0x70, s3  }
0x1c7: {  	v19 =	vmul.f32 v44, v19;
	v53 =	vmul.f32 v41, v15;
	v43 =	vadd.f32 $0.0e+00, v43;
	s4 =	sadd.s32 $0xEE80, s26;
	v52 =	vld [tilespmem:s29+$0x10];
	s7 =	sor.u32 s3, s1  }
0x1c8: {  	v16 =	vmul.f32 v39, v16;
	v34 =	vadd.f32 v35, v34;
	v36 =	vadd.f32 $0.0e+00, v36;
	s6 =	sadd.s32 $0xF680, s26;
	s12 =	sor.u32 s3, s4;
	v15 =	vld [tilespmem:s7+$0x0]  }
0x1c9: {  	v28 =	vadd.f32 v29, v28;
	v29 =	vadd.f32 v38, v33;
	s8 =	sadd.s32 $0xFE80, s26;
	v17 =	vmul.f32 v37, v17;
	s10 =	sor.u32 s3, s6;
	v39 =	vld [tilespmem:s12+$0x0]  }
0x1ca: {  	s11 =	sadd.s32 $0x10E80, s26;
	s16 =	sor.u32 s3, s8;
	v19 =	vadd.f32 v53, v19;
	v41 =	vld [tilespmem:s10+$0x0];
	v34 =	vadd.f32 v34, v42  }
0x1cb: {  	s22 =	sadd.s32 $0x11680, s26;
	s19 =	sor.u32 s3, s11;
	v54 =	vld [tilespmem:s16+$0x0];
	v33 =	vadd.f32 v28, v43;
	v63 =	vadd.f32 v17, v16;
	v45 =	vshll.u32 v40, $0x10  }
0x1cc: {  	[dreg:$0x4] =	wrdreg s0;
	s0 =	sadd.s32 $0x11E80, s26;
	s20 =	sor.u32 s3, s22;
	v47 =	vld [tilespmem:s19+$0x0];
	v51 =	vand.u32 $0xFFFF0000, v40;
	v25 =	vadd.f32 v25, v27;
	v26 =	vadd.f32 v26, v30  }
0x1cd: {  	s23 =	sor.u32 s3, s0;
	s7 =	sadd.s32 $0x10680, s26;
	v48 =	vld [tilespmem:s20+$0x0];
	v24 =	vadd.f32 v24, v32;
	v30 =	vshll.u32 v31, $0x10;
	v31 =	vand.u32 $0xFFFF0000, v31  }
0x1ce: {  	v58 =	vld [tilespmem:s23+$0x0];
	s17 =	sor.u32 s3, s7;
	v55 =	vshll.u32 v23, $0x10;
	v23 =	vand.u32 $0xFFFF0000, v23;
	v27 =	vadd.f32 v29, v36  }
0x1cf: {  	v6 =	vadd.f32 v6, v13;
	v18 =	vmul.f32 v45, v18;
	v20 =	vmul.f32 v51, v20;
	v46 =	vld [tilespmem:s17+$0x0];
	[tilespmem:s30+$0xFFFFFFE0] =	vst v25  }
0x1d0: {  	s28 =	sand.u32 $0x40, s15;
	v36 =	vadd.f32 v19, v34;
	v44 =	vmul.f32 v30, v10;
	v56 =	vadd.s32 v3, v52;
	[tilespmem:s30+$0xFFFFFFF0] =	vst v26;
	v49 =	vld [tilespmem:s29+$0xFFFFFFE0]  }
0x1d1: {  	s21 =	sor.u32 s28, s1;
	v25 =	vshll.u32 v22, $0x10;
	v26 =	vand.u32 $0xFFFF0000, v22;
	v22 =	vadd.s32 $0xC8, v56;
	v19 =	vld [tilespmem:s29+$0xFFFFFFF0]  }
0x1d2: {  	s12 =	smov.u32 s14;
	s14 =	sor.u32 s28, s4;
	[tilespmem:s30+$0x0] =	vst v24;
	v57 =	vadd.s32 $0x12C, v56;
	v32 =	vld [tilespmem:s21+$0x0];
	v24 =	vmul.f32 v15, v15;
	v28 =	vmul.f32 v39, v39  }
0x1d3: {  	s5 =	sadd.s32 $0x10, s15;
	s9 =	sadd.s32 $0x20, s15;
	s26 =	sor.u32 s28, s6;
	v29 =	vadd.s32 $0x64, v56;
	v30 =	vld [tilespmem:s14+$0x0];
	v59 =	vmul.f32 v41, v41;
	v60 =	vmul.f32 v54, v54  }
0x1d4: {  	s5 =	sand.u32 $0x50, s5;
	s18 =	sand.u32 $0x60, s9;
	v51 =	vmul.f32 v23, v11;
	v38 =	vadd.f32 v20, v18;
	v23 =	vld [tilespmem:s26+$0x0];
	v18 =	vmul.f32 v47, v47  }
0x1d5: {  	s24 =	sor.u32 s5, s4;
	s10 =	sor.u32 s18, s4;
	s4 =	simm.s32 $0x6400;
	v62 =	vmul.f32 v46, v46;
	v16 =	vadd.f32 v28, v24;
	v17 =	vadd.f32 v60, v59;
	v61 =	vld.idx.msk [tilespmem:v56+s13+$0x0], $0xffff  }
0x1d6: {  	v14 =	vadd.f32 v4, v14;
	v50 =	vmul.f32 v55, v12;
	v28 =	vld.idx.msk [tilespmem:v22+s4+$0x0], $0xffff;
	v22 =	vmul.f32 v48, v48  }
0x1d7: {  	v20 =	vld.idx.msk [tilespmem:v57+s13+$0x0], $0xffff;
	v16 =	vadd.f32 v17, v16;
	v17 =	vadd.f32 v18, v62;
	v18 =	vmul.f32 v58, v58  }
0x1d8: {  	s25 =	sor.u32 s5, s1;
	v33 =	vadd.f32 v63, v33;
	v21 =	vadd.f32 v5, v21;
	v8 =	vmul.f32 v25, v8;
	v10 =	vld.idx.msk [tilespmem:v29+s4+$0x0], $0xffff  }
0x1d9: {  	s30 =	sadd.s32 $0x40, s30;
	v34 =	vld [tilespmem:s25+$0x0];
	v7 =	vmul.f32 v26, v7;
	v12 =	vadd.f32 v17, v16;
	v16 =	vadd.f32 v18, v22  }
0x1da: {  	v50 =	vadd.f32 v51, v50;
	v27 =	vadd.f32 v38, v27;
	v60 =	vmul.f32 v31, v9;
	v17 =	vld [tilespmem:s30+$0x10]  }
0x1db: {  	s1 =	sor.u32 s18, s1;
	v35 =	vld [tilespmem:s24+$0x0];
	v11 =	vshll.u32 v61, $0x10;
	v18 =	vand.u32 $0xFFFF0000, v61;
	v12 =	vadd.f32 v16, v12  }
0x1dc: {  	v43 =	vld [tilespmem:s1+$0x0];
	v11 =	vmul.f32 v11, v15;
	v15 =	vmul.f32 v18, v39;
	v16 =	vshll.u32 v20, $0x10  }
0x1dd: {  	v45 =	vld [tilespmem:s10+$0x0];
	v18 =	vshll.u32 v10, $0x10;
	v10 =	vand.u32 $0xFFFF0000, v10;
	v29 =	vshll.u32 v28, $0x10  }
0x1de: {  	s3 =	sor.u32 s28, s8;
	v9 =	vld [tilespmem:s29+$0x0];
	v10 =	vmul.f32 v10, v54;
	v11 =	vadd.f32 v15, v11;
	v15 =	vmul.f32 v18, v41  }
0x1df: {  	s17 =	sor.u32 s18, s6;
	v24 =	vld [tilespmem:s3+$0x0];
	v61 =	vmul.f32 v29, v46;
	v18 =	vand.u32 $0xFFFF0000, v28;
	v12 =	vadd.f32 v12, v17  }
0x1e0: {  	s20 =	sor.u32 s5, s6;
	v39 =	vld [tilespmem:s17+$0x0];
	v11 =	vadd.f32 $0.0e+00, v11;
	v10 =	vadd.f32 v10, v15;
	v15 =	vmul.f32 v18, v47  }
0x1e1: {  	s9 =	sor.u32 s5, s8;
	v44 =	vadd.f32 v60, v44;
	v16 =	vmul.f32 v16, v48;
	v28 =	vld [tilespmem:s20+$0x0];
	v17 =	vand.u32 $0xFFFF0000, v20  }
0x1e2: {  	s31 =	sadd.s32 $0x40, s31;
	s23 =	sor.u32 s18, s8;
	v29 =	vld [tilespmem:s9+$0x0];
	[tilespmem:s30+$0x10] =	vst v12;
	v10 =	vadd.f32 v10, v11;
	v11 =	vadd.f32 v15, v61;
	v15 =	vmul.f32 v17, v58  }
0x1e3: {  	s19 =	sor.u32 s28, s11;
	s16 =	sor.u32 s28, s7;
	s8 =	sor.u32 s18, s11;
	v46 =	vadd.s32 v3, v19;
	v20 =	vmul.f32 v35, v35;
	v47 =	vadd.s32 v3, v9;
	v9 =	vld [tilespmem:s31+$0x10]  }
0x1e4: {  	s13 =	sor.u32 s5, s11;
	s11 =	sor.u32 s28, s22;
	s28 =	sor.u32 s28, s0;
	v19 =	vld [tilespmem:s16+$0x0];
	v12 =	vmul.f32 v32, v32;
	v10 =	vadd.f32 v11, v10;
	v11 =	vadd.f32 v15, v16  }
0x1e5: {  	[dreg:$0x9] =	wrdreg s28;
	s28 =	sor.u32 s5, s22;
	s22 =	sor.u32 s18, s22;
	v41 =	vld [tilespmem:s23+$0x0];
	v18 =	vmul.f32 v23, v23;
	v17 =	vmul.f32 v30, v30;
	v61 =	vadd.f32 v7, v8  }
0x1e6: {  	s6 =	sor.u32 s5, s7;
	s7 =	sor.u32 s18, s7;
	s18 =	sor.u32 s18, s0;
	v8 =	vld [tilespmem:s22+$0x0];
	v52 =	vmul.f32 v28, v28;
	v15 =	vmul.f32 v24, v24;
	v10 =	vadd.f32 v11, v10  }
0x1e7: {  	v7 =	vld [tilespmem:s18+$0x0];
	v16 =	vmul.f32 v34, v34;
	v11 =	vadd.f32 v17, v12;
	v12 =	vmul.f32 v29, v29  }
0x1e8: {  	v40 =	vadd.s32 v3, v49;
	v17 =	vadd.f32 v15, v18;
	v15 =	vld [tilespmem:s19+$0x0];
	v9 =	vadd.f32 v10, v9  }
0x1e9: {  	v37 =	vadd.s32 $0x64, v40;
	v10 =	vadd.f32 v20, v16;
	v12 =	vadd.f32 v12, v52;
	v16 =	vld [tilespmem:s6+$0x0]  }
0x1ea: {  	v18 =	vmul.f32 v43, v43;
	v62 =	vadd.f32 v17, v11;
	v11 =	vmul.f32 v45, v45;
	v17 =	vld [tilespmem:s13+$0x0]  }
0x1eb: {  	v31 =	vadd.s32 $0xC8, v40;
	v22 =	vadd.s32 $0x12C, v40;
	v20 =	vld [tilespmem:s8+$0x0];
	v56 =	vadd.f32 v12, v10  }
0x1ec: {  	[tilespmem:s31+$0x10] =	vst v9;
	v9 =	vmul.f32 v39, v39;
	v11 =	vadd.f32 v11, v18;
	v12 =	vmul.f32 v41, v41;
	v18 =	vld [tilespmem:s7+$0x0]  }
0x1ed: {  	s25 =	rddreg [dreg:$0x9];
	v48 =	vadd.s32 $0x64, v46;
	v59 =	vmul.f32 v19, v19;
	v10 =	vld [tilespmem:s11+$0x0];
	v25 =	vmul.f32 v15, v15  }
0x1ee: {  	v54 =	vadd.s32 $0xC8, v46;
	v57 =	vadd.s32 $0x12C, v46;
	s13 =	simm.s32 $0x6400;
	v63 =	vadd.f32 v12, v9;
	v9 =	vld [tilespmem:s25+$0x0]  }
0x1ef: {  	[dreg:$0x7] =	wrdreg s28;
	v53 =	vadd.s32 $0x64, v47;
	v55 =	vadd.s32 $0xC8, v47;
	v40 =	vld.idx.msk [tilespmem:v40+s13+$0x0], $0xffff;
	v25 =	vadd.f32 v25, v59  }
0x1f0: {  	s26 =	rddreg [dreg:$0x7];
	v27 =	vadd.f32 v61, v27;
	v46 =	vld.idx.msk [tilespmem:v46+s13+$0x0], $0xffff;
	v26 =	vmul.f32 v16, v16;
	v59 =	vmul.f32 v17, v17  }
0x1f1: {  	v12 =	vld [tilespmem:s26+$0x0];
	v60 =	vmul.f32 v18, v18;
	v25 =	vadd.f32 v25, v62;
	v62 =	vmul.f32 v20, v20  }
0x1f2: {  	s5 =	sor.u32 s5, s0;
	v58 =	vadd.s32 $0x12C, v47;
	v47 =	vld.idx.msk [tilespmem:v47+s13+$0x0], $0xffff;
	v42 =	vadd.f32 v63, v11;
	v26 =	vadd.f32 v59, v26  }
0x1f3: {  	v11 =	vld [tilespmem:s5+$0x0];
	v63 =	vmul.f32 v10, v10;
	v59 =	vmul.f32 v9, v9;
	v38 =	vadd.f32 v62, v60  }
0x1f4: {  	v33 =	vadd.f32 v50, v33;
	v36 =	vadd.f32 v44, v36;
	v5 =	vmovc v27;
	v27 =	vshll.u32 v40, $0x10  }
0x1f5: {  	v40 =	vand.u32 $0xFFFF0000, v40;
	v13 =	vadd.f32 v59, v63;
	v50 =	vadd.f32 v38, v42;
	v38 =	vld.idx.msk [tilespmem:v37+s13+$0x0], $0xffff;
	[tilespmem:s12+$0xFFFFFFE0] =	vst v6  }
0x1f6: {  	v26 =	vadd.f32 v26, v56;
	v60 =	vmul.f32 v12, v12;
	v56 =	vand.u32 $0xFFFF0000, v46;
	v49 =	vld.idx.msk [tilespmem:v31+s13+$0x0], $0xffff  }
0x1f7: {  	v62 =	vmul.f32 v8, v8;
	v35 =	vmul.f32 v56, v35;
	v25 =	vadd.f32 v13, v25;
	v13 =	vld.idx.msk [tilespmem:v48+s13+$0x0], $0xffff  }
0x1f8: {  	v61 =	vmul.f32 v11, v11;
	v63 =	vmul.f32 v7, v7;
	v59 =	vshll.u32 v47, $0x10;
	v48 =	vld.idx.msk [tilespmem:v53+s13+$0x0], $0xffff  }
0x1f9: {  	v4 =	vmovc v33;
	v31 =	vshll.u32 v46, $0x10;
	v33 =	vmul.f32 v59, v43;
	[tilespmem:s12+$0xFFFFFFF0] =	vst v14;
	v14 =	vmul.f32 v27, v32;
	v27 =	vld [tilespmem:s30+$0xFFFFFFE0]  }
0x1fa: {  	[tilespmem:s12+$0x0] =	vst v21;
	v21 =	vmul.f32 v40, v30;
	v34 =	vmul.f32 v31, v34;
	v31 =	vld.idx.msk [tilespmem:v22+s13+$0x0], $0xffff  }
0x1fb: {  	v6 =	vmovc v36;
	v44 =	vadd.f32 v61, v60;
	v51 =	vadd.f32 v63, v62;
	v60 =	vand.u32 $0xFFFF0000, v47;
	v37 =	vld.idx.msk [tilespmem:v54+s13+$0x0], $0xffff  }
0x1fc: {  	s2 =	sadd.s32 $0x4, s2;
	v40 =	vld.idx.msk [tilespmem:v55+s13+$0x0], $0xffff;
	v36 =	vmul.f32 v60, v45;
	v42 =	vadd.f32 v21, v14;
	v43 =	vadd.f32 v35, v34  }
0x1fd: {  	p1 =	slt.u32 s2, $0x7C;
	v30 =	vld [tilespmem:s30+$0xFFFFFFF0];
	v26 =	vadd.f32 v44, v26;
	v61 =	vshll.u32 v38, $0x10;
	v38 =	vand.u32 $0xFFFF0000, v38  }
.Ltmp4:
0x1fe: {  	v32 =	vld [tilespmem:s30+$0x0];
	v36 =	vadd.f32 v36, v33;
	v34 =	vmul.f32 v61, v23;
	v35 =	vmul.f32 v38, v24;
	(pc) =	sbr.rel @p1 .LBB2_11-.Ltmp4, $4  }
0x1ff: {  	s28 =	rddreg [dreg:$0x4];
	v22 =	vld.idx.msk [tilespmem:v58+s13+$0x0], $0xffff;
	v24 =	vadd.f32 v51, v50;
	v44 =	vshll.u32 v49, $0x10;
	v62 =	vshll.u32 v13, $0x10  }
0x200: {  	s14 =	smov.u32 s28;
	v23 =	vld.idx.msk [tilespmem:v57+s13+$0x0], $0xffff;
	v13 =	vand.u32 $0xFFFF0000, v13;
	v63 =	vshll.u32 v48, $0x10;
	v28 =	vmul.f32 v62, v28  }
0x201: {  	v14 =	vand.u32 $0xFFFF0000, v48;
	v29 =	vmul.f32 v13, v29;
	v33 =	vmul.f32 v63, v39;
	v13 =	vld [tilespmem:s14+$0xFFFFFFE0]  }
0x202: {  	s15 =	sadd.s32 $0x40, s15;
	s0 =	smov.u32 s31;
	v38 =	vmul.f32 v14, v41;
	v41 =	vand.u32 $0xFFFF0000, v49;
	v39 =	vshll.u32 v37, $0x10;
	v14 =	vld [tilespmem:s14+$0xFFFFFFF0]  }
0x203: {  	v3 =	vand.u32 $0xFFFF0000, v37;
	v21 =	vshll.u32 v40, $0x10;
	v61 =	vand.u32 $0xFFFF0000, v40  }
0x204: {  	v62 =	vadd.f32 $0.0e+00, v42;
	v19 =	vmul.f32 v44, v19;
	v63 =	vadd.f32 $0.0e+00, v43  }
0x205: {  	v34 =	vadd.f32 v35, v34;
	v15 =	vmul.f32 v41, v15;
	v45 =	vadd.f32 $0.0e+00, v36  }
0x206: {  	v28 =	vadd.f32 v29, v28;
	v16 =	vmul.f32 v39, v16;
	v25 =	vadd.f32 v25, v27  }
0x207: {  	v47 =	vadd.f32 v26, v30;
	v48 =	vadd.f32 v24, v32;
	v49 =	vshll.u32 v31, $0x10  }
0x208: {  	v50 =	vand.u32 $0xFFFF0000, v31;
	v46 =	vadd.f32 v38, v33;
	v3 =	vmul.f32 v3, v17  }
0x209: {  	v18 =	vmul.f32 v21, v18;
	v20 =	vmul.f32 v61, v20;
	v54 =	vshll.u32 v22, $0x10  }
0x20a: {  	v55 =	vand.u32 $0xFFFF0000, v22;
	v10 =	vmul.f32 v49, v10;
	v9 =	vmul.f32 v50, v9  }
0x20b: {  	v51 =	vshll.u32 v23, $0x10;
	v52 =	vand.u32 $0xFFFF0000, v23;
	v53 =	vadd.f32 v34, v62  }
0x20c: {  	v28 =	vadd.f32 v28, v63;
	v15 =	vadd.f32 v15, v19;
	v8 =	vmul.f32 v54, v8  }
0x20d: {  	v7 =	vmul.f32 v55, v7;
	v29 =	vadd.f32 v46, v45;
	v3 =	vadd.f32 v3, v16  }
0x20e: {  	v57 =	vld [tilespmem:s14+$0x0];
	[tilespmem:s30+$0xFFFFFFE0] =	vst v25;
	v56 =	vadd.f32 v20, v18;
	v12 =	vmul.f32 v51, v12;
	v9 =	vadd.f32 v9, v10  }
0x20f: {  	[tilespmem:s30+$0xFFFFFFF0] =	vst v47;
	v11 =	vmul.f32 v52, v11;
	v58 =	vld [tilespmem:s0+$0xFFFFFFE0];
	v6 =	vadd.f32 v6, v13;
	v15 =	vadd.f32 v15, v53  }
0x210: {  	[tilespmem:s30+$0x0] =	vst v48;
	v59 =	vld [tilespmem:s0+$0xFFFFFFF0];
	v7 =	vadd.f32 v7, v8;
	v4 =	vadd.f32 v4, v14  }
0x211: {  	v60 =	vld [tilespmem:s0+$0x0];
	v3 =	vadd.f32 v3, v28;
	v11 =	vadd.f32 v11, v12  }
0x212: {  	v16 =	vadd.f32 v56, v29;
	v9 =	vadd.f32 v9, v15  }
0x213: {  	v5 =	vadd.f32 v5, v57;
	[tilespmem:s14+$0xFFFFFFE0] =	vst v6;
	v3 =	vadd.f32 v11, v3  }
.Ltmp5:
0x214: {  	[tilespmem:s14+$0xFFFFFFF0] =	vst v4;
	v61 =	vadd.f32 v7, v16;
	v62 =	vadd.f32 v9, v58;
	(pc) =	sbr.rel @p0 .LBB2_13-.Ltmp5, $4  }
0x215: {  	[tilespmem:s14+$0x0] =	vst v5;
	v3 =	vadd.f32 v3, v59  }
0x216: {  	v63 =	vadd.f32 v61, v60;
	[tilespmem:s0+$0xFFFFFFE0] =	vst v62  }
0x217: {  	[tilespmem:s0+$0xFFFFFFF0] =	vst v3  }
0x218: {  	[tilespmem:s0+$0x0] =	vst v63  }
0x219: {  	s0 =	rddreg [dreg:$0x10]  }
.Ltmp6:
0x21a: {  	s1 =	rddreg [dreg:$0x15];
	(pc) =	sbr.rel .LBB2_8-.Ltmp6, $4  }
0x21b: {  	s30 =	rddreg [dreg:$0x0];
	s31 =	simm.s32 $0x800;
	s0 =	sadd.s32 s1, s0  }
0x21c: {  	s2 =	simm.s32 $0x4000;
	s4 =	rddreg [dreg:$0x14];
	s0 =	sshrl.u32 s0, $0x3  }
0x21d: {  	s3 =	simm.s32 $0xE680;
	s4 =	sadd.s32 $0x1, s4;
	s0 =	sadd.s32 s30, s0  }
0x21e: {  	[tilespmem:s3], [sflag:$0x1] =	stream.strided.gather [hbm4b:s0+s31], $0x4000, s2, s31, $0x38;
	[tilespmem:$0x13780] =	vst v63  }
.LBB2_13:
0x21f: {  	s1 =	simm.s32 $0x0  }
0x220: {  	v4 =	vld [tilespmem:s1+$0x12680];
	_ =	sdelay $0x4  }
0x221: {  	v5 =	vshra.s32 v4, $0x1;
	v6 =	vmul.f32 $5.000000000e-01, v4  }
0x222: {  	v5 =	vsub.s32 $0x5F3759DF, v5  }
0x223: {  	v8 =	vld [tilespmem:s1+$0x12690];
	v7 =	vmul.f32 v5, v6;
	_ =	sdelay $0x1  }
0x224: {  	v7 =	vmul.f32 v5, v7;
	_ =	sdelay $0x1  }
0x225: {  	v7 =	vsub.f32 $1.500000000e+00, v7  }
0x226: {  	v9 =	vshra.s32 v8, $0x1;
	v10 =	vmul.f32 $5.000000000e-01, v8  }
0x227: {  	v5 =	vmul.f32 v5, v7;
	v7 =	vsub.s32 $0x5F3759DF, v9  }
0x228: {  	v9 =	vmul.f32 v7, v10  }
0x229: {  	v11 =	vmul.f32 v5, v6  }
0x22a: {  	v9 =	vmul.f32 v7, v9  }
0x22b: {  	v11 =	vmul.f32 v11, v5  }
0x22c: {  	v9 =	vsub.f32 $1.500000000e+00, v9  }
0x22d: {  	v11 =	vsub.f32 $1.500000000e+00, v11  }
0x22e: {  	v7 =	vmul.f32 v7, v9  }
0x22f: {  	v5 =	vmul.f32 v11, v5  }
0x230: {  	v9 =	vmul.f32 v7, v10  }
0x231: {  	v6 =	vmul.f32 v5, v6  }
0x232: {  	v9 =	vmul.f32 v9, v7  }
0x233: {  	v6 =	vmul.f32 v6, v5  }
0x234: {  	v9 =	vsub.f32 $1.500000000e+00, v9  }
0x235: {  	v6 =	vsub.f32 $1.500000000e+00, v6  }
0x236: {  	v7 =	vmul.f32 v9, v7  }
0x237: {  	v5 =	vmul.f32 v6, v5  }
0x238: {  	v6 =	vmul.f32 v7, v10  }
0x239: {  	v4 =	vmul.f32 v5, v4  }
0x23a: {  	v5 =	vmul.f32 v6, v7  }
0x23b: {  	v4 =	vmax.f32 v4, $1.000000000e-15  }
0x23c: {  	v6 =	vadd.f32 v4, v4;
	v5 =	vsub.f32 $1.500000000e+00, v5;
	_ =	sdelay $0x1  }
0x23d: {  	v6 =	vmul.f32 $1.442695020e+00, v6;
	v5 =	vmul.f32 v5, v7;
	_ =	sdelay $0x1  }
0x23e: {  	(erf) = vpow2.f32 v6;
	v5 =	vmul.f32 v5, v8;
	_ =	sdelay $0x1  }
0x23f: {  	v5 =	vmax.f32 v5, $1.000000000e-15  }
0x240: {  	v6 =	vadd.f32 v5, v5;
	_ =	sdelay $0x1  }
0x241: {  	v6 =	vmul.f32 $1.442695020e+00, v6;
	_ =	sdelay $0x1  }
0x242: {  	(erf) = vpow2.f32 v6;
	_ =	sdelay $0x1  }
0x243: {  	v6 =	vpop (erf)  }
0x244: {  	v6 =	vadd.f32 $1.000000000e+00, v6;
	_ =	sdelay $0x1  }
0x245: {  	s0 =	simm.s32 $0x20;
	(erf) = vrcp.f32 v6  }
0x246: {  	v6 =	vld [tilespmem:s0+$0x12680];
	_ =	sdelay $0x2  }
0x247: {  	(erf) = vrcp.f32 v4;
	v4 =	vld [tilespmem:s0+$0x12690];
	v7 =	vpop (erf)  }
0x248: {  	v7 =	vadd.f32 $1.000000000e+00, v7  }
0x249: {  	v8 =	vshra.s32 v6, $0x1;
	v9 =	vmul.f32 $5.000000000e-01, v6  }
0x24a: {  	v8 =	vsub.s32 $0x5F3759DF, v8;
	(erf) = vrcp.f32 v7  }
0x24b: {  	v10 =	vmul.f32 v8, v9  }
0x24c: {  	v13 =	vshra.s32 v4, $0x1;
	v14 =	vmul.f32 $5.000000000e-01, v4;
	v7 =	vpop (erf)  }
0x24d: {  	v13 =	vsub.s32 $0x5F3759DF, v13;
	v10 =	vmul.f32 v8, v10;
	v7 =	vadd.f32 v7, v7  }
0x24e: {  	v11 =	vld [tilespmem:s1+$0x9E00];
	v17 =	vmul.f32 v13, v14  }
0x24f: {  	v10 =	vsub.f32 $1.500000000e+00, v10;
	v7 =	vsub.f32 $1.000000000e+00, v7  }
0x250: {  	v17 =	vmul.f32 v13, v17  }
0x251: {  	v8 =	vmul.f32 v8, v10;
	v12 =	vmul.f32 v7, v7  }
0x252: {  	(erf) = vrcp.f32 v5;
	v15 =	vpop (erf)  }
0x253: {  	v17 =	vsub.f32 $1.500000000e+00, v17;
	v10 =	vld [tilespmem:s1+$0x12E80];
	v19 =	vmul.f32 v8, v9;
	v16 =	vsub.f32 $1.000000000e+00, v12;
	v5 =	vpop (erf)  }
0x254: {  	v7 =	vmul.f32 v7, v15;
	v5 =	vadd.f32 v5, v5  }
0x255: {  	s5 =	simm.s32 $0xA600;
	v18 =	vld [tilespmem:s1+$0x9E10];
	v13 =	vmul.f32 v13, v17;
	v15 =	vmul.f32 v19, v8;
	v16 =	vmax.f32 v16, $9.999999740e-06  }
0x256: {  	v11 =	vld.idx.msk [tilespmem:v11+s5+$0x0], $0xffff;
	(erf) = vrcp.f32 v16;
	v5 =	vsub.f32 $1.000000000e+00, v5  }
0x257: {  	v21 =	vmul.f32 v13, v14;
	v19 =	vand.u32 $0x7FFFFF, v16;
	v15 =	vsub.f32 $1.500000000e+00, v15  }
0x258: {  	v7 =	vmul.f32 v7, v10;
	v10 =	vor.u32 $0x3F800000, v19;
	v20 =	vmul.f32 v5, v5  }
0x259: {  	v17 =	vadd.f32 $1.000000000e+00, v10;
	v8 =	vmul.f32 v15, v8  }
0x25a: {  	v15 =	vmul.f32 v21, v13;
	v19 =	vsub.f32 $1.000000000e+00, v20  }
0x25b: {  	v11 =	vadd.f32 v12, v11;
	(erf) = vrcp.f32 v17;
	v9 =	vmul.f32 v8, v9  }
0x25c: {  	v22 =	vld [tilespmem:s1+$0x12E90];
	v7 =	vadd.f32 v7, v7;
	v15 =	vsub.f32 $1.500000000e+00, v15;
	v12 =	vmax.f32 v19, $9.999999740e-06  }
0x25d: {  	v17 =	vpop (erf);
	v9 =	vmul.f32 v9, v8;
	(erf) = vrcp.f32 v12  }
0x25e: {  	v7 =	vsub.f32 v11, v7;
	v13 =	vmul.f32 v15, v13;
	v5 =	vmul.f32 v5, v17;
	v17 =	vld.idx.msk [tilespmem:v18+s5+$0x0], $0xffff  }
0x25f: {  	s4 =	simm.s32 $0x0;
	v9 =	vsub.f32 $1.500000000e+00, v9;
	v11 =	vpop (erf)  }
0x260: {  	s22 =	sand.u32 $0x1E00, s4;
	v14 =	vmul.f32 v13, v14;
	v7 =	vmul.f32 v11, v7;
	v11 =	vand.u32 $0x7FFFFF, v12  }
0x261: {  	s3 =	simm.s32 $0x0;
	s1 =	sshrl.u32 s22, $0x2;
	v5 =	vmul.f32 v5, v22;
	v8 =	vmul.f32 v9, v8;
	v11 =	vor.u32 $0x3F800000, v11  }
0x262: {  	s3 =	sand.u32 $0x60, s3;
	s1 =	sadd.s32 $0x9600, s1;
	v9 =	vadd.f32 $-1.000000000e+00, v10;
	v14 =	vmul.f32 v14, v13;
	v15 =	vadd.f32 $1.000000000e+00, v11  }
0x263: {  	s3 =	sor.u32 s3, s1;
	v5 =	vadd.f32 v5, v5;
	v7 =	vmax.f32 v7, $9.999999740e-06;
	v17 =	vadd.f32 v20, v17  }
0x264: {  	v19 =	vld [tilespmem:s3+$0x0];
	v6 =	vmul.f32 v8, v6;
	v18 =	vand.u32 $0x7FFFFF, v7;
	v10 =	vpop (erf);
	(erf) = vrcp.f32 v15  }
0x265: {  	s2 =	simm.s32 $0x10;
	v15 =	vor.u32 $0x3F800000, v18;
	v5 =	vsub.f32 v17, v5;
	v10 =	vmul.f32 v10, v9  }
0x266: {  	s2 =	sand.u32 $0x70, s2;
	v14 =	vsub.f32 $1.500000000e+00, v14;
	v6 =	vmax.f32 v6, $1.000000000e-15;
	v8 =	vadd.f32 $1.000000000e+00, v15;
	v9 =	vpop (erf)  }
0x267: {  	s1 =	sor.u32 s2, s1;
	v17 =	vmul.f32 v10, v10;
	v5 =	vmul.f32 v9, v5;
	v9 =	vadd.f32 v6, v6  }
0x268: {  	(erf) = vrcp.f32 v8;
	v8 =	vmul.f32 v14, v13;
	v13 =	vld [tilespmem:s1+$0x0]  }
0x269: {  	vm0 =	vne.s32 v19, $0xFF;
	vm1 =	vne.s32 v19, $0xFFFFFFFF;
	v9 =	vmul.f32 $1.442695020e+00, v9  }
0x26a: {  	v11 =	vadd.f32 $-1.000000000e+00, v11;
	v18 =	vmul.f32 $2.222222240e-01, v17;
	v5 =	vmax.f32 v5, $9.999999740e-06  }
0x26b: {  	vm0 =	vmand vm0, vm1;
	v4 =	vmul.f32 v8, v4;
	v14 =	vand.u32 $0x7FFFFF, v5  }
0x26c: {  	v18 =	vadd.f32 $2.857142980e-01, v18;
	v8 =	vor.u32 $0x3F800000, v14;
	(erf) = vpow2.f32 v9  }
0x26d: {  	v4 =	vmax.f32 v4, $1.000000000e-15;
	vm1 =	vne.s32 v13, $0xFF;
	vm2 =	vne.s32 v13, $0xFFFFFFFF;
	v9 =	vpop (erf)  }
0x26e: {  	v13 =	vmul.f32 v18, v17;
	v9 =	vmul.f32 v9, v11;
	v11 =	vadd.f32 v4, v4  }
0x26f: {  	v14 =	vadd.f32 $1.000000000e+00, v8  }
0x270: {  	v13 =	vadd.f32 $4.000000060e-01, v13;
	v11 =	vmul.f32 $1.442695020e+00, v11  }
0x271: {  	v3 =	vimm.f32 $0.0e+00;
	(erf) = vrcp.f32 v14;
	v14 =	vmul.f32 v9, v9  }
0x272: {  	v15 =	vadd.f32 $-1.000000000e+00, v15;
	v19 =	vpop (erf);
	(erf) = vpow2.f32 v11;
	v11 =	vmul.f32 v13, v17  }
0x273: {  	v16 =	vshra.s32 v16, $0x17;
	v7 =	vshra.s32 v7, $0x17;
	v18 =	vmul.f32 $2.222222240e-01, v14  }
0x274: {  	v7 =	vadd.s32 $0xFFFFFF81, v7;
	v13 =	vmul.f32 v19, v15;
	v11 =	vadd.f32 $6.666666860e-01, v11  }
0x275: {  	v15 =	vadd.s32 $0xFFFFFF81, v16;
	v16 =	vcvt.s32.f32 v7;
	v7 =	vadd.f32 $2.857142980e-01, v18  }
0x276: {  	s23 =	simm.s32 $0x80;
	vm4 =	vmmov vm0;
	v18 =	vmul.f32 v13, v13;
	v11 =	vmul.f32 v11, v17  }
0x277: {  	v12 =	vshra.s32 v12, $0x17;
	v26 =	vsel vm4, $0x3F800000, v2;
	s1 =	sand.u32 $0x1E00, s23;
	v7 =	vmul.f32 v7, v14  }
0x278: {  	s24 =	simm.s32 $0x20;
	s25 =	simm.s32 $0x30;
	v29 =	vadd.f32 v26, v3;
	s1 =	sshrl.u32 s1, $0x2;
	v19 =	vpop (erf);
	v17 =	vmul.f32 $2.222222240e-01, v18;
	v11 =	vadd.f32 $2.000000000e+00, v11  }
0x279: {  	s26 =	sand.u32 $0x70, s25;
	s2 =	sand.u32 $0x60, s24;
	s1 =	sadd.s32 $0x9600, s1;
	v5 =	vshra.s32 v5, $0x17;
	v19 =	vadd.f32 $1.000000000e+00, v19;
	v7 =	vadd.f32 $4.000000060e-01, v7  }
0x27a: {  	s2 =	sor.u32 s2, s1;
	s1 =	sor.u32 s26, s1;
	v15 =	vcvt.s32.f32 v15;
	v16 =	vmul.f32 $6.931471820e-01, v16;
	v17 =	vadd.f32 $2.857142980e-01, v17  }
0x27b: {  	v22 =	vld [tilespmem:s1+$0x0];
	v8 =	vadd.f32 $-1.000000000e+00, v8;
	v20 =	vpop (erf);
	(erf) = vrcp.f32 v19;
	v19 =	vmul.f32 v7, v14  }
0x27c: {  	v5 =	vadd.s32 $0xFFFFFF81, v5;
	v10 =	vmul.f32 v11, v10;
	v17 =	vmul.f32 v17, v18;
	v11 =	vpop (erf)  }
0x27d: {  	v15 =	vmul.f32 $6.931471820e-01, v15;
	v8 =	vmul.f32 v20, v8;
	v20 =	vld [tilespmem:s2+$0x0];
	v11 =	vadd.f32 $1.000000000e+00, v11  }
0x27e: {  	(erf) = vrcp.f32 v6;
	v19 =	vadd.f32 $6.666666860e-01, v19;
	v17 =	vadd.f32 $4.000000060e-01, v17  }
0x27f: {  	vm2 =	vmand vm1, vm2;
	v7 =	vmul.f32 v8, v8;
	(erf) = vrcp.f32 v11  }
0x280: {  	s24 =	simm.s32 $0x40;
	vm0 =	vne.s32 v22, $0xFF;
	v11 =	vmul.f32 v19, v14;
	v14 =	vmul.f32 v17, v18  }
0x281: {  	v21 =	vmul.f32 $2.222222240e-01, v7;
	v6 =	vadd.s32 $0xFFFFFF81, v12;
	v10 =	vadd.f32 v10, v15;
	v17 =	vld [tilespmem:s24+$0x12680]  }
0x282: {  	v15 =	vcvt.s32.f32 v5;
	vm1 =	vne.s32 v20, $0xFF;
	vm3 =	vne.s32 v20, $0xFFFFFFFF  }
0x283: {  	v6 =	vcvt.s32.f32 v6;
	v12 =	vadd.f32 $2.857142980e-01, v21;
	v19 =	vld [tilespmem:s24+$0x12690];
	v5 =	vadd.f32 $6.666666860e-01, v14  }
0x284: {  	vm1 =	vmand vm1, vm3;
	vm3 =	vne.s32 v22, $0xFFFFFFFF;
	v10 =	vmul.f32 $1.000000010e-01, v10;
	v14 =	vpop (erf)  }
0x285: {  	v12 =	vmul.f32 v12, v7;
	v18 =	vmul.f32 v5, v18;
	v14 =	vadd.f32 v14, v14  }
0x286: {  	v20 =	vld [tilespmem:s0+$0x9E00];
	(erf) = vrcp.f32 v4;
	v4 =	vshra.s32 v17, $0x1;
	v21 =	vmul.f32 $5.000000000e-01, v17  }
0x287: {  	v23 =	vsub.s32 $0x5F3759DF, v4;
	v18 =	vadd.f32 $2.000000000e+00, v18;
	v14 =	vsub.f32 $1.000000000e+00, v14  }
0x288: {  	v25 =	vld [tilespmem:s0+$0x12E80];
	v11 =	vadd.f32 $2.000000000e+00, v11;
	v27 =	vmul.f32 $5.000000000e-01, v19;
	v22 =	vpop (erf);
	v4 =	vmul.f32 v23, v21  }
0x289: {  	v12 =	vadd.f32 $4.000000060e-01, v12;
	v13 =	vmul.f32 v18, v13;
	v22 =	vmul.f32 v14, v22  }
0x28a: {  	v24 =	vmul.f32 v14, v14;
	v14 =	vshra.s32 v19, $0x1;
	v30 =	vmul.f32 v23, v4  }
0x28b: {  	v31 =	vsub.s32 $0x5F3759DF, v14;
	v14 =	vmul.f32 $6.931471820e-01, v6;
	v13 =	vadd.f32 v13, v16  }
0x28c: {  	v6 =	vpop (erf);
	v28 =	vsub.f32 $1.000000000e+00, v24;
	v32 =	vmul.f32 v31, v27;
	v50 =	vsub.f32 $1.500000000e+00, v30  }
0x28d: {  	v6 =	vadd.f32 v6, v6;
	v22 =	vmul.f32 v22, v25;
	v10 =	vsub.f32 v13, v10  }
0x28e: {  	v20 =	vld.idx.msk [tilespmem:v20+s5+$0x0], $0xffff;
	v28 =	vmax.f32 v28, $9.999999740e-06;
	v51 =	vmul.f32 v31, v32;
	v23 =	vmul.f32 v23, v50  }
0x28f: {  	v6 =	vsub.f32 $1.000000000e+00, v6;
	v18 =	vadd.f32 v22, v22;
	(erf) = vrcp.f32 v28  }
0x290: {  	v52 =	vld [tilespmem:s0+$0x9E10];
	v25 =	vshra.s32 v28, $0x17;
	v28 =	vand.u32 $0x7FFFFF, v28;
	v53 =	vmul.f32 v23, v21  }
0x291: {  	v10 =	vmul.f32 v26, v10;
	v28 =	vor.u32 $0x3F800000, v28;
	v30 =	vsub.f32 $1.500000000e+00, v51  }
0x292: {  	v34 =	vmul.f32 v6, v6;
	v22 =	vadd.f32 $1.000000000e+00, v28;
	v32 =	vmul.f32 v53, v23  }
0x293: {  	v33 =	vld [tilespmem:s0+$0x12E90];
	v20 =	vadd.f32 v24, v20;
	v26 =	vmul.f32 $6.931471820e-01, v15;
	v16 =	vmul.f32 v31, v30  }
0x294: {  	v35 =	vpop (erf);
	v24 =	vsub.f32 $1.000000000e+00, v34;
	(erf) = vrcp.f32 v22;
	v54 =	vsub.f32 $1.500000000e+00, v32  }
0x295: {  	v5 =	vsel vm2, $0x3F800000, v2;
	v6 =	vmul.f32 v6, v35;
	v13 =	vmul.f32 v16, v27  }
0x296: {  	v18 =	vsub.f32 v20, v18;
	v20 =	vmax.f32 v24, $9.999999740e-06;
	v22 =	vmul.f32 v54, v23  }
0x297: {  	v4 =	vadd.f32 v5, v29;
	(erf) = vrcp.f32 v20;
	v13 =	vmul.f32 v13, v16  }
0x298: {  	v29 =	vld.idx.msk [tilespmem:v52+s5+$0x0], $0xffff;
	v6 =	vmul.f32 v6, v33;
	v23 =	vand.u32 $0x7FFFFF, v20;
	v24 =	vpop (erf);
	v21 =	vmul.f32 v22, v21  }
0x299: {  	v23 =	vor.u32 $0x3F800000, v23;
	v13 =	vsub.f32 $1.500000000e+00, v13;
	v18 =	vmul.f32 v24, v18  }
0x29a: {  	v6 =	vadd.f32 v6, v6;
	v24 =	vadd.f32 $1.000000000e+00, v23;
	v15 =	vmul.f32 v21, v22  }
0x29b: {  	v13 =	vmul.f32 v13, v16;
	v21 =	vadd.f32 $-1.000000000e+00, v28;
	v18 =	vmax.f32 v18, $9.999999740e-06  }
0x29c: {  	(erf) = vrcp.f32 v24;
	v16 =	vshra.s32 v18, $0x17;
	v15 =	vsub.f32 $1.500000000e+00, v15  }
0x29d: {  	v18 =	vand.u32 $0x7FFFFF, v18;
	v24 =	vmul.f32 v13, v27;
	v27 =	vadd.f32 v34, v29;
	v55 =	vpop (erf)  }
0x29e: {  	v18 =	vor.u32 $0x3F800000, v18;
	v21 =	vmul.f32 v55, v21;
	v15 =	vmul.f32 v15, v22  }
0x29f: {  	v22 =	vadd.f32 $1.000000000e+00, v18;
	v24 =	vmul.f32 v24, v13;
	v6 =	vsub.f32 v27, v6  }
0x2a0: {  	v56 =	vadd.s32 $0xFFFFFF81, v16;
	v16 =	vpop (erf);
	v15 =	vmul.f32 v15, v17;
	v17 =	vmul.f32 v21, v21  }
0x2a1: {  	v24 =	vsub.f32 $1.500000000e+00, v24;
	v6 =	vmul.f32 v16, v6;
	(erf) = vrcp.f32 v22  }
0x2a2: {  	v16 =	vadd.f32 $-1.000000000e+00, v23;
	v22 =	vmax.f32 v15, $1.000000000e-15;
	v15 =	vmul.f32 $2.222222240e-01, v17  }
0x2a3: {  	v13 =	vmul.f32 v24, v13;
	v24 =	vmax.f32 v6, $9.999999740e-06;
	v23 =	vadd.f32 v22, v22  }
0x2a4: {  	v12 =	vmul.f32 v12, v7;
	v27 =	vand.u32 $0x7FFFFF, v24;
	v15 =	vadd.f32 $2.857142980e-01, v15  }
0x2a5: {  	v6 =	vpop (erf);
	v13 =	vmul.f32 v13, v19;
	v27 =	vor.u32 $0x3F800000, v27;
	v23 =	vmul.f32 $1.442695020e+00, v23  }
0x2a6: {  	v12 =	vadd.f32 $6.666666860e-01, v12;
	v6 =	vmul.f32 v6, v16;
	v19 =	vadd.f32 $1.000000000e+00, v27  }
0x2a7: {  	v15 =	vmul.f32 v15, v17;
	v16 =	vmax.f32 v13, $1.000000000e-15;
	(erf) = vpow2.f32 v23  }
0x2a8: {  	v57 =	vmul.f32 v6, v6;
	v13 =	vadd.f32 v16, v16;
	(erf) = vrcp.f32 v19  }
0x2a9: {  	vm0 =	vmand vm0, vm3;
	v9 =	vmul.f32 v11, v9;
	v7 =	vmul.f32 v12, v7  }
0x2aa: {  	v23 =	vadd.f32 $4.000000060e-01, v15;
	v19 =	vmul.f32 $2.222222240e-01, v57;
	v13 =	vmul.f32 $1.442695020e+00, v13  }
0x2ab: {  	v61 =	vadd.f32 $2.000000000e+00, v7;
	v25 =	vadd.s32 $0xFFFFFF81, v25;
	v18 =	vadd.f32 $-1.000000000e+00, v18  }
0x2ac: {  	v59 =	vpop (erf);
	v23 =	vmul.f32 v23, v17;
	v58 =	vadd.f32 $2.857142980e-01, v19;
	(erf) = vpow2.f32 v13  }
0x2ad: {  	v25 =	vcvt.s32.f32 v25;
	v24 =	vshra.s32 v24, $0x17;
	v13 =	vmul.f32 v59, v18  }
0x2ae: {  	s28 =	simm.s32 $0x100;
	v19 =	vadd.s32 $0xFFFFFF81, v24;
	v23 =	vadd.f32 $6.666666860e-01, v23;
	v24 =	vmul.f32 v58, v57  }
0x2af: {  	s0 =	sand.u32 $0x1E00, s28;
	v25 =	vmul.f32 $6.931471820e-01, v25;
	v20 =	vshra.s32 v20, $0x17;
	v18 =	vmul.f32 v13, v13  }
0x2b0: {  	s29 =	simm.s32 $0x40;
	s0 =	sshrl.u32 s0, $0x2;
	v17 =	vmul.f32 v23, v17;
	v23 =	vadd.f32 $-1.000000000e+00, v27;
	v24 =	vadd.f32 $4.000000060e-01, v24;
	v12 =	vpop (erf)  }
0x2b1: {  	s1 =	sand.u32 $0x60, s29;
	s30 =	sadd.s32 $0x9600, s0;
	v20 =	vadd.s32 $0xFFFFFF81, v20;
	v27 =	vmul.f32 $2.222222240e-01, v18;
	v12 =	vadd.f32 $1.000000000e+00, v12;
	v60 =	vpop (erf)  }
0x2b2: {  	s0 =	sor.u32 s1, s30;
	v17 =	vadd.f32 $2.000000000e+00, v17;
	v24 =	vmul.f32 v24, v57;
	v7 =	vmul.f32 v60, v23  }
0x2b3: {  	v23 =	vld [tilespmem:s0+$0x0];
	(erf) = vrcp.f32 v12;
	v12 =	vadd.f32 $2.857142980e-01, v27;
	v27 =	vmul.f32 v61, v8  }
0x2b4: {  	v15 =	vcvt.s32.f32 v56;
	v17 =	vmul.f32 v17, v21;
	v62 =	vadd.f32 $6.666666860e-01, v24  }
0x2b5: {  	s0 =	simm.s32 $0x50;
	v8 =	vmul.f32 v7, v7;
	v21 =	vpop (erf);
	v63 =	vmul.f32 v12, v18;
	v24 =	vadd.f32 v27, v26  }
0x2b6: {  	s31 =	sand.u32 $0x70, s0;
	(erf) = vrcp.f32 v22;
	v26 =	vadd.f32 $1.000000000e+00, v21;
	v21 =	vadd.f32 v17, v25  }
0x2b7: {  	v11 =	vld [tilespmem:s24+$0x9E10];
	s1 =	sor.u32 s31, s30;
	v27 =	vadd.f32 v9, v14;
	v17 =	vmul.f32 $2.222222240e-01, v8;
	v25 =	vadd.f32 $4.000000060e-01, v63  }
0x2b8: {  	v9 =	vmul.f32 v62, v57;
	v22 =	vld [tilespmem:s1+$0x0];
	(erf) = vrcp.f32 v26;
	vm2 =	vne.s32 v23, $0xFF  }
0x2b9: {  	s15 =	simm.s32 $0x180;
	s9 =	simm.s32 $0x0;
	s2 =	simm.s32 $0x4;
	v12 =	vld [tilespmem:s24+$0x9E00];
	v14 =	vadd.f32 $2.857142980e-01, v17;
	v17 =	vmul.f32 v25, v18;
	v25 =	vmul.f32 $1.000000010e-01, v27  }
.LBB2_14:
0x2ba: {  	vm4 =	vne.s32 v23, $0xFFFFFFFF  }
0x2bb: {  	s1 =	sshra.s32 s15, $0x2;
	s3 =	sand.u32 $0x1E00, s15;
	s0 =	sadd.s32 $0x20, s0;
	v23 =	vcvt.s32.f32 v19;
	v26 =	vcvt.s32.f32 v20;
	vm3 =	vmmov vm1  }
0x2bc: {  	s2 =	sadd.s32 $0x2, s2;
	s4 =	sadd.s32 $0xFFFFFFF0, s0;
	v20 =	vld [tilespmem:s1+$0x12680];
	s3 =	sshrl.u32 s3, $0x2;
	vm1 =	vmand vm2, vm4;
	v17 =	vadd.f32 $6.666666860e-01, v17;
	v24 =	vsub.f32 v24, v25  }
0x2bd: {  	v3 =	vadd.f32 v10, v3;
	p0 =	slt.u32 s2, $0x7E;
	s4 =	sand.u32 $0x60, s4;
	s25 =	sadd.s32 $0x9600, s3;
	v19 =	vld [tilespmem:s1+$0x12690];
	vm2 =	vne.s32 v22, $0xFF;
	vm4 =	vne.s32 v22, $0xFFFFFFFF;
	v22 =	vpop (erf)  }
0x2be: {  	s26 =	sor.u32 s4, s25;
	v10 =	vld [tilespmem:s1+$0x9E00];
	v22 =	vadd.f32 v22, v22;
	v18 =	vmul.f32 v17, v18;
	v27 =	vmul.f32 v5, v24  }
0x2bf: {  	v21 =	vmul.f32 $1.000000010e-01, v21;
	v5 =	vsel vm0, $0x3F800000, v2;
	vm0 =	vmand vm2, vm4;
	v24 =	vld [tilespmem:s1+$0x9E10]  }
0x2c0: {  	v22 =	vsub.f32 $1.000000000e+00, v22;
	(erf) = vrcp.f32 v16;
	v3 =	vadd.f32 v27, v3  }
0x2c1: {  	v15 =	vmul.f32 $6.931471820e-01, v15;
	v16 =	vshra.s32 v20, $0x1;
	v25 =	vmul.f32 $5.000000000e-01, v20;
	v17 =	vpop (erf)  }
0x2c2: {  	v16 =	vsub.s32 $0x5F3759DF, v16;
	v27 =	vmul.f32 v22, v17;
	v22 =	vmul.f32 v22, v22;
	v28 =	vpop (erf)  }
0x2c3: {  	v31 =	vsel vm3, $0x3F800000, v2;
	v29 =	vshra.s32 v19, $0x1;
	v17 =	vmul.f32 v16, v25;
	v30 =	vld [tilespmem:s24+$0x12E80]  }
0x2c4: {  	v4 =	vadd.f32 v31, v4;
	v32 =	vmul.f32 $5.000000000e-01, v19;
	v33 =	vsub.f32 $1.000000000e+00, v22  }
0x2c5: {  	v29 =	vsub.s32 $0x5F3759DF, v29;
	v34 =	vmul.f32 v16, v17;
	v17 =	vmul.f32 $6.931471820e-01, v26  }
0x2c6: {  	v4 =	vadd.f32 v5, v4;
	v26 =	vmul.f32 v29, v32;
	v33 =	vmax.f32 v33, $9.999999740e-06  }
0x2c7: {  	v28 =	vadd.f32 v28, v28;
	v34 =	vsub.f32 $1.500000000e+00, v34;
	v35 =	vld.idx.msk [tilespmem:v12+s5+$0x0], $0xffff;
	(erf) = vrcp.f32 v33;
	v12 =	vmovc v10  }
0x2c8: {  	v10 =	vmul.f32 v29, v26;
	v26 =	vmul.f32 v27, v30;
	v27 =	vshra.s32 v33, $0x17  }
0x2c9: {  	v18 =	vadd.f32 $2.000000000e+00, v18;
	v30 =	vand.u32 $0x7FFFFF, v33;
	v16 =	vmul.f32 v16, v34;
	v33 =	vpop (erf)  }
0x2ca: {  	v28 =	vsub.f32 $1.000000000e+00, v28;
	v27 =	vadd.s32 $0xFFFFFF81, v27;
	v30 =	vor.u32 $0x3F800000, v30  }
0x2cb: {  	v13 =	vmul.f32 v18, v13;
	v10 =	vsub.f32 $1.500000000e+00, v10;
	v34 =	vmul.f32 v16, v25  }
0x2cc: {  	v37 =	vmul.f32 v28, v28;
	v18 =	vadd.f32 v26, v26;
	v26 =	vadd.f32 $1.000000000e+00, v30;
	v36 =	vld [tilespmem:s24+$0x12E90];
	s24 =	smov.u32 s1  }
0x2cd: {  	v13 =	vadd.f32 v13, v15;
	v22 =	vadd.f32 v22, v35;
	v34 =	vmul.f32 v34, v16  }
0x2ce: {  	v15 =	vmul.f32 v29, v10;
	v10 =	vmul.f32 v28, v33;
	v28 =	vsub.f32 $1.000000000e+00, v37  }
0x2cf: {  	v13 =	vsub.f32 v13, v21;
	v29 =	vsub.f32 $1.500000000e+00, v34;
	(erf) = vrcp.f32 v26  }
0x2d0: {  	v21 =	vmul.f32 v15, v32;
	v18 =	vsub.f32 v22, v18;
	v22 =	vmax.f32 v28, $9.999999740e-06;
	v26 =	vpop (erf)  }
0x2d1: {  	v16 =	vmul.f32 v29, v16;
	v28 =	vmul.f32 v10, v36;
	v10 =	vand.u32 $0x7FFFFF, v22  }
0x2d2: {  	v21 =	vmul.f32 v21, v15;
	v29 =	vld.idx.msk [tilespmem:v11+s5+$0x0], $0xffff;
	v33 =	vor.u32 $0x3F800000, v10;
	(erf) = vrcp.f32 v22;
	v11 =	vmovc v24  }
0x2d3: {  	v18 =	vmul.f32 v26, v18;
	v24 =	vmul.f32 v16, v25;
	v25 =	vadd.f32 $1.000000000e+00, v33  }
0x2d4: {  	v21 =	vsub.f32 $1.500000000e+00, v21;
	v26 =	vmul.f32 $6.931471820e-01, v23;
	v10 =	vmul.f32 v31, v13  }
0x2d5: {  	v18 =	vmax.f32 v18, $9.999999740e-06;
	v13 =	vmul.f32 v24, v16;
	(erf) = vrcp.f32 v25  }
0x2d6: {  	v15 =	vmul.f32 v21, v15;
	v21 =	vshra.s32 v18, $0x17;
	v18 =	vand.u32 $0x7FFFFF, v18  }
0x2d7: {  	v23 =	vadd.f32 $-1.000000000e+00, v30;
	v18 =	vor.u32 $0x3F800000, v18;
	v13 =	vsub.f32 $1.500000000e+00, v13  }
0x2d8: {  	v28 =	vadd.f32 v28, v28;
	v24 =	vmul.f32 v15, v32;
	v25 =	vadd.f32 v37, v29;
	v29 =	vpop (erf)  }
0x2d9: {  	v13 =	vmul.f32 v13, v16;
	v16 =	vadd.f32 $1.000000000e+00, v18;
	v29 =	vmul.f32 v29, v23  }
0x2da: {  	v21 =	vadd.s32 $0xFFFFFF81, v21;
	v23 =	vmul.f32 v24, v15;
	v24 =	vsub.f32 v25, v28  }
0x2db: {  	v13 =	vmul.f32 v13, v20;
	v25 =	vmul.f32 v29, v29;
	v20 =	vshra.s32 v22, $0x17;
	v22 =	vpop (erf)  }
0x2dc: {  	v30 =	vsub.f32 $1.500000000e+00, v23;
	v22 =	vmul.f32 v22, v24;
	(erf) = vrcp.f32 v16  }
0x2dd: {  	v16 =	vadd.f32 $-1.000000000e+00, v33;
	v28 =	vmax.f32 v13, $1.000000000e-15;
	v13 =	vmul.f32 $2.222222240e-01, v25  }
0x2de: {  	v15 =	vmul.f32 v30, v15;
	v24 =	vadd.f32 v28, v28;
	v22 =	vmax.f32 v22, $9.999999740e-06;
	v23 =	vpop (erf)  }
0x2df: {  	v13 =	vadd.f32 $2.857142980e-01, v13;
	v30 =	vand.u32 $0x7FFFFF, v22;
	v31 =	vmul.f32 v23, v16  }
0x2e0: {  	v15 =	vmul.f32 v15, v19;
	v23 =	vmul.f32 $1.442695020e+00, v24;
	v24 =	vor.u32 $0x3F800000, v30  }
0x2e1: {  	v13 =	vmul.f32 v13, v25;
	v19 =	vadd.f32 $1.000000000e+00, v24;
	v30 =	vmul.f32 v31, v31  }
0x2e2: {  	v14 =	vmul.f32 v14, v8;
	v16 =	vmax.f32 v15, $1.000000000e-15;
	(erf) = vpow2.f32 v23  }
0x2e3: {  	v32 =	vadd.f32 v16, v16;
	v13 =	vadd.f32 $4.000000060e-01, v13;
	(erf) = vrcp.f32 v19  }
0x2e4: {  	v14 =	vadd.f32 $4.000000060e-01, v14;
	v15 =	vcvt.s32.f32 v21;
	v19 =	vmul.f32 $2.222222240e-01, v30  }
0x2e5: {  	v18 =	vadd.f32 $-1.000000000e+00, v18;
	v22 =	vshra.s32 v22, $0x17;
	v21 =	vmul.f32 $1.442695020e+00, v32;
	v23 =	vpop (erf)  }
0x2e6: {  	v14 =	vmul.f32 v14, v8;
	v32 =	vmul.f32 v13, v25;
	v33 =	vadd.f32 $2.857142980e-01, v19  }
0x2e7: {  	v19 =	vadd.s32 $0xFFFFFF81, v22;
	(erf) = vpow2.f32 v21;
	v21 =	vcvt.s32.f32 v27  }
0x2e8: {  	v13 =	vmul.f32 v23, v18;
	v22 =	vadd.f32 $6.666666860e-01, v32;
	v27 =	vadd.f32 $6.666666860e-01, v14  }
0x2e9: {  	v20 =	vadd.s32 $0xFFFFFF81, v20;
	v23 =	vmul.f32 v33, v30;
	v21 =	vmul.f32 $6.931471820e-01, v21  }
0x2ea: {  	v9 =	vadd.f32 $2.000000000e+00, v9;
	v18 =	vmul.f32 v13, v13;
	v8 =	vmul.f32 v27, v8  }
0x2eb: {  	v24 =	vadd.f32 $-1.000000000e+00, v24;
	v22 =	vmul.f32 v22, v25;
	v23 =	vadd.f32 $4.000000060e-01, v23;
	v14 =	vpop (erf)  }
0x2ec: {  	v25 =	vmul.f32 $2.222222240e-01, v18;
	v8 =	vadd.f32 $2.000000000e+00, v8;
	v14 =	vadd.f32 $1.000000000e+00, v14;
	v27 =	vpop (erf)  }
0x2ed: {  	v22 =	vadd.f32 $2.000000000e+00, v22;
	v24 =	vmul.f32 v27, v24;
	v27 =	vmul.f32 v23, v30  }
0x2ee: {  	(erf) = vrcp.f32 v14;
	v14 =	vadd.f32 $2.857142980e-01, v25;
	v25 =	vmul.f32 v8, v7  }
0x2ef: {  	v22 =	vmul.f32 v22, v29;
	v23 =	vld [tilespmem:s26+$0x0];
	v8 =	vmul.f32 v24, v24;
	v27 =	vadd.f32 $6.666666860e-01, v27;
	v7 =	vmovc v24  }
.Ltmp7:
0x2f0: {  	v9 =	vmul.f32 v9, v6;
	s1 =	sand.u32 $0x70, s0;
	v29 =	vpop (erf);
	v14 =	vmul.f32 v14, v18;
	v24 =	vadd.f32 v25, v26;
	(pc) =	sbr.rel @p0 .LBB2_14-.Ltmp7, $4  }
0x2f1: {  	s1 =	sor.u32 s1, s25;
	v6 =	vmovc v31;
	v21 =	vadd.f32 v22, v21;
	v25 =	vadd.f32 $1.000000000e+00, v29;
	v26 =	vmul.f32 $2.222222240e-01, v8  }
0x2f2: {  	v29 =	vadd.f32 v9, v17;
	v22 =	vld [tilespmem:s1+$0x0];
	(erf) = vrcp.f32 v28;
	v28 =	vadd.f32 $4.000000060e-01, v14  }
0x2f3: {  	v9 =	vmul.f32 v27, v30;
	(erf) = vrcp.f32 v25;
	v14 =	vadd.f32 $2.857142980e-01, v26  }
0x2f4: {  	s15 =	sadd.s32 $0x80, s15;
	v25 =	vmul.f32 $1.000000010e-01, v29;
	vm2 =	vne.s32 v23, $0xFF;
	v17 =	vmul.f32 v28, v18  }
0x2f5: {  	_ =	sdelay $0x1  }
0x2f6: {  	v26 =	vpop (erf)  }
0x2f7: {  	v26 =	vadd.f32 v26, v26;
	_ =	sdelay $0x1  }
0x2f8: {  	v26 =	vsub.f32 $1.000000000e+00, v26  }
0x2f9: {  	v27 =	vpop (erf)  }
0x2fa: {  	v28 =	vmul.f32 v26, v26;
	v29 =	vpop (erf)  }
0x2fb: {  	v29 =	vadd.f32 v29, v29  }
0x2fc: {  	(erf) = vrcp.f32 v16;
	v50 =	vsub.f32 $1.000000000e+00, v28  }
0x2fd: {  	v29 =	vsub.f32 $1.000000000e+00, v29  }
0x2fe: {  	v16 =	vmax.f32 v50, $9.999999740e-06  }
0x2ff: {  	v30 =	vand.u32 $0x7FFFFF, v16;
	v31 =	vmul.f32 v29, v29  }
0x300: {  	v32 =	vld [tilespmem:s24+$0x12E80];
	v30 =	vor.u32 $0x3F800000, v30  }
0x301: {  	v33 =	vadd.f32 $1.000000000e+00, v30;
	v34 =	vsub.f32 $1.000000000e+00, v31  }
0x302: {  	v12 =	vld.idx.msk [tilespmem:v12+s5+$0x0], $0xffff;
	(erf) = vrcp.f32 v16  }
0x303: {  	v51 =	vld [tilespmem:s24+$0x12E90];
	v26 =	vmul.f32 v26, v27;
	(erf) = vrcp.f32 v33;
	v52 =	vmax.f32 v34, $9.999999740e-06  }
0x304: {  	(erf) = vrcp.f32 v52  }
0x305: {  	v11 =	vld.idx.msk [tilespmem:v11+s5+$0x0], $0xffff;
	v26 =	vmul.f32 v26, v32;
	v53 =	vpop (erf)  }
0x306: {  	v29 =	vmul.f32 v29, v53  }
0x307: {  	v12 =	vadd.f32 v28, v12;
	v26 =	vadd.f32 v26, v26  }
0x308: {  	v27 =	vmul.f32 v29, v51  }
0x309: {  	v12 =	vsub.f32 v12, v26  }
0x30a: {  	v11 =	vadd.f32 v31, v11;
	v54 =	vadd.f32 v27, v27  }
0x30b: {  	vm3 =	vne.s32 v23, $0xFFFFFFFF;
	v3 =	vadd.f32 v10, v3;
	v35 =	vcvt.s32.f32 v19;
	v55 =	vpop (erf)  }
0x30c: {  	v14 =	vmul.f32 v14, v8;
	v11 =	vsub.f32 v11, v54;
	v12 =	vmul.f32 v55, v12;
	v56 =	vpop (erf)  }
0x30d: {  	v36 =	vcvt.s32.f32 v20;
	vm4 =	vmmov vm1;
	v15 =	vmul.f32 $6.931471820e-01, v15;
	v57 =	vpop (erf)  }
0x30e: {  	v58 =	vand.u32 $0x7FFFFF, v52;
	v12 =	vmax.f32 v12, $9.999999740e-06;
	v10 =	vmul.f32 v57, v11  }
0x30f: {  	v37 =	vmul.f32 $1.000000010e-01, v21;
	v59 =	vor.u32 $0x3F800000, v58;
	v60 =	vand.u32 $0x7FFFFF, v12  }
0x310: {  	v62 =	vadd.f32 $1.000000000e+00, v59;
	v23 =	vor.u32 $0x3F800000, v60;
	v10 =	vmax.f32 v10, $9.999999740e-06  }
0x311: {  	v61 =	vadd.f32 $-1.000000000e+00, v30;
	v63 =	vadd.f32 $1.000000000e+00, v23;
	v30 =	vand.u32 $0x7FFFFF, v10  }
0x312: {  	v24 =	vsub.f32 v24, v25;
	(erf) = vrcp.f32 v62;
	v25 =	vor.u32 $0x3F800000, v30  }
0x313: {  	v41 =	vsel vm0, $0x3F800000, v2;
	(erf) = vrcp.f32 v63;
	v32 =	vadd.f32 $1.000000000e+00, v25  }
0x314: {  	v9 =	vadd.f32 $2.000000000e+00, v9;
	v17 =	vadd.f32 $6.666666860e-01, v17;
	vm2 =	vmand vm2, vm3  }
0x315: {  	v48 =	vsel vm4, $0x3F800000, v2;
	v14 =	vadd.f32 $4.000000060e-01, v14;
	(erf) = vrcp.f32 v32  }
0x316: {  	vm13 =	vne.s32 v22, $0xFF;
	v19 =	vmul.f32 $6.931471820e-01, v36;
	v6 =	vmul.f32 v9, v6  }
0x317: {  	vm14 =	vne.s32 v22, $0xFFFFFFFF;
	v17 =	vmul.f32 v17, v18;
	v14 =	vmul.f32 v14, v8  }
0x318: {  	vm15 =	vmmov vm2;
	v5 =	vmul.f32 v5, v24;
	v6 =	vadd.f32 v6, v19  }
0x319: {  	v18 =	vmul.f32 $6.931471820e-01, v35;
	v17 =	vadd.f32 $2.000000000e+00, v17;
	v14 =	vadd.f32 $6.666666860e-01, v14  }
0x31a: {  	v6 =	vmul.f32 $1.000000010e-01, v6;
	v24 =	vmul.f32 v56, v61;
	v11 =	vadd.f32 $-1.000000000e+00, v59  }
0x31b: {  	v13 =	vmul.f32 v17, v13;
	v43 =	vmul.f32 v14, v8;
	v39 =	vadd.f32 $-1.000000000e+00, v23;
	v38 =	vpop (erf)  }
0x31c: {  	v3 =	vadd.f32 v5, v3;
	v31 =	vmul.f32 v24, v24;
	v11 =	vmul.f32 v38, v11;
	v40 =	vpop (erf)  }
0x31d: {  	v13 =	vadd.f32 v13, v15;
	v44 =	vadd.f32 $-1.000000000e+00, v25;
	v17 =	vmul.f32 v40, v39  }
0x31e: {  	v8 =	vadd.f32 $2.000000000e+00, v43;
	v34 =	vmul.f32 $2.222222240e-01, v31;
	v42 =	vmul.f32 v11, v11;
	v46 =	vpop (erf)  }
0x31f: {  	v13 =	vsub.f32 v13, v37;
	v45 =	vmul.f32 v17, v17;
	v14 =	vmul.f32 v46, v44  }
0x320: {  	v7 =	vmul.f32 v8, v7;
	v5 =	vadd.f32 $2.857142980e-01, v34;
	v47 =	vmul.f32 $2.222222240e-01, v42  }
0x321: {  	v16 =	vshra.s32 v16, $0x17;
	v49 =	vmul.f32 $2.222222240e-01, v45;
	v50 =	vmul.f32 v14, v14  }
0x322: {  	v13 =	vmul.f32 v48, v13;
	v16 =	vadd.s32 $0xFFFFFF81, v16;
	v5 =	vmul.f32 v5, v31  }
0x323: {  	v22 =	vadd.f32 $2.857142980e-01, v47;
	v25 =	vadd.f32 $2.857142980e-01, v49;
	v51 =	vmul.f32 $2.222222240e-01, v50  }
0x324: {  	v16 =	vcvt.s32.f32 v16;
	v7 =	vadd.f32 v7, v18;
	v5 =	vadd.f32 $4.000000060e-01, v5  }
0x325: {  	v22 =	vmul.f32 v22, v42;
	v25 =	vmul.f32 v25, v45;
	v9 =	vadd.f32 $2.857142980e-01, v51  }
0x326: {  	v16 =	vmul.f32 $6.931471820e-01, v16;
	v52 =	vshra.s32 v52, $0x17;
	v5 =	vmul.f32 v5, v31  }
0x327: {  	v22 =	vadd.f32 $4.000000060e-01, v22;
	v25 =	vadd.f32 $4.000000060e-01, v25;
	v9 =	vmul.f32 v9, v50  }
0x328: {  	v26 =	vadd.s32 $0xFFFFFF81, v52;
	v12 =	vshra.s32 v12, $0x17;
	v5 =	vadd.f32 $6.666666860e-01, v5  }
0x329: {  	v22 =	vmul.f32 v22, v42;
	v25 =	vmul.f32 v25, v45;
	v9 =	vadd.f32 $4.000000060e-01, v9  }
0x32a: {  	v54 =	vcvt.s32.f32 v26;
	v12 =	vadd.s32 $0xFFFFFF81, v12;
	v5 =	vmul.f32 v5, v31  }
0x32b: {  	v22 =	vadd.f32 $6.666666860e-01, v22;
	v25 =	vadd.f32 $6.666666860e-01, v25;
	v9 =	vmul.f32 v9, v50  }
0x32c: {  	v56 =	vmul.f32 $6.931471820e-01, v54;
	v10 =	vshra.s32 v10, $0x17;
	v5 =	vadd.f32 $2.000000000e+00, v5  }
0x32d: {  	v53 =	vmul.f32 v22, v42;
	v15 =	vmul.f32 v25, v45;
	v9 =	vadd.f32 $6.666666860e-01, v9  }
0x32e: {  	v12 =	vcvt.s32.f32 v12;
	v10 =	vadd.s32 $0xFFFFFF81, v10;
	v5 =	vmul.f32 v5, v24  }
0x32f: {  	v55 =	vadd.f32 $2.000000000e+00, v53;
	v15 =	vadd.f32 $2.000000000e+00, v15;
	v8 =	vmul.f32 v9, v50  }
0x330: {  	v12 =	vmul.f32 $6.931471820e-01, v12;
	v10 =	vcvt.s32.f32 v10;
	v5 =	vadd.f32 v5, v16  }
0x331: {  	v15 =	vmul.f32 v15, v17;
	v9 =	vmul.f32 v55, v11;
	v8 =	vadd.f32 $2.000000000e+00, v8  }
0x332: {  	v6 =	vsub.f32 v7, v6;
	v10 =	vmul.f32 $6.931471820e-01, v10;
	v5 =	vmul.f32 $1.000000010e-01, v5  }
0x333: {  	v57 =	vadd.f32 v15, v12;
	v9 =	vadd.f32 v9, v56;
	v8 =	vmul.f32 v8, v14  }
0x334: {  	v4 =	vadd.f32 v48, v4;
	v3 =	vadd.f32 v13, v3;
	v6 =	vmul.f32 v41, v6  }
0x335: {  	v5 =	vsub.f32 v57, v5;
	v59 =	vmul.f32 $1.000000010e-01, v9;
	v58 =	vadd.f32 v8, v10  }
0x336: {  	vm1 =	vmand vm13, vm14;
	v4 =	vadd.f32 v41, v4;
	v60 =	vsel vm15, $0x3F800000, v2  }
0x337: {  	v3 =	vadd.f32 v6, v3;
	v5 =	vmul.f32 v60, v5;
	v61 =	vsub.f32 v58, v59  }
0x338: {  	v62 =	vsel vm1, $0x3F800000, v2;
	v4 =	vadd.f32 v60, v4  }
0x339: {  	v3 =	vadd.f32 v5, v3;
	v63 =	vmul.f32 v62, v61  }
0x33a: {  	v4 =	vadd.f32 v62, v4  }
0x33b: {  	v3 =	vadd.f32 v63, v3  }
0x33c: {  	[tilespmem:$0x13700] =	vst v4  }
0x33d: {  	s0 =	rddreg [dreg:$0x11];
	s1 =	simm.s32 $0x13680;
	s2 =	simm.s32 $0x2;
	[tilespmem:$0x13680] =	vst v3  }
0x33e: {  	[hbm4b:s0+s9] =	stream.linear.scatter [tilespmem:s1], [sflag:$0x2], $0x100, $0x38;
	[tilespmem:$0x13780] =	vst v63  }
0x33f: {  	_ =	swait.ge [sflag:s2], $0x100  }
0x340: {  	s30 =	rddreg [dreg:$0x13]  }
0x341: {  	s31 =	rddreg [dreg:$0x12];
	s1 =	sadd.s32 $0x1, s30  }
0x342: {  	p0 =	sne.s32 s1, s31  }
.Ltmp8:
0x343: {  	_ = 	snop;
	(pc) =	sbr.rel @p0 .LBB2_1-.Ltmp8, $3  }
0x344: {  	_ =	sdelay $0x1  }
0x345: {  	[sflag:s2] =	ssyncset.done $0x0  }
0x346: {  	[sflag:s2] =	ssyncadd.s32 $0xFFFFFF00  }
0x347: {  	_ =	sfence.sel $0x180000  }
0x348: {  	[bflag:$0x0] =	sbarrier.arrive $0xFFFF  }
0x349: {  	_ =	strace $0x90000047  }
0x34a: {  	s0 =	stileid.u32;
	[bflag:$0x2] =	sbarrier.arrive $0xFFFF  }
0x34b: {  	p0 =	sne.s32 s0, $0x0;
	s0 =	rddreg [dreg:$0x3]  }
0x34c: {  	s0 =	sadd.s32 @!p0 $0x100000, s0  }
0x34d: {  	[sflag:s0] =	ssyncadd.tile.s32 @!p0 $0x1;
	_ =	shalt  }
.Lfunc_end2:
_tile_overlayer_lowered:
.L_overlay_start_2:
0x34e: {  	(tag) =	ssettag $0x2  }
0x34f: {  	s0 =	rddreg [dreg:$0x0];
	s2 =	stileid.u32  }
0x350: {  	s1 =	rddreg [dreg:$0x1];
	p0 =	sne.s32 s2, $0x0  }
0x351: {  	s3 =	rddreg [dreg:$0x2];
	[bflag:$0x3] =	sbarrier.arrive $0xFFFF;
	s2 =	simm.s32 @!p0 $0x1C02  }
0x352: {  	[timem:s3], [sflag:s2] =	dma.local @!p0 [hbm:s0], s1  }
0x353: {  	s0 =	simm.s32 @!p0 $0x2  }
0x354: {  	_ =	swait.ge @!p0 [sflag:s0], s1  }
0x355: {  	s1 =	ssub.s32 @!p0 $0x0, s1;
	[sflag:s0] =	ssyncset.done @!p0 $0x0  }
0x356: {  	[sflag:s0] =	ssyncadd.s32 @!p0 s1  }
0x357: {  	[bflag:$0x3] =	sbarrier.arrive $0xFFFF  }
0x358: {  	_ =	shalt  }

</sc_bundles>
